<compile_context>
chip_gen: v7x
topology: tpu7x:2x2x1
jax: 0.10.2.dev20260603
libtpu: 0.0.44.dev20260713+nightly
codegen_flags: <defaults>
</compile_context>

<pallas_src>
import functools

import jax
import jax.numpy as jnp
from jax import lax
from jax.experimental import pallas as pl
from jax.experimental.pallas import tpu as pltpu
from jax.experimental.pallas import tpu_sc as plsc

_NC = 2
_NS = 16
_NW = _NC * _NS
_CHUNK = 128
_BR = 1024


def _tc_degree(dst_row, d):
    e = dst_row.shape[1]
    bl = 2560
    grid = e // bl
    shift = d.bit_length() - 1

    def body(dstr_ref, out_ref, acc_scr):
        i = pl.program_id(0)

        @pl.when(i == 0)
        def _init():
            acc_scr[...] = jnp.zeros_like(acc_scr)

        dbr = dstr_ref[...]
        sub_iota = lax.broadcasted_iota(jnp.int32, (d, 1), 0)
        ohu_t = ((dbr & (d - 1)) == sub_iota).astype(jnp.bfloat16)
        ohv_t = (lax.shift_right_logical(dbr, shift) == sub_iota
                 ).astype(jnp.bfloat16)
        dn = (((1,), (1,)), ((), ()))
        acc_scr[...] += lax.dot_general(ohu_t, ohv_t, dn,
                                        preferred_element_type=jnp.float32)

        @pl.when(i == grid - 1)
        def _fin():
            out_ref[...] = acc_scr[...]

    return pl.pallas_call(
        body,
        grid=(grid,),
        in_specs=[pl.BlockSpec((1, bl), lambda i: (0, i))],
        out_specs=pl.BlockSpec((d, d), lambda i: (0, 0)),
        out_shape=jax.ShapeDtypeStruct((d, d), jnp.float32),
        scratch_shapes=[pltpu.VMEM((d, d), jnp.float32)],
    )(dst_row)


def _sc_edge_pass(xp, src2, dst2, npad, d, k0, k1):
    chunk = src2.shape[2]
    kmax = max(k0, k1)
    rps = npad // _NS
    mesh = plsc.VectorSubcoreMesh(core_axis_name="c", subcore_axis_name="s")

    @functools.partial(
        pl.kernel,
        mesh=mesh,
        out_type=jax.ShapeDtypeStruct((_NC, npad, d), jnp.float32),
        scratch_types=[
            pltpu.VMEM((2, 1, chunk), jnp.int32),
            pltpu.VMEM((kmax, 1, chunk), jnp.int32),
            pltpu.VMEM((2, chunk, d), jnp.float32),
            pltpu.VMEM_SHARED((npad, d), jnp.float32),
            pltpu.SemaphoreType.DMA((2,)),
            pltpu.SemaphoreType.DMA((2,)),
            pltpu.SemaphoreType.DMA((2,)),
        ],
    )
    def edge_kernel(xp_hbm, src_hbm, dst_hbm, out_hbm,
                    sidx_v, dst_v, rows_v, acc_sh, sem_g, sem_s, sem_w):
        cid = lax.axis_index("c")
        sid = lax.axis_index("s")
        kc = jnp.where(cid == 0, jnp.int32(k0), jnp.int32(k1))
        off = jnp.where(cid == 0, sid * k0, _NS * k0 + sid * k1)
        base = sid * rps

        z16 = jnp.zeros((16,), jnp.float32)

        def zrow(r, c):
            for l in range(d // 16):
                rows_v[0, r, pl.ds(l * 16, 16)] = z16
            return c

        lax.fori_loop(0, chunk, zrow, 0)

        def zcp(t, c):
            pltpu.sync_copy(rows_v.at[0],
                            acc_sh.at[pl.ds(base + t * chunk, chunk)])
            return c

        lax.fori_loop(0, rps // chunk, zcp, 0)
        pltpu.sync_copy(dst_hbm.at[pl.ds(off, kmax)], dst_v)
        plsc.subcore_barrier()

        pltpu.sync_copy(src_hbm.at[off], sidx_v.at[0])
        pltpu.async_copy(xp_hbm.at[sidx_v.at[0, 0]], rows_v.at[0], sem_g.at[0])
        pltpu.async_copy(src_hbm.at[off + 1], sidx_v.at[1], sem_s.at[1])

        def body(j, c):
            p = lax.rem(j, 2)
            q = lax.rem(j + 1, 2)

            @pl.when(j + 1 < kc)
            def _next_gather():
                @pl.when(j >= 1)
                def _drain_prev_scatter():
                    pltpu.make_async_copy(
                        rows_v.at[q], acc_sh.at[dst_v.at[j - 1, 0]],
                        sem_w.at[q]).wait()

                pltpu.make_async_copy(src_hbm.at[off + j + 1], sidx_v.at[q],
                                      sem_s.at[q]).wait()
                pltpu.async_copy(xp_hbm.at[sidx_v.at[q, 0]], rows_v.at[q],
                                 sem_g.at[q])

            pltpu.make_async_copy(xp_hbm.at[sidx_v.at[p, 0]], rows_v.at[p],
                                  sem_g.at[p]).wait()

            @pl.when(j + 2 < kc)
            def _next_sidx():
                pltpu.async_copy(src_hbm.at[off + j + 2], sidx_v.at[p],
                                 sem_s.at[p])

            pltpu.async_copy(rows_v.at[p], acc_sh.at[dst_v.at[j, 0]],
                             sem_w.at[p], add=True)
            return c

        lax.fori_loop(0, kc, body, 0)
        pltpu.make_async_copy(rows_v.at[lax.rem(kc, 2)],
                              acc_sh.at[dst_v.at[kc - 2, 0]],
                              sem_w.at[lax.rem(kc, 2)]).wait()
        pltpu.make_async_copy(rows_v.at[lax.rem(kc + 1, 2)],
                              acc_sh.at[dst_v.at[kc - 1, 0]],
                              sem_w.at[lax.rem(kc + 1, 2)]).wait()
        plsc.subcore_barrier()
        pltpu.sync_copy(acc_sh.at[pl.ds(base, rps)],
                        out_hbm.at[cid, pl.ds(base, rps)])

    return edge_kernel(xp, src2, dst2)


def _tc_scale(degcol, xpad, npad, d):
    grid = npad // _BR

    def body(deg_ref, x_ref, xp_ref, dinv_ref):
        dinv = 1.0 / jnp.sqrt(deg_ref[...] + 1.0)
        dinv_ref[...] = dinv
        xp_ref[...] = x_ref[...] * dinv

    return pl.pallas_call(
        body,
        grid=(grid,),
        in_specs=[
            pl.BlockSpec((_BR, 1), lambda i: (i, 0)),
            pl.BlockSpec((_BR, d), lambda i: (i, 0)),
        ],
        out_specs=[
            pl.BlockSpec((_BR, d), lambda i: (i, 0)),
            pl.BlockSpec((_BR, 1), lambda i: (i, 0)),
        ],
        out_shape=[
            jax.ShapeDtypeStruct((npad, d), jnp.float32),
            jax.ShapeDtypeStruct((npad, 1), jnp.float32),
        ],
    )(degcol, xpad)


def _elu(z):
    return jnp.where(z > 0, z, jnp.exp(z) - 1.0)


def _tc_conv_tail(acc2, xp, dinv, xres, w, b, g, be, n, npad, d):
    grid = npad // _BR

    def body(acc_ref, xp_ref, dinv_ref, x_ref, w_ref, b_ref, g_ref, be_ref,
             h_ref, xp2_ref):
        i = pl.program_id(0)
        s = acc_ref[0] + acc_ref[1] + xp_ref[...]
        agg = s * dinv_ref[...]
        pre = jnp.dot(agg, w_ref[...], preferred_element_type=jnp.float32,
                      precision=lax.Precision.HIGHEST) + b_ref[...]
        m = jnp.mean(pre, axis=-1, keepdims=True)
        v = jnp.mean((pre - m) ** 2, axis=-1, keepdims=True)
        ln = (pre - m) / jnp.sqrt(v + 1e-5) * g_ref[...] + be_ref[...]
        h = _elu(ln) + x_ref[...]
        h_ref[...] = h
        rows = i * _BR + lax.broadcasted_iota(jnp.int32, (_BR, 1), 0)
        mask = (rows < n).astype(jnp.float32)
        xp2_ref[...] = h * dinv_ref[...] * mask

    return pl.pallas_call(
        body,
        grid=(grid,),
        in_specs=[
            pl.BlockSpec((_NC, _BR, d), lambda i: (0, i, 0)),
            pl.BlockSpec((_BR, d), lambda i: (i, 0)),
            pl.BlockSpec((_BR, 1), lambda i: (i, 0)),
            pl.BlockSpec((_BR, d), lambda i: (i, 0)),
            pl.BlockSpec((d, d), lambda i: (0, 0)),
            pl.BlockSpec((1, d), lambda i: (0, 0)),
            pl.BlockSpec((1, d), lambda i: (0, 0)),
            pl.BlockSpec((1, d), lambda i: (0, 0)),
        ],
        out_specs=[
            pl.BlockSpec((_BR, d), lambda i: (i, 0)),
            pl.BlockSpec((_BR, d), lambda i: (i, 0)),
        ],
        out_shape=[
            jax.ShapeDtypeStruct((npad, d), jnp.float32),
            jax.ShapeDtypeStruct((npad, d), jnp.float32),
        ],
    )(acc2, xp, dinv, xres, w, b, g, be)


def _tc_final(acc2, xp2, dinv, hres, batch2d, w, b, g, be,
              wb, bb, wd1, bd1, wd2, bd2, n, npad, d, ngr, h2dim, p):
    grid = npad // _BR

    def body(acc_ref, xp_ref, dinv_ref, h_ref, bt_ref, w_ref, b_ref, g_ref,
             be_ref, wb_ref, bb_ref, wd1_ref, bd1_ref, wd2_ref, bd2_ref,
             bnd_ref, dom_ref, pool_scr, cnt_scr):
        i = pl.program_id(0)
        s = acc_ref[0] + acc_ref[1] + xp_ref[...]
        agg = s * dinv_ref[...]
        pre = jnp.dot(agg, w_ref[...], preferred_element_type=jnp.float32,
                      precision=lax.Precision.HIGHEST) + b_ref[...]
        m = jnp.mean(pre, axis=-1, keepdims=True)
        v = jnp.mean((pre - m) ** 2, axis=-1, keepdims=True)
        ln = (pre - m) / jnp.sqrt(v + 1e-5) * g_ref[...] + be_ref[...]
        h2 = _elu(ln) + h_ref[...]

        bnd_ref[...] = jnp.dot(h2, wb_ref[...],
                               preferred_element_type=jnp.float32,
                               precision=lax.Precision.HIGHEST) + bb_ref[...]

        @pl.when(i == 0)
        def _init():
            pool_scr[...] = jnp.zeros_like(pool_scr)
            cnt_scr[...] = jnp.zeros_like(cnt_scr)

        oh = (bt_ref[...] == lax.broadcasted_iota(jnp.int32, (1, ngr), 1)
              ).astype(jnp.float32)
        dn = (((0,), (0,)), ((), ()))
        pool_scr[...] += lax.dot_general(oh, h2, dn,
                                         preferred_element_type=jnp.float32,
                                         precision=lax.Precision.HIGHEST)
        cnt_scr[...] += lax.dot_general(oh, jnp.ones_like(h2), dn,
                                        preferred_element_type=jnp.float32,
                                        precision=lax.Precision.HIGHEST)

        @pl.when(i == grid - 1)
        def _fin():
            mean = pool_scr[...] / jnp.maximum(cnt_scr[...], 1.0)
            d1 = _elu(jnp.dot(mean, wd1_ref[...],
                              preferred_element_type=jnp.float32,
                              precision=lax.Precision.HIGHEST) + bd1_ref[...])
            dom_ref[...] = jnp.dot(d1, wd2_ref[...],
                                   preferred_element_type=jnp.float32,
                                   precision=lax.Precision.HIGHEST) + bd2_ref[...]

    return pl.pallas_call(
        body,
        grid=(grid,),
        in_specs=[
            pl.BlockSpec((_NC, _BR, d), lambda i: (0, i, 0)),
            pl.BlockSpec((_BR, d), lambda i: (i, 0)),
            pl.BlockSpec((_BR, 1), lambda i: (i, 0)),
            pl.BlockSpec((_BR, d), lambda i: (i, 0)),
            pl.BlockSpec((_BR, 1), lambda i: (i, 0)),
            pl.BlockSpec((d, d), lambda i: (0, 0)),
            pl.BlockSpec((1, d), lambda i: (0, 0)),
            pl.BlockSpec((1, d), lambda i: (0, 0)),
            pl.BlockSpec((1, d), lambda i: (0, 0)),
            pl.BlockSpec((d, 1), lambda i: (0, 0)),
            pl.BlockSpec((1, 1), lambda i: (0, 0)),
            pl.BlockSpec((d, h2dim), lambda i: (0, 0)),
            pl.BlockSpec((1, h2dim), lambda i: (0, 0)),
            pl.BlockSpec((h2dim, p), lambda i: (0, 0)),
            pl.BlockSpec((1, p), lambda i: (0, 0)),
        ],
        out_specs=[
            pl.BlockSpec((_BR, 1), lambda i: (i, 0)),
            pl.BlockSpec((ngr, p), lambda i: (0, 0)),
        ],
        out_shape=[
            jax.ShapeDtypeStruct((npad, 1), jnp.float32),
            jax.ShapeDtypeStruct((ngr, p), jnp.float32),
        ],
        scratch_shapes=[
            pltpu.VMEM((ngr, d), jnp.float32),
            pltpu.VMEM((ngr, d), jnp.float32),
        ],
    )(acc2, xp2, dinv, hres, batch2d, w, b, g, be,
      wb, bb, wd1, bd1, wd2, bd2)


def kernel(x, edge_index, batch, Wc1, bc1, g1, be1, Wc2, bc2, g2, be2,
           Wb, bb, Wd1, bd1, Wd2, bd2):
    n, d = x.shape
    e = edge_index.shape[1]
    ngr = 16
    h2dim = Wd1.shape[1]
    p = Wd2.shape[1]

    npad = -(-n // 2048) * 2048
    dummy = npad - 1

    f0 = 0.63
    c_total = -(-e // _CHUNK)
    k0 = max(2, -(-int(c_total * f0) // _NS))
    k1 = max(2, -(-(c_total - _NS * k0) // _NS))
    rows = _NS * (k0 + k1) + abs(k0 - k1)
    rows = -(-rows // 20) * 20

    src = edge_index[0].astype(jnp.int32)
    dst = edge_index[1].astype(jnp.int32)
    padi = jnp.full((rows * _CHUNK - e,), dummy, jnp.int32)
    src2 = jnp.concatenate([src, padi]).reshape(rows, 1, _CHUNK)
    dst2 = jnp.concatenate([dst, padi]).reshape(rows, 1, _CHUNK)

    xpad = jnp.pad(x, ((0, npad - n), (0, 0)))
    batch2d = jnp.pad(batch.astype(jnp.int32), (0, npad - n),
                      constant_values=ngr).reshape(npad, 1)

    degmat = _tc_degree(dst2.reshape(1, rows * _CHUNK), d)
    degcol = degmat.T.reshape(d * d, 1)[:npad]
    xp1, dinv = _tc_scale(degcol, xpad, npad, d)

    acc1 = _sc_edge_pass(xp1, src2, dst2, npad, d, k0, k1)
    h, xp2 = _tc_conv_tail(acc1, xp1, dinv, xpad, Wc1,
                           bc1.reshape(1, d), g1.reshape(1, d),
                           be1.reshape(1, d), n, npad, d)

    acc2 = _sc_edge_pass(xp2, src2, dst2, npad, d, k0, k1)
    bnd, dom = _tc_final(acc2, xp2, dinv, h, batch2d, Wc2,
                         bc2.reshape(1, d), g2.reshape(1, d),
                         be2.reshape(1, d), Wb, bb.reshape(1, 1),
                         Wd1, bd1.reshape(1, h2dim), Wd2, bd2.reshape(1, p),
                         n, npad, d, ngr, h2dim, p)

    return bnd[:n, 0], dom

# --- scband reference (transcript-rebuilt; emitter-appended) ---
"""Pipeline reference for scband-domain-adversarial-model-1967095021743 (READ-ONLY COPY).

The authoritative reference and input builder live on the scoring server;
editing this copy changes nothing except your own understanding.
"""

import jax, jax.numpy as jnp
import numpy as np

LAMBDA = 1.0

def _layernorm(x, g, b):
    m = jnp.mean(x, axis=-1, keepdims=True)
    v = jnp.var(x, axis=-1, keepdims=True)
    return (x - m) / jnp.sqrt(v + 1e-5) * g + b

def _gcn_conv(x, src, dst, W, b):
    n = x.shape[0]
    loop = jnp.arange(n, dtype=src.dtype)
    s = jnp.concatenate([src, loop])
    d = jnp.concatenate([dst, loop])
    deg = jax.ops.segment_sum(jnp.ones(s.shape[0], jnp.float32), d, num_segments=n)
    dinv = 1.0 / jnp.sqrt(jnp.maximum(deg, 1.0))
    norm = dinv[s] * dinv[d]
    msg = x[s] * norm[:, None]
    agg = jax.ops.segment_sum(msg, d, num_segments=n)
    return agg @ W + b

@jax.custom_vjp
def _grl(x):
    return x

def _grl_fwd(x):
    return x, None

def _grl_bwd(res, g):
    return (-LAMBDA * g,)

_grl.defvjp(_grl_fwd, _grl_bwd)

def setup_inputs(seed: int = 0) -> dict:
    key = jax.random.key(seed)
    ks = jax.random.split(key, 20)
    N, E, D, G, P, H2 = 10000, 320000, 128, 16, 50, 64
    x = jax.random.normal(ks[0], (N, D), jnp.float32)
    edge_index = jax.random.randint(ks[1], (2, E), 0, N).astype(jnp.int64)
    batch = jnp.sort(jnp.concatenate([jnp.arange(G, dtype=jnp.int64), jax.random.randint(ks[2], (N - G,), 0, G).astype(jnp.int64)]))
    s = 1.0 / np.sqrt(D)
    s2 = 1.0 / np.sqrt(H2)
    return {
        'x': x,
        'edge_index': edge_index,
        'batch': batch,
        'Wc1': jax.random.normal(ks[3], (D, D), jnp.float32) * s,
        'bc1': jnp.zeros((D,), jnp.float32),
        'g1': jnp.ones((D,), jnp.float32),
        'be1': jnp.zeros((D,), jnp.float32),
        'Wc2': jax.random.normal(ks[4], (D, D), jnp.float32) * s,
        'bc2': jnp.zeros((D,), jnp.float32),
        'g2': jnp.ones((D,), jnp.float32),
        'be2': jnp.zeros((D,), jnp.float32),
        'Wb': jax.random.normal(ks[5], (D, 1), jnp.float32) * s,
        'bb': jnp.zeros((1,), jnp.float32),
        'Wd1': jax.random.normal(ks[6], (D, H2), jnp.float32) * s,
        'bd1': jnp.zeros((H2,), jnp.float32),
        'Wd2': jax.random.normal(ks[7], (H2, P), jnp.float32) * s2,
        'bd2': jnp.zeros((P,), jnp.float32),
    }

def reference(x, edge_index, batch, Wc1, bc1, g1, be1, Wc2, bc2, g2, be2, Wb, bb, Wd1, bd1, Wd2, bd2):
    src, dst = edge_index[0], edge_index[1]
    # layer 1: conv -> norm -> elu -> (dropout eval noop) -> residual
    h = _gcn_conv(x, src, dst, Wc1, bc1)
    h = _layernorm(h, g1, be1)
    h = jax.nn.elu(h)
    h = h + x
    # layer 2
    h2 = _gcn_conv(h, src, dst, Wc2, bc2)
    h2 = _layernorm(h2, g2, be2)
    h2 = jax.nn.elu(h2)
    h2 = h2 + h
    boundary_logits = (h2 @ Wb + bb).squeeze(-1)
    # mean pool per graph via scatter-add
    n_graphs = 16
    pooled = jax.ops.segment_sum(h2, batch, num_segments=n_graphs)
    counts = jax.ops.segment_sum(jnp.ones((h2.shape[0], 1), jnp.float32), batch, num_segments=n_graphs)
    pooled = pooled / jnp.maximum(counts, 1.0)
    rp = _grl(pooled)
    domain_logits = jax.nn.elu(rp @ Wd1 + bd1) @ Wd2 + bd2
    return (boundary_logits, domain_logits)

if __name__ == "__main__":
    import jax
    _d = setup_inputs()
    print(jax.jit(kernel)(*tuple(_d.values())))

</pallas_src>

<mosaic_0001>
#map = affine_map<(d0, d1) -> (0, 0)>
#map1 = affine_map<(d0, d1) -> (0, 0, 0)>
module attributes {stable_mosaic.version = 14 : i64} {
  func.func @edge_kernel(%arg0: i32, %arg1: i32, %arg2: memref<10240x128xf32, #tpu.memory_space<hbm>>, %arg3: memref<2560x1x128xi32, #tpu.memory_space<hbm>>, %arg4: memref<2560x1x128xi32, #tpu.memory_space<hbm>>, %arg5: memref<2x10240x128xf32, #tpu.memory_space<hbm>>, %arg6: memref<2x1x128xi32, #tpu.memory_space<vmem>>, %arg7: memref<99x1x128xi32, #tpu.memory_space<vmem>>, %arg8: memref<2x128x128xf32, #tpu.memory_space<vmem>>, %arg9: memref<10240x128xf32, #tpu.memory_space<vmem_shared>>, %arg10: memref<2x!tpu.dma_semaphore, #tpu.memory_space<semaphore_mem>>, %arg11: memref<2x!tpu.dma_semaphore, #tpu.memory_space<semaphore_mem>>, %arg12: memref<2x!tpu.dma_semaphore, #tpu.memory_space<semaphore_mem>>) attributes {dimension_semantics = [#tpu.dimension_semantics<core_parallel>, #tpu.dimension_semantics<subcore_parallel>], iteration_bounds = array<i64: 2, 16>, scalar_prefetch = 0 : i64, scratch_operands = 7 : i64, tpu.core_type = #tpu.core_type<sc_vector_subcore>, window_params = [{transform_indices = #map}, {transform_indices = #map1}, {transform_indices = #map1}, {transform_indices = #map1}]} {
    %eq3A = arith.constant 0 : i32
    %eq3A_0 = arith.cmpi eq, %arg0, %eq3A : i32
    %jit3A = arith.constant 99 : i32
    %jit3A_1 = arith.constant 58 : i32
    %select_n3A = arith.select %eq3A_0, %jit3A, %jit3A_1 : i32
    %eq3A_2 = arith.constant 0 : i32
    %eq3A_3 = arith.cmpi eq, %arg0, %eq3A_2 : i32
    %mul3A = arith.constant 99 : i32
    %mul3A_4 = arith.muli %arg1, %mul3A : i32
    %mul3A_5 = arith.constant 58 : i32
    %mul3A_6 = arith.muli %arg1, %mul3A_5 : i32
    %add3A = arith.constant 1584 : i32
    %add3A_7 = arith.addi %add3A, %mul3A_6 : i32
    %select_n3A_8 = arith.select %eq3A_3, %mul3A_4, %add3A_7 : i32
    %mul3A_9 = arith.constant 640 : i32
    %mul3A_10 = arith.muli %arg1, %mul3A_9 : i32
    %broadcast_in_dim3A = arith.constant 0.000000e+00 : f32
    %broadcast_in_dim3A_11 = vector.broadcast %broadcast_in_dim3A : f32 to vector<16xf32>
    %scan3A = arith.constant 0 : i32
    %scan3A_12 = arith.constant 0 : i32
    %scan3A_13 = arith.constant 128 : i32
    %scan3A_14 = arith.addi %scan3A_12, %scan3A_13 : i32
    %scan3A_15 = arith.constant 1 : i32
    scf.for %scan3A_109 = %scan3A_12 to %scan3A_14 step %scan3A_15  : i32 {
      %swap3A = arith.constant 0 : i32
      %swap3A_110 = arith.index_cast %swap3A : i32 to index
      %swap3A_111 = arith.index_cast %scan3A_109 : i32 to index
      %swap3A_112 = arith.constant 0 : index
      %swap3A_113 = tpu.vector_load %arg8[%swap3A_110, %swap3A_111, %swap3A_112] {strides = array<i32>} : memref<2x128x128xf32, #tpu.memory_space<vmem>>, vector<1x1x16xf32>,
      %swap3A_114 = vector.shape_cast %swap3A_113 : vector<1x1x16xf32> to vector<16xf32>
      %swap3A_115 = vector.shape_cast %broadcast_in_dim3A_11 : vector<16xf32> to vector<1x1x16xf32>
      tpu.vector_store %arg8[%swap3A_110, %swap3A_111, %swap3A_112], %swap3A_115 {strides = array<i32>} : memref<2x128x128xf32, #tpu.memory_space<vmem>>, vector<1x1x16xf32>,
      %swap3A_116 = arith.constant 0 : i32
      %swap3A_117 = arith.index_cast %swap3A_116 : i32 to index
      %swap3A_118 = arith.index_cast %scan3A_109 : i32 to index
      %swap3A_119 = arith.constant 16 : index
      %swap3A_120 = tpu.vector_load %arg8[%swap3A_117, %swap3A_118, %swap3A_119] {strides = array<i32>} : memref<2x128x128xf32, #tpu.memory_space<vmem>>, vector<1x1x16xf32>,
      %swap3A_121 = vector.shape_cast %swap3A_120 : vector<1x1x16xf32> to vector<16xf32>
      %swap3A_122 = vector.shape_cast %broadcast_in_dim3A_11 : vector<16xf32> to vector<1x1x16xf32>
      tpu.vector_store %arg8[%swap3A_117, %swap3A_118, %swap3A_119], %swap3A_122 {strides = array<i32>} : memref<2x128x128xf32, #tpu.memory_space<vmem>>, vector<1x1x16xf32>,
      %swap3A_123 = arith.constant 0 : i32
      %swap3A_124 = arith.index_cast %swap3A_123 : i32 to index
      %swap3A_125 = arith.index_cast %scan3A_109 : i32 to index
      %swap3A_126 = arith.constant 32 : index
      %swap3A_127 = tpu.vector_load %arg8[%swap3A_124, %swap3A_125, %swap3A_126] {strides = array<i32>} : memref<2x128x128xf32, #tpu.memory_space<vmem>>, vector<1x1x16xf32>,
      %swap3A_128 = vector.shape_cast %swap3A_127 : vector<1x1x16xf32> to vector<16xf32>
      %swap3A_129 = vector.shape_cast %broadcast_in_dim3A_11 : vector<16xf32> to vector<1x1x16xf32>
      tpu.vector_store %arg8[%swap3A_124, %swap3A_125, %swap3A_126], %swap3A_129 {strides = array<i32>} : memref<2x128x128xf32, #tpu.memory_space<vmem>>, vector<1x1x16xf32>,
      %swap3A_130 = arith.constant 0 : i32
      %swap3A_131 = arith.index_cast %swap3A_130 : i32 to index
      %swap3A_132 = arith.index_cast %scan3A_109 : i32 to index
      %swap3A_133 = arith.constant 48 : index
      %swap3A_134 = tpu.vector_load %arg8[%swap3A_131, %swap3A_132, %swap3A_133] {strides = array<i32>} : memref<2x128x128xf32, #tpu.memory_space<vmem>>, vector<1x1x16xf32>,
      %swap3A_135 = vector.shape_cast %swap3A_134 : vector<1x1x16xf32> to vector<16xf32>
      %swap3A_136 = vector.shape_cast %broadcast_in_dim3A_11 : vector<16xf32> to vector<1x1x16xf32>
      tpu.vector_store %arg8[%swap3A_131, %swap3A_132, %swap3A_133], %swap3A_136 {strides = array<i32>} : memref<2x128x128xf32, #tpu.memory_space<vmem>>, vector<1x1x16xf32>,
      %swap3A_137 = arith.constant 0 : i32
      %swap3A_138 = arith.index_cast %swap3A_137 : i32 to index
      %swap3A_139 = arith.index_cast %scan3A_109 : i32 to index
      %swap3A_140 = arith.constant 64 : index
      %swap3A_141 = tpu.vector_load %arg8[%swap3A_138, %swap3A_139, %swap3A_140] {strides = array<i32>} : memref<2x128x128xf32, #tpu.memory_space<vmem>>, vector<1x1x16xf32>,
      %swap3A_142 = vector.shape_cast %swap3A_141 : vector<1x1x16xf32> to vector<16xf32>
      %swap3A_143 = vector.shape_cast %broadcast_in_dim3A_11 : vector<16xf32> to vector<1x1x16xf32>
      tpu.vector_store %arg8[%swap3A_138, %swap3A_139, %swap3A_140], %swap3A_143 {strides = array<i32>} : memref<2x128x128xf32, #tpu.memory_space<vmem>>, vector<1x1x16xf32>,
      %swap3A_144 = arith.constant 0 : i32
      %swap3A_145 = arith.index_cast %swap3A_144 : i32 to index
      %swap3A_146 = arith.index_cast %scan3A_109 : i32 to index
      %swap3A_147 = arith.constant 80 : index
      %swap3A_148 = tpu.vector_load %arg8[%swap3A_145, %swap3A_146, %swap3A_147] {strides = array<i32>} : memref<2x128x128xf32, #tpu.memory_space<vmem>>, vector<1x1x16xf32>,
      %swap3A_149 = vector.shape_cast %swap3A_148 : vector<1x1x16xf32> to vector<16xf32>
      %swap3A_150 = vector.shape_cast %broadcast_in_dim3A_11 : vector<16xf32> to vector<1x1x16xf32>
      tpu.vector_store %arg8[%swap3A_145, %swap3A_146, %swap3A_147], %swap3A_150 {strides = array<i32>} : memref<2x128x128xf32, #tpu.memory_space<vmem>>, vector<1x1x16xf32>,
      %swap3A_151 = arith.constant 0 : i32
      %swap3A_152 = arith.index_cast %swap3A_151 : i32 to index
      %swap3A_153 = arith.index_cast %scan3A_109 : i32 to index
      %swap3A_154 = arith.constant 96 : index
      %swap3A_155 = tpu.vector_load %arg8[%swap3A_152, %swap3A_153, %swap3A_154] {strides = array<i32>} : memref<2x128x128xf32, #tpu.memory_space<vmem>>, vector<1x1x16xf32>,
      %swap3A_156 = vector.shape_cast %swap3A_155 : vector<1x1x16xf32> to vector<16xf32>
      %swap3A_157 = vector.shape_cast %broadcast_in_dim3A_11 : vector<16xf32> to vector<1x1x16xf32>
      tpu.vector_store %arg8[%swap3A_152, %swap3A_153, %swap3A_154], %swap3A_157 {strides = array<i32>} : memref<2x128x128xf32, #tpu.memory_space<vmem>>, vector<1x1x16xf32>,
      %swap3A_158 = arith.constant 0 : i32
      %swap3A_159 = arith.index_cast %swap3A_158 : i32 to index
      %swap3A_160 = arith.index_cast %scan3A_109 : i32 to index
      %swap3A_161 = arith.constant 112 : index
      %swap3A_162 = tpu.vector_load %arg8[%swap3A_159, %swap3A_160, %swap3A_161] {strides = array<i32>} : memref<2x128x128xf32, #tpu.memory_space<vmem>>, vector<1x1x16xf32>,
      %swap3A_163 = vector.shape_cast %swap3A_162 : vector<1x1x16xf32> to vector<16xf32>
      %swap3A_164 = vector.shape_cast %broadcast_in_dim3A_11 : vector<16xf32> to vector<1x1x16xf32>
      tpu.vector_store %arg8[%swap3A_159, %swap3A_160, %swap3A_161], %swap3A_164 {strides = array<i32>} : memref<2x128x128xf32, #tpu.memory_space<vmem>>, vector<1x1x16xf32>,
    }
    %scan3A_16 = arith.constant 128 : i32
    %scan3A_17 = arith.constant 0 : i32
    %scan3A_18 = arith.constant 0 : i32
    %scan3A_19 = arith.constant 5 : i32
    %scan3A_20 = arith.addi %scan3A_18, %scan3A_19 : i32
    %scan3A_21 = arith.constant 1 : i32
    scf.for %scan3A_109 = %scan3A_18 to %scan3A_20 step %scan3A_21  : i32 {
      %mul3A_110 = arith.constant 128 : i32
      %mul3A_111 = arith.muli %scan3A_109, %mul3A_110 : i32
      %add3A_112 = arith.addi %mul3A_10, %mul3A_111 : i32
      %run_scoped3A_113 = arith.constant 0 : i32
      "tpu.region"() ({
        %run_scoped3A_114 = tpu.sem_alloc : memref<!tpu.dma_semaphore, #tpu.memory_space<semaphore_mem>>
        %dma_start3A_115 = arith.constant 0 : i32
        %dma_start3A_116 = arith.constant 0 : i32
        %dma_start3A_117 = tpu.memref_slice %arg8[%run_scoped3A_113, %dma_start3A_115, %dma_start3A_116] : memref<2x128x128xf32, #tpu.memory_space<vmem>> -> memref<1x128x128xf32, #tpu.memory_space<vmem>>
        %dma_start3A_118 = tpu.memref_squeeze %dma_start3A_117 : memref<1x128x128xf32, #tpu.memory_space<vmem>> -> memref<128x128xf32, #tpu.memory_space<vmem>>
        %dma_start3A_119 = arith.constant 0 : i32
        %dma_start3A_120 = tpu.memref_slice %arg9[%add3A_112, %dma_start3A_119] : memref<10240x128xf32, #tpu.memory_space<vmem_shared>> -> memref<128x128xf32, #tpu.memory_space<vmem_shared>>
        %dma_start3A_121 = arith.constant 0 : i32
        %dma_start3A_122 = tpu.memref_slice %arg9[%add3A_112, %dma_start3A_121] : memref<10240x128xf32, #tpu.memory_space<vmem_shared>> -> memref<128x128xf32, #tpu.memory_space<vmem_shared>>
        %dma_start3A_123 = arith.constant 0 : i32
        %dma_start3A_124 = arith.constant 0 : i32
        %dma_start3A_125 = tpu.memref_slice %arg8[%run_scoped3A_113, %dma_start3A_123, %dma_start3A_124] : memref<2x128x128xf32, #tpu.memory_space<vmem>> -> memref<1x128x128xf32, #tpu.memory_space<vmem>>
        %dma_start3A_126 = tpu.memref_squeeze %dma_start3A_125 : memref<1x128x128xf32, #tpu.memory_space<vmem>> -> memref<128x128xf32, #tpu.memory_space<vmem>>
        tpu.enqueue_dma source(%dma_start3A_126 : memref<128x128xf32, #tpu.memory_space<vmem>>) target(%dma_start3A_122 : memref<128x128xf32, #tpu.memory_space<vmem_shared>>) target_semaphore(%run_scoped3A_114 : memref<!tpu.dma_semaphore, #tpu.memory_space<semaphore_mem>>)
        %dma_wait3A_127 = arith.constant 0 : i32
        %dma_wait3A_128 = arith.constant 0 : i32
        %dma_wait3A_129 = tpu.memref_slice %arg8[%run_scoped3A_113, %dma_wait3A_127, %dma_wait3A_128] : memref<2x128x128xf32, #tpu.memory_space<vmem>> -> memref<1x128x128xf32, #tpu.memory_space<vmem>>
        %dma_wait3A_130 = tpu.memref_squeeze %dma_wait3A_129 : memref<1x128x128xf32, #tpu.memory_space<vmem>> -> memref<128x128xf32, #tpu.memory_space<vmem>>
        %dma_wait3A_131 = arith.constant 0 : i32
        %dma_wait3A_132 = tpu.memref_slice %arg9[%add3A_112, %dma_wait3A_131] : memref<10240x128xf32, #tpu.memory_space<vmem_shared>> -> memref<128x128xf32, #tpu.memory_space<vmem_shared>>
        %dma_wait3A_133 = arith.constant 0 : i32
        %dma_wait3A_134 = tpu.memref_slice %arg9[%add3A_112, %dma_wait3A_133] : memref<10240x128xf32, #tpu.memory_space<vmem_shared>> -> memref<128x128xf32, #tpu.memory_space<vmem_shared>>
        %dma_wait3A_135 = arith.constant 0 : i32
        %dma_wait3A_136 = arith.constant 0 : i32
        %dma_wait3A_137 = tpu.memref_slice %arg8[%run_scoped3A_113, %dma_wait3A_135, %dma_wait3A_136] : memref<2x128x128xf32, #tpu.memory_space<vmem>> -> memref<1x128x128xf32, #tpu.memory_space<vmem>>
        %dma_wait3A_138 = tpu.memref_squeeze %dma_wait3A_137 : memref<1x128x128xf32, #tpu.memory_space<vmem>> -> memref<128x128xf32, #tpu.memory_space<vmem>>
        tpu.wait_dma2 semaphore(%run_scoped3A_114 : memref<!tpu.dma_semaphore, #tpu.memory_space<semaphore_mem>>) src(%dma_wait3A_138 : memref<128x128xf32, #tpu.memory_space<vmem>>) dst(%dma_wait3A_134 : memref<128x128xf32, #tpu.memory_space<vmem_shared>>)
        tpu.yield
      }) : () -> ()
    }
    %scan3A_22 = arith.constant 5 : i32
    "tpu.region"() ({
      %run_scoped3A_109 = tpu.sem_alloc : memref<!tpu.dma_semaphore, #tpu.memory_space<semaphore_mem>>
      %dma_start3A_110 = arith.constant 0 : i32
      %dma_start3A_111 = arith.constant 0 : i32
      %dma_start3A_112 = tpu.memref_slice %arg4[%select_n3A_8, %dma_start3A_110, %dma_start3A_111] : memref<2560x1x128xi32, #tpu.memory_space<hbm>> -> memref<99x1x128xi32, #tpu.memory_space<hbm>>
      %dma_start3A_113 = arith.constant 0 : i32
      %dma_start3A_114 = arith.constant 0 : i32
      %dma_start3A_115 = tpu.memref_slice %arg4[%select_n3A_8, %dma_start3A_113, %dma_start3A_114] : memref<2560x1x128xi32, #tpu.memory_space<hbm>> -> memref<99x1x128xi32, #tpu.memory_space<hbm>>
      tpu.enqueue_dma source(%dma_start3A_115 : memref<99x1x128xi32, #tpu.memory_space<hbm>>) target(%arg7 : memref<99x1x128xi32, #tpu.memory_space<vmem>>) target_semaphore(%run_scoped3A_109 : memref<!tpu.dma_semaphore, #tpu.memory_space<semaphore_mem>>)
      %dma_wait3A_116 = arith.constant 0 : i32
      %dma_wait3A_117 = arith.constant 0 : i32
      %dma_wait3A_118 = tpu.memref_slice %arg4[%select_n3A_8, %dma_wait3A_116, %dma_wait3A_117] : memref<2560x1x128xi32, #tpu.memory_space<hbm>> -> memref<99x1x128xi32, #tpu.memory_space<hbm>>
      %dma_wait3A_119 = arith.constant 0 : i32
      %dma_wait3A_120 = arith.constant 0 : i32
      %dma_wait3A_121 = tpu.memref_slice %arg4[%select_n3A_8, %dma_wait3A_119, %dma_wait3A_120] : memref<2560x1x128xi32, #tpu.memory_space<hbm>> -> memref<99x1x128xi32, #tpu.memory_space<hbm>>
      tpu.wait_dma2 semaphore(%run_scoped3A_109 : memref<!tpu.dma_semaphore, #tpu.memory_space<semaphore_mem>>) src(%dma_wait3A_121 : memref<99x1x128xi32, #tpu.memory_space<hbm>>) dst(%arg7 : memref<99x1x128xi32, #tpu.memory_space<vmem>>)
      tpu.yield
    }) : () -> ()
    %barrier3A = arith.constant 0 : index
    tpu.barrier barrier_id(%barrier3A)
    %run_scoped3A = arith.constant 0 : i32
    "tpu.region"() ({
      %run_scoped3A_109 = tpu.sem_alloc : memref<!tpu.dma_semaphore, #tpu.memory_space<semaphore_mem>>
      %dma_start3A_110 = arith.constant 0 : i32
      %dma_start3A_111 = arith.constant 0 : i32
      %dma_start3A_112 = tpu.memref_slice %arg6[%run_scoped3A, %dma_start3A_110, %dma_start3A_111] : memref<2x1x128xi32, #tpu.memory_space<vmem>> -> memref<1x1x128xi32, #tpu.memory_space<vmem>>
      %dma_start3A_113 = tpu.memref_squeeze %dma_start3A_112 : memref<1x1x128xi32, #tpu.memory_space<vmem>> -> memref<1x128xi32, #tpu.memory_space<vmem>>
      %dma_start3A_114 = arith.constant 0 : i32
      %dma_start3A_115 = arith.constant 0 : i32
      %dma_start3A_116 = tpu.memref_slice %arg3[%select_n3A_8, %dma_start3A_114, %dma_start3A_115] : memref<2560x1x128xi32, #tpu.memory_space<hbm>> -> memref<1x1x128xi32, #tpu.memory_space<hbm>>
      %dma_start3A_117 = tpu.memref_squeeze %dma_start3A_116 : memref<1x1x128xi32, #tpu.memory_space<hbm>> -> memref<1x128xi32, #tpu.memory_space<hbm>>
      %dma_start3A_118 = arith.constant 0 : i32
      %dma_start3A_119 = arith.constant 0 : i32
      %dma_start3A_120 = tpu.memref_slice %arg6[%run_scoped3A, %dma_start3A_118, %dma_start3A_119] : memref<2x1x128xi32, #tpu.memory_space<vmem>> -> memref<1x1x128xi32, #tpu.memory_space<vmem>>
      %dma_start3A_121 = tpu.memref_squeeze %dma_start3A_120 : memref<1x1x128xi32, #tpu.memory_space<vmem>> -> memref<1x128xi32, #tpu.memory_space<vmem>>
      %dma_start3A_122 = arith.constant 0 : i32
      %dma_start3A_123 = arith.constant 0 : i32
      %dma_start3A_124 = tpu.memref_slice %arg3[%select_n3A_8, %dma_start3A_122, %dma_start3A_123] : memref<2560x1x128xi32, #tpu.memory_space<hbm>> -> memref<1x1x128xi32, #tpu.memory_space<hbm>>
      %dma_start3A_125 = tpu.memref_squeeze %dma_start3A_124 : memref<1x1x128xi32, #tpu.memory_space<hbm>> -> memref<1x128xi32, #tpu.memory_space<hbm>>
      tpu.enqueue_dma source(%dma_start3A_125 : memref<1x128xi32, #tpu.memory_space<hbm>>) target(%dma_start3A_121 : memref<1x128xi32, #tpu.memory_space<vmem>>) target_semaphore(%run_scoped3A_109 : memref<!tpu.dma_semaphore, #tpu.memory_space<semaphore_mem>>)
      %dma_wait3A_126 = arith.constant 0 : i32
      %dma_wait3A_127 = arith.constant 0 : i32
      %dma_wait3A_128 = tpu.memref_slice %arg6[%run_scoped3A, %dma_wait3A_126, %dma_wait3A_127] : memref<2x1x128xi32, #tpu.memory_space<vmem>> -> memref<1x1x128xi32, #tpu.memory_space<vmem>>
      %dma_wait3A_129 = tpu.memref_squeeze %dma_wait3A_128 : memref<1x1x128xi32, #tpu.memory_space<vmem>> -> memref<1x128xi32, #tpu.memory_space<vmem>>
      %dma_wait3A_130 = arith.constant 0 : i32
      %dma_wait3A_131 = arith.constant 0 : i32
      %dma_wait3A_132 = tpu.memref_slice %arg3[%select_n3A_8, %dma_wait3A_130, %dma_wait3A_131] : memref<2560x1x128xi32, #tpu.memory_space<hbm>> -> memref<1x1x128xi32, #tpu.memory_space<hbm>>
      %dma_wait3A_133 = tpu.memref_squeeze %dma_wait3A_132 : memref<1x1x128xi32, #tpu.memory_space<hbm>> -> memref<1x128xi32, #tpu.memory_space<hbm>>
      %dma_wait3A_134 = arith.constant 0 : i32
      %dma_wait3A_135 = arith.constant 0 : i32
      %dma_wait3A_136 = tpu.memref_slice %arg6[%run_scoped3A, %dma_wait3A_134, %dma_wait3A_135] : memref<2x1x128xi32, #tpu.memory_space<vmem>> -> memref<1x1x128xi32, #tpu.memory_space<vmem>>
      %dma_wait3A_137 = tpu.memref_squeeze %dma_wait3A_136 : memref<1x1x128xi32, #tpu.memory_space<vmem>> -> memref<1x128xi32, #tpu.memory_space<vmem>>
      %dma_wait3A_138 = arith.constant 0 : i32
      %dma_wait3A_139 = arith.constant 0 : i32
      %dma_wait3A_140 = tpu.memref_slice %arg3[%select_n3A_8, %dma_wait3A_138, %dma_wait3A_139] : memref<2560x1x128xi32, #tpu.memory_space<hbm>> -> memref<1x1x128xi32, #tpu.memory_space<hbm>>
      %dma_wait3A_141 = tpu.memref_squeeze %dma_wait3A_140 : memref<1x1x128xi32, #tpu.memory_space<hbm>> -> memref<1x128xi32, #tpu.memory_space<hbm>>
      tpu.wait_dma2 semaphore(%run_scoped3A_109 : memref<!tpu.dma_semaphore, #tpu.memory_space<semaphore_mem>>) src(%dma_wait3A_141 : memref<1x128xi32, #tpu.memory_space<hbm>>) dst(%dma_wait3A_137 : memref<1x128xi32, #tpu.memory_space<vmem>>)
      tpu.yield
    }) : () -> ()
    %dma_start3A = arith.constant 0 : i32
    %dma_start3A_23 = arith.constant 0 : i32
    %dma_start3A_24 = arith.constant 0 : i32
    %dma_start3A_25 = arith.constant 0 : i32
    %dma_start3A_26 = arith.constant 0 : i32
    %dma_start3A_27 = arith.constant 0 : i32
    %dma_start3A_28 = tpu.memref_slice %arg8[%dma_start3A_24, %dma_start3A_26, %dma_start3A_27] : memref<2x128x128xf32, #tpu.memory_space<vmem>> -> memref<1x128x128xf32, #tpu.memory_space<vmem>>
    %dma_start3A_29 = tpu.memref_squeeze %dma_start3A_28 : memref<1x128x128xf32, #tpu.memory_space<vmem>> -> memref<128x128xf32, #tpu.memory_space<vmem>>
    %dma_start3A_30 = arith.constant 0 : i32
    %dma_start3A_31 = tpu.memref_slice %arg6[%dma_start3A, %dma_start3A_23, %dma_start3A_30] : memref<2x1x128xi32, #tpu.memory_space<vmem>> -> memref<1x1x128xi32, #tpu.memory_space<vmem>>
    %dma_start3A_32 = tpu.memref_squeeze %dma_start3A_31 : memref<1x1x128xi32, #tpu.memory_space<vmem>> -> memref<128xi32, #tpu.memory_space<vmem>>
    %dma_start3A_33 = arith.constant 0 : i32
    %dma_start3A_34 = arith.constant 0 : i32
    %dma_start3A_35 = tpu.memref_slice %arg2[%dma_start3A_33, %dma_start3A_34] : memref<10240x128xf32, #tpu.memory_space<hbm>> -> memref<10240x128xf32, #tpu.memory_space<hbm>>
    %dma_start3A_36 = tpu.memref_slice %arg10[%dma_start3A_25] : memref<2x!tpu.dma_semaphore, #tpu.memory_space<semaphore_mem>> -> memref<1x!tpu.dma_semaphore, #tpu.memory_space<semaphore_mem>>
    %dma_start3A_37 = tpu.memref_squeeze %dma_start3A_36 : memref<1x!tpu.dma_semaphore, #tpu.memory_space<semaphore_mem>> -> memref<!tpu.dma_semaphore, #tpu.memory_space<semaphore_mem>>
    tpu.enqueue_indirect_dma source(%dma_start3A_35 : memref<10240x128xf32, #tpu.memory_space<hbm>>) target(%dma_start3A_29 : memref<128x128xf32, #tpu.memory_space<vmem>>) offsets(%dma_start3A_32 : memref<128xi32, #tpu.memory_space<vmem>>) semaphore(%dma_start3A_37 : memref<!tpu.dma_semaphore, #tpu.memory_space<semaphore_mem>>)
    %add3A_38 = arith.constant 1 : i32
    %add3A_39 = arith.addi %select_n3A_8, %add3A_38 : i32
    %dma_start3A_40 = arith.constant 1 : i32
    %dma_start3A_41 = arith.constant 1 : i32
    %dma_start3A_42 = arith.constant 0 : i32
    %dma_start3A_43 = arith.constant 0 : i32
    %dma_start3A_44 = tpu.memref_slice %arg6[%dma_start3A_40, %dma_start3A_42, %dma_start3A_43] : memref<2x1x128xi32, #tpu.memory_space<vmem>> -> memref<1x1x128xi32, #tpu.memory_space<vmem>>
    %dma_start3A_45 = tpu.memref_squeeze %dma_start3A_44 : memref<1x1x128xi32, #tpu.memory_space<vmem>> -> memref<1x128xi32, #tpu.memory_space<vmem>>
    %dma_start3A_46 = arith.constant 0 : i32
    %dma_start3A_47 = arith.constant 0 : i32
    %dma_start3A_48 = tpu.memref_slice %arg3[%add3A_39, %dma_start3A_46, %dma_start3A_47] : memref<2560x1x128xi32, #tpu.memory_space<hbm>> -> memref<1x1x128xi32, #tpu.memory_space<hbm>>
    %dma_start3A_49 = tpu.memref_squeeze %dma_start3A_48 : memref<1x1x128xi32, #tpu.memory_space<hbm>> -> memref<1x128xi32, #tpu.memory_space<hbm>>
    %dma_start3A_50 = tpu.memref_slice %arg11[%dma_start3A_41] : memref<2x!tpu.dma_semaphore, #tpu.memory_space<semaphore_mem>> -> memref<1x!tpu.dma_semaphore, #tpu.memory_space<semaphore_mem>>
    %dma_start3A_51 = tpu.memref_squeeze %dma_start3A_50 : memref<1x!tpu.dma_semaphore, #tpu.memory_space<semaphore_mem>> -> memref<!tpu.dma_semaphore, #tpu.memory_space<semaphore_mem>>
    %dma_start3A_52 = arith.constant 0 : i32
    %dma_start3A_53 = arith.constant 0 : i32
    %dma_start3A_54 = tpu.memref_slice %arg6[%dma_start3A_40, %dma_start3A_52, %dma_start3A_53] : memref<2x1x128xi32, #tpu.memory_space<vmem>> -> memref<1x1x128xi32, #tpu.memory_space<vmem>>
    %dma_start3A_55 = tpu.memref_squeeze %dma_start3A_54 : memref<1x1x128xi32, #tpu.memory_space<vmem>> -> memref<1x128xi32, #tpu.memory_space<vmem>>
    %dma_start3A_56 = arith.constant 0 : i32
    %dma_start3A_57 = arith.constant 0 : i32
    %dma_start3A_58 = tpu.memref_slice %arg3[%add3A_39, %dma_start3A_56, %dma_start3A_57] : memref<2560x1x128xi32, #tpu.memory_space<hbm>> -> memref<1x1x128xi32, #tpu.memory_space<hbm>>
    %dma_start3A_59 = tpu.memref_squeeze %dma_start3A_58 : memref<1x1x128xi32, #tpu.memory_space<hbm>> -> memref<1x128xi32, #tpu.memory_space<hbm>>
    tpu.enqueue_dma source(%dma_start3A_59 : memref<1x128xi32, #tpu.memory_space<hbm>>) target(%dma_start3A_55 : memref<1x128xi32, #tpu.memory_space<vmem>>) target_semaphore(%dma_start3A_51 : memref<!tpu.dma_semaphore, #tpu.memory_space<semaphore_mem>>)
    %while3A = arith.constant 0 : i32
    %while3A_60 = arith.constant 0 : i32
    %while3A_61 = arith.subi %select_n3A, %while3A_60 : i32
    %while3A_62 = arith.addi %while3A_60, %while3A_61 : i32
    %while3A_63 = arith.constant 1 : i32
    %while3A_64 = arith.divsi %while3A_61, %while3A_63 : i32
    %while3A_65 = arith.muli %while3A_64, %while3A_63 : i32
    %while3A_66 = arith.addi %while3A_60, %while3A_65 : i32
    %while3A_67 = arith.constant 1 : i32
    scf.for %while3A_109 = %while3A_60 to %while3A_66 step %while3A_67  : i32 {
      %rem3A_110 = arith.constant 2 : i32
      %rem3A_111 = arith.remsi %while3A_109, %rem3A_110 : i32
      %add3A_112 = arith.constant 1 : i32
      %add3A_113 = arith.addi %while3A_109, %add3A_112 : i32
      %rem3A_114 = arith.constant 2 : i32
      %rem3A_115 = arith.remsi %add3A_113, %rem3A_114 : i32
      %add3A_116 = arith.constant 1 : i32
      %add3A_117 = arith.addi %while3A_109, %add3A_116 : i32
      %lt3A = arith.cmpi slt, %add3A_117, %select_n3A : i32
      %convert_element_type3A = arith.extui %lt3A : i1 to i32
      %cond3A = arith.constant 0 : i32
      %cond3A_118 = arith.cmpi ne, %convert_element_type3A, %cond3A : i32
      scf.if %cond3A_118 {
        %ge3A = arith.constant 1 : i32
        %ge3A_151 = arith.cmpi sge, %while3A_109, %ge3A : i32
        %convert_element_type3A_152 = arith.extui %ge3A_151 : i1 to i32
        %cond3A_153 = arith.constant 0 : i32
        %cond3A_154 = arith.cmpi ne, %convert_element_type3A_152, %cond3A_153 : i32
        scf.if %cond3A_154 {
          %sub3A_189 = arith.constant 1 : i32
          %sub3A_190 = arith.subi %while3A_109, %sub3A_189 : i32
          %dma_wait3A_191 = arith.constant 0 : i32
          %dma_wait3A_192 = arith.constant 0 : i32
          %dma_wait3A_193 = arith.constant 0 : i32
          %dma_wait3A_194 = tpu.memref_slice %arg8[%rem3A_115, %dma_wait3A_192, %dma_wait3A_193] : memref<2x128x128xf32, #tpu.memory_space<vmem>> -> memref<1x128x128xf32, #tpu.memory_space<vmem>>
          %dma_wait3A_195 = tpu.memref_squeeze %dma_wait3A_194 : memref<1x128x128xf32, #tpu.memory_space<vmem>> -> memref<128x128xf32, #tpu.memory_space<vmem>>
          %dma_wait3A_196 = arith.constant 0 : i32
          %dma_wait3A_197 = tpu.memref_slice %arg7[%sub3A_190, %dma_wait3A_191, %dma_wait3A_196] : memref<99x1x128xi32, #tpu.memory_space<vmem>> -> memref<1x1x128xi32, #tpu.memory_space<vmem>>
          %dma_wait3A_198 = tpu.memref_squeeze %dma_wait3A_197 : memref<1x1x128xi32, #tpu.memory_space<vmem>> -> memref<128xi32, #tpu.memory_space<vmem>>
          %dma_wait3A_199 = arith.constant 0 : i32
          %dma_wait3A_200 = arith.constant 0 : i32
          %dma_wait3A_201 = tpu.memref_slice %arg9[%dma_wait3A_199, %dma_wait3A_200] : memref<10240x128xf32, #tpu.memory_space<vmem_shared>> -> memref<10240x128xf32, #tpu.memory_space<vmem_shared>>
          %dma_wait3A_202 = tpu.memref_slice %arg12[%rem3A_115] : memref<2x!tpu.dma_semaphore, #tpu.memory_space<semaphore_mem>> -> memref<1x!tpu.dma_semaphore, #tpu.memory_space<semaphore_mem>>
          %dma_wait3A_203 = tpu.memref_squeeze %dma_wait3A_202 : memref<1x!tpu.dma_semaphore, #tpu.memory_space<semaphore_mem>> -> memref<!tpu.dma_semaphore, #tpu.memory_space<semaphore_mem>>
          tpu.wait_indirect_dma semaphore(%dma_wait3A_203 : memref<!tpu.dma_semaphore, #tpu.memory_space<semaphore_mem>>) src(%dma_wait3A_195 : memref<128x128xf32, #tpu.memory_space<vmem>>) dst(%dma_wait3A_201 : memref<10240x128xf32, #tpu.memory_space<vmem_shared>>)
        } else {
        }
        %add3A_155 = arith.addi %select_n3A_8, %while3A_109 : i32
        %add3A_156 = arith.constant 1 : i32
        %add3A_157 = arith.addi %add3A_155, %add3A_156 : i32
        %dma_wait3A_158 = arith.constant 0 : i32
        %dma_wait3A_159 = arith.constant 0 : i32
        %dma_wait3A_160 = tpu.memref_slice %arg6[%rem3A_115, %dma_wait3A_158, %dma_wait3A_159] : memref<2x1x128xi32, #tpu.memory_space<vmem>> -> memref<1x1x128xi32, #tpu.memory_space<vmem>>
        %dma_wait3A_161 = tpu.memref_squeeze %dma_wait3A_160 : memref<1x1x128xi32, #tpu.memory_space<vmem>> -> memref<1x128xi32, #tpu.memory_space<vmem>>
        %dma_wait3A_162 = arith.constant 0 : i32
        %dma_wait3A_163 = arith.constant 0 : i32
        %dma_wait3A_164 = tpu.memref_slice %arg3[%add3A_157, %dma_wait3A_162, %dma_wait3A_163] : memref<2560x1x128xi32, #tpu.memory_space<hbm>> -> memref<1x1x128xi32, #tpu.memory_space<hbm>>
        %dma_wait3A_165 = tpu.memref_squeeze %dma_wait3A_164 : memref<1x1x128xi32, #tpu.memory_space<hbm>> -> memref<1x128xi32, #tpu.memory_space<hbm>>
        %dma_wait3A_166 = tpu.memref_slice %arg11[%rem3A_115] : memref<2x!tpu.dma_semaphore, #tpu.memory_space<semaphore_mem>> -> memref<1x!tpu.dma_semaphore, #tpu.memory_space<semaphore_mem>>
        %dma_wait3A_167 = tpu.memref_squeeze %dma_wait3A_166 : memref<1x!tpu.dma_semaphore, #tpu.memory_space<semaphore_mem>> -> memref<!tpu.dma_semaphore, #tpu.memory_space<semaphore_mem>>
        %dma_wait3A_168 = arith.constant 0 : i32
        %dma_wait3A_169 = arith.constant 0 : i32
        %dma_wait3A_170 = tpu.memref_slice %arg6[%rem3A_115, %dma_wait3A_168, %dma_wait3A_169] : memref<2x1x128xi32, #tpu.memory_space<vmem>> -> memref<1x1x128xi32, #tpu.memory_space<vmem>>
        %dma_wait3A_171 = tpu.memref_squeeze %dma_wait3A_170 : memref<1x1x128xi32, #tpu.memory_space<vmem>> -> memref<1x128xi32, #tpu.memory_space<vmem>>
        %dma_wait3A_172 = arith.constant 0 : i32
        %dma_wait3A_173 = arith.constant 0 : i32
        %dma_wait3A_174 = tpu.memref_slice %arg3[%add3A_157, %dma_wait3A_172, %dma_wait3A_173] : memref<2560x1x128xi32, #tpu.memory_space<hbm>> -> memref<1x1x128xi32, #tpu.memory_space<hbm>>
        %dma_wait3A_175 = tpu.memref_squeeze %dma_wait3A_174 : memref<1x1x128xi32, #tpu.memory_space<hbm>> -> memref<1x128xi32, #tpu.memory_space<hbm>>
        tpu.wait_dma2 semaphore(%dma_wait3A_167 : memref<!tpu.dma_semaphore, #tpu.memory_space<semaphore_mem>>) src(%dma_wait3A_175 : memref<1x128xi32, #tpu.memory_space<hbm>>) dst(%dma_wait3A_171 : memref<1x128xi32, #tpu.memory_space<vmem>>)
        %dma_start3A_176 = arith.constant 0 : i32
        %dma_start3A_177 = arith.constant 0 : i32
        %dma_start3A_178 = arith.constant 0 : i32
        %dma_start3A_179 = tpu.memref_slice %arg8[%rem3A_115, %dma_start3A_177, %dma_start3A_178] : memref<2x128x128xf32, #tpu.memory_space<vmem>> -> memref<1x128x128xf32, #tpu.memory_space<vmem>>
        %dma_start3A_180 = tpu.memref_squeeze %dma_start3A_179 : memref<1x128x128xf32, #tpu.memory_space<vmem>> -> memref<128x128xf32, #tpu.memory_space<vmem>>
        %dma_start3A_181 = arith.constant 0 : i32
        %dma_start3A_182 = tpu.memref_slice %arg6[%rem3A_115, %dma_start3A_176, %dma_start3A_181] : memref<2x1x128xi32, #tpu.memory_space<vmem>> -> memref<1x1x128xi32, #tpu.memory_space<vmem>>
        %dma_start3A_183 = tpu.memref_squeeze %dma_start3A_182 : memref<1x1x128xi32, #tpu.memory_space<vmem>> -> memref<128xi32, #tpu.memory_space<vmem>>
        %dma_start3A_184 = arith.constant 0 : i32
        %dma_start3A_185 = arith.constant 0 : i32
        %dma_start3A_186 = tpu.memref_slice %arg2[%dma_start3A_184, %dma_start3A_185] : memref<10240x128xf32, #tpu.memory_space<hbm>> -> memref<10240x128xf32, #tpu.memory_space<hbm>>
        %dma_start3A_187 = tpu.memref_slice %arg10[%rem3A_115] : memref<2x!tpu.dma_semaphore, #tpu.memory_space<semaphore_mem>> -> memref<1x!tpu.dma_semaphore, #tpu.memory_space<semaphore_mem>>
        %dma_start3A_188 = tpu.memref_squeeze %dma_start3A_187 : memref<1x!tpu.dma_semaphore, #tpu.memory_space<semaphore_mem>> -> memref<!tpu.dma_semaphore, #tpu.memory_space<semaphore_mem>>
        tpu.enqueue_indirect_dma source(%dma_start3A_186 : memref<10240x128xf32, #tpu.memory_space<hbm>>) target(%dma_start3A_180 : memref<128x128xf32, #tpu.memory_space<vmem>>) offsets(%dma_start3A_183 : memref<128xi32, #tpu.memory_space<vmem>>) semaphore(%dma_start3A_188 : memref<!tpu.dma_semaphore, #tpu.memory_space<semaphore_mem>>)
      } else {
      }
      %dma_wait3A_119 = arith.constant 0 : i32
      %dma_wait3A_120 = arith.constant 0 : i32
      %dma_wait3A_121 = arith.constant 0 : i32
      %dma_wait3A_122 = tpu.memref_slice %arg8[%rem3A_111, %dma_wait3A_120, %dma_wait3A_121] : memref<2x128x128xf32, #tpu.memory_space<vmem>> -> memref<1x128x128xf32, #tpu.memory_space<vmem>>
      %dma_wait3A_123 = tpu.memref_squeeze %dma_wait3A_122 : memref<1x128x128xf32, #tpu.memory_space<vmem>> -> memref<128x128xf32, #tpu.memory_space<vmem>>
      %dma_wait3A_124 = arith.constant 0 : i32
      %dma_wait3A_125 = tpu.memref_slice %arg6[%rem3A_111, %dma_wait3A_119, %dma_wait3A_124] : memref<2x1x128xi32, #tpu.memory_space<vmem>> -> memref<1x1x128xi32, #tpu.memory_space<vmem>>
      %dma_wait3A_126 = tpu.memref_squeeze %dma_wait3A_125 : memref<1x1x128xi32, #tpu.memory_space<vmem>> -> memref<128xi32, #tpu.memory_space<vmem>>
      %dma_wait3A_127 = arith.constant 0 : i32
      %dma_wait3A_128 = arith.constant 0 : i32
      %dma_wait3A_129 = tpu.memref_slice %arg2[%dma_wait3A_127, %dma_wait3A_128] : memref<10240x128xf32, #tpu.memory_space<hbm>> -> memref<10240x128xf32, #tpu.memory_space<hbm>>
      %dma_wait3A_130 = tpu.memref_slice %arg10[%rem3A_111] : memref<2x!tpu.dma_semaphore, #tpu.memory_space<semaphore_mem>> -> memref<1x!tpu.dma_semaphore, #tpu.memory_space<semaphore_mem>>
      %dma_wait3A_131 = tpu.memref_squeeze %dma_wait3A_130 : memref<1x!tpu.dma_semaphore, #tpu.memory_space<semaphore_mem>> -> memref<!tpu.dma_semaphore, #tpu.memory_space<semaphore_mem>>
      tpu.wait_indirect_dma semaphore(%dma_wait3A_131 : memref<!tpu.dma_semaphore, #tpu.memory_space<semaphore_mem>>) src(%dma_wait3A_129 : memref<10240x128xf32, #tpu.memory_space<hbm>>) dst(%dma_wait3A_123 : memref<128x128xf32, #tpu.memory_space<vmem>>)
      %add3A_132 = arith.constant 2 : i32
      %add3A_133 = arith.addi %while3A_109, %add3A_132 : i32
      %lt3A_134 = arith.cmpi slt, %add3A_133, %select_n3A : i32
      %convert_element_type3A_135 = arith.extui %lt3A_134 : i1 to i32
      %cond3A_136 = arith.constant 0 : i32
      %cond3A_137 = arith.cmpi ne, %convert_element_type3A_135, %cond3A_136 : i32
      scf.if %cond3A_137 {
        %add3A_151 = arith.addi %select_n3A_8, %while3A_109 : i32
        %add3A_152 = arith.constant 2 : i32
        %add3A_153 = arith.addi %add3A_151, %add3A_152 : i32
        %dma_start3A_154 = arith.constant 0 : i32
        %dma_start3A_155 = arith.constant 0 : i32
        %dma_start3A_156 = tpu.memref_slice %arg6[%rem3A_111, %dma_start3A_154, %dma_start3A_155] : memref<2x1x128xi32, #tpu.memory_space<vmem>> -> memref<1x1x128xi32, #tpu.memory_space<vmem>>
        %dma_start3A_157 = tpu.memref_squeeze %dma_start3A_156 : memref<1x1x128xi32, #tpu.memory_space<vmem>> -> memref<1x128xi32, #tpu.memory_space<vmem>>
        %dma_start3A_158 = arith.constant 0 : i32
        %dma_start3A_159 = arith.constant 0 : i32
        %dma_start3A_160 = tpu.memref_slice %arg3[%add3A_153, %dma_start3A_158, %dma_start3A_159] : memref<2560x1x128xi32, #tpu.memory_space<hbm>> -> memref<1x1x128xi32, #tpu.memory_space<hbm>>
        %dma_start3A_161 = tpu.memref_squeeze %dma_start3A_160 : memref<1x1x128xi32, #tpu.memory_space<hbm>> -> memref<1x128xi32, #tpu.memory_space<hbm>>
        %dma_start3A_162 = tpu.memref_slice %arg11[%rem3A_111] : memref<2x!tpu.dma_semaphore, #tpu.memory_space<semaphore_mem>> -> memref<1x!tpu.dma_semaphore, #tpu.memory_space<semaphore_mem>>
        %dma_start3A_163 = tpu.memref_squeeze %dma_start3A_162 : memref<1x!tpu.dma_semaphore, #tpu.memory_space<semaphore_mem>> -> memref<!tpu.dma_semaphore, #tpu.memory_space<semaphore_mem>>
        %dma_start3A_164 = arith.constant 0 : i32
        %dma_start3A_165 = arith.constant 0 : i32
        %dma_start3A_166 = tpu.memref_slice %arg6[%rem3A_111, %dma_start3A_164, %dma_start3A_165] : memref<2x1x128xi32, #tpu.memory_space<vmem>> -> memref<1x1x128xi32, #tpu.memory_space<vmem>>
        %dma_start3A_167 = tpu.memref_squeeze %dma_start3A_166 : memref<1x1x128xi32, #tpu.memory_space<vmem>> -> memref<1x128xi32, #tpu.memory_space<vmem>>
        %dma_start3A_168 = arith.constant 0 : i32
        %dma_start3A_169 = arith.constant 0 : i32
        %dma_start3A_170 = tpu.memref_slice %arg3[%add3A_153, %dma_start3A_168, %dma_start3A_169] : memref<2560x1x128xi32, #tpu.memory_space<hbm>> -> memref<1x1x128xi32, #tpu.memory_space<hbm>>
        %dma_start3A_171 = tpu.memref_squeeze %dma_start3A_170 : memref<1x1x128xi32, #tpu.memory_space<hbm>> -> memref<1x128xi32, #tpu.memory_space<hbm>>
        tpu.enqueue_dma source(%dma_start3A_171 : memref<1x128xi32, #tpu.memory_space<hbm>>) target(%dma_start3A_167 : memref<1x128xi32, #tpu.memory_space<vmem>>) target_semaphore(%dma_start3A_163 : memref<!tpu.dma_semaphore, #tpu.memory_space<semaphore_mem>>)
      } else {
      }
      %dma_start3A_138 = arith.constant 0 : i32
      %dma_start3A_139 = arith.constant 0 : i32
      %dma_start3A_140 = arith.constant 0 : i32
      %dma_start3A_141 = tpu.memref_slice %arg8[%rem3A_111, %dma_start3A_139, %dma_start3A_140] : memref<2x128x128xf32, #tpu.memory_space<vmem>> -> memref<1x128x128xf32, #tpu.memory_space<vmem>>
      %dma_start3A_142 = tpu.memref_squeeze %dma_start3A_141 : memref<1x128x128xf32, #tpu.memory_space<vmem>> -> memref<128x128xf32, #tpu.memory_space<vmem>>
      %dma_start3A_143 = arith.constant 0 : i32
      %dma_start3A_144 = tpu.memref_slice %arg7[%while3A_109, %dma_start3A_138, %dma_start3A_143] : memref<99x1x128xi32, #tpu.memory_space<vmem>> -> memref<1x1x128xi32, #tpu.memory_space<vmem>>
      %dma_start3A_145 = tpu.memref_squeeze %dma_start3A_144 : memref<1x1x128xi32, #tpu.memory_space<vmem>> -> memref<128xi32, #tpu.memory_space<vmem>>
      %dma_start3A_146 = arith.constant 0 : i32
      %dma_start3A_147 = arith.constant 0 : i32
      %dma_start3A_148 = tpu.memref_slice %arg9[%dma_start3A_146, %dma_start3A_147] : memref<10240x128xf32, #tpu.memory_space<vmem_shared>> -> memref<10240x128xf32, #tpu.memory_space<vmem_shared>>
      %dma_start3A_149 = tpu.memref_slice %arg12[%rem3A_111] : memref<2x!tpu.dma_semaphore, #tpu.memory_space<semaphore_mem>> -> memref<1x!tpu.dma_semaphore, #tpu.memory_space<semaphore_mem>>
      %dma_start3A_150 = tpu.memref_squeeze %dma_start3A_149 : memref<1x!tpu.dma_semaphore, #tpu.memory_space<semaphore_mem>> -> memref<!tpu.dma_semaphore, #tpu.memory_space<semaphore_mem>>
      tpu.enqueue_indirect_dma source(%dma_start3A_142 : memref<128x128xf32, #tpu.memory_space<vmem>>) target(%dma_start3A_148 : memref<10240x128xf32, #tpu.memory_space<vmem_shared>>) offsets(%dma_start3A_145 : memref<128xi32, #tpu.memory_space<vmem>>) semaphore(%dma_start3A_150 : memref<!tpu.dma_semaphore, #tpu.memory_space<semaphore_mem>>) {add = true}
    }
    %while3A_68 = arith.constant 1 : i32
    scf.for %while3A_109 = %while3A_66 to %while3A_62 step %while3A_68  : i32 {
      %rem3A_110 = arith.constant 2 : i32
      %rem3A_111 = arith.remsi %while3A_109, %rem3A_110 : i32
      %add3A_112 = arith.constant 1 : i32
      %add3A_113 = arith.addi %while3A_109, %add3A_112 : i32
      %rem3A_114 = arith.constant 2 : i32
      %rem3A_115 = arith.remsi %add3A_113, %rem3A_114 : i32
      %add3A_116 = arith.constant 1 : i32
      %add3A_117 = arith.addi %while3A_109, %add3A_116 : i32
      %lt3A = arith.cmpi slt, %add3A_117, %select_n3A : i32
      %convert_element_type3A = arith.extui %lt3A : i1 to i32
      %cond3A = arith.constant 0 : i32
      %cond3A_118 = arith.cmpi ne, %convert_element_type3A, %cond3A : i32
      scf.if %cond3A_118 {
        %ge3A = arith.constant 1 : i32
        %ge3A_151 = arith.cmpi sge, %while3A_109, %ge3A : i32
        %convert_element_type3A_152 = arith.extui %ge3A_151 : i1 to i32
        %cond3A_153 = arith.constant 0 : i32
        %cond3A_154 = arith.cmpi ne, %convert_element_type3A_152, %cond3A_153 : i32
        scf.if %cond3A_154 {
          %sub3A_189 = arith.constant 1 : i32
          %sub3A_190 = arith.subi %while3A_109, %sub3A_189 : i32
          %dma_wait3A_191 = arith.constant 0 : i32
          %dma_wait3A_192 = arith.constant 0 : i32
          %dma_wait3A_193 = arith.constant 0 : i32
          %dma_wait3A_194 = tpu.memref_slice %arg8[%rem3A_115, %dma_wait3A_192, %dma_wait3A_193] : memref<2x128x128xf32, #tpu.memory_space<vmem>> -> memref<1x128x128xf32, #tpu.memory_space<vmem>>
          %dma_wait3A_195 = tpu.memref_squeeze %dma_wait3A_194 : memref<1x128x128xf32, #tpu.memory_space<vmem>> -> memref<128x128xf32, #tpu.memory_space<vmem>>
          %dma_wait3A_196 = arith.constant 0 : i32
          %dma_wait3A_197 = tpu.memref_slice %arg7[%sub3A_190, %dma_wait3A_191, %dma_wait3A_196] : memref<99x1x128xi32, #tpu.memory_space<vmem>> -> memref<1x1x128xi32, #tpu.memory_space<vmem>>
          %dma_wait3A_198 = tpu.memref_squeeze %dma_wait3A_197 : memref<1x1x128xi32, #tpu.memory_space<vmem>> -> memref<128xi32, #tpu.memory_space<vmem>>
          %dma_wait3A_199 = arith.constant 0 : i32
          %dma_wait3A_200 = arith.constant 0 : i32
          %dma_wait3A_201 = tpu.memref_slice %arg9[%dma_wait3A_199, %dma_wait3A_200] : memref<10240x128xf32, #tpu.memory_space<vmem_shared>> -> memref<10240x128xf32, #tpu.memory_space<vmem_shared>>
          %dma_wait3A_202 = tpu.memref_slice %arg12[%rem3A_115] : memref<2x!tpu.dma_semaphore, #tpu.memory_space<semaphore_mem>> -> memref<1x!tpu.dma_semaphore, #tpu.memory_space<semaphore_mem>>
          %dma_wait3A_203 = tpu.memref_squeeze %dma_wait3A_202 : memref<1x!tpu.dma_semaphore, #tpu.memory_space<semaphore_mem>> -> memref<!tpu.dma_semaphore, #tpu.memory_space<semaphore_mem>>
          tpu.wait_indirect_dma semaphore(%dma_wait3A_203 : memref<!tpu.dma_semaphore, #tpu.memory_space<semaphore_mem>>) src(%dma_wait3A_195 : memref<128x128xf32, #tpu.memory_space<vmem>>) dst(%dma_wait3A_201 : memref<10240x128xf32, #tpu.memory_space<vmem_shared>>)
        } else {
        }
        %add3A_155 = arith.addi %select_n3A_8, %while3A_109 : i32
        %add3A_156 = arith.constant 1 : i32
        %add3A_157 = arith.addi %add3A_155, %add3A_156 : i32
        %dma_wait3A_158 = arith.constant 0 : i32
        %dma_wait3A_159 = arith.constant 0 : i32
        %dma_wait3A_160 = tpu.memref_slice %arg6[%rem3A_115, %dma_wait3A_158, %dma_wait3A_159] : memref<2x1x128xi32, #tpu.memory_space<vmem>> -> memref<1x1x128xi32, #tpu.memory_space<vmem>>
        %dma_wait3A_161 = tpu.memref_squeeze %dma_wait3A_160 : memref<1x1x128xi32, #tpu.memory_space<vmem>> -> memref<1x128xi32, #tpu.memory_space<vmem>>
        %dma_wait3A_162 = arith.constant 0 : i32
        %dma_wait3A_163 = arith.constant 0 : i32
        %dma_wait3A_164 = tpu.memref_slice %arg3[%add3A_157, %dma_wait3A_162, %dma_wait3A_163] : memref<2560x1x128xi32, #tpu.memory_space<hbm>> -> memref<1x1x128xi32, #tpu.memory_space<hbm>>
        %dma_wait3A_165 = tpu.memref_squeeze %dma_wait3A_164 : memref<1x1x128xi32, #tpu.memory_space<hbm>> -> memref<1x128xi32, #tpu.memory_space<hbm>>
        %dma_wait3A_166 = tpu.memref_slice %arg11[%rem3A_115] : memref<2x!tpu.dma_semaphore, #tpu.memory_space<semaphore_mem>> -> memref<1x!tpu.dma_semaphore, #tpu.memory_space<semaphore_mem>>
        %dma_wait3A_167 = tpu.memref_squeeze %dma_wait3A_166 : memref<1x!tpu.dma_semaphore, #tpu.memory_space<semaphore_mem>> -> memref<!tpu.dma_semaphore, #tpu.memory_space<semaphore_mem>>
        %dma_wait3A_168 = arith.constant 0 : i32
        %dma_wait3A_169 = arith.constant 0 : i32
        %dma_wait3A_170 = tpu.memref_slice %arg6[%rem3A_115, %dma_wait3A_168, %dma_wait3A_169] : memref<2x1x128xi32, #tpu.memory_space<vmem>> -> memref<1x1x128xi32, #tpu.memory_space<vmem>>
        %dma_wait3A_171 = tpu.memref_squeeze %dma_wait3A_170 : memref<1x1x128xi32, #tpu.memory_space<vmem>> -> memref<1x128xi32, #tpu.memory_space<vmem>>
        %dma_wait3A_172 = arith.constant 0 : i32
        %dma_wait3A_173 = arith.constant 0 : i32
        %dma_wait3A_174 = tpu.memref_slice %arg3[%add3A_157, %dma_wait3A_172, %dma_wait3A_173] : memref<2560x1x128xi32, #tpu.memory_space<hbm>> -> memref<1x1x128xi32, #tpu.memory_space<hbm>>
        %dma_wait3A_175 = tpu.memref_squeeze %dma_wait3A_174 : memref<1x1x128xi32, #tpu.memory_space<hbm>> -> memref<1x128xi32, #tpu.memory_space<hbm>>
        tpu.wait_dma2 semaphore(%dma_wait3A_167 : memref<!tpu.dma_semaphore, #tpu.memory_space<semaphore_mem>>) src(%dma_wait3A_175 : memref<1x128xi32, #tpu.memory_space<hbm>>) dst(%dma_wait3A_171 : memref<1x128xi32, #tpu.memory_space<vmem>>)
        %dma_start3A_176 = arith.constant 0 : i32
        %dma_start3A_177 = arith.constant 0 : i32
        %dma_start3A_178 = arith.constant 0 : i32
        %dma_start3A_179 = tpu.memref_slice %arg8[%rem3A_115, %dma_start3A_177, %dma_start3A_178] : memref<2x128x128xf32, #tpu.memory_space<vmem>> -> memref<1x128x128xf32, #tpu.memory_space<vmem>>
        %dma_start3A_180 = tpu.memref_squeeze %dma_start3A_179 : memref<1x128x128xf32, #tpu.memory_space<vmem>> -> memref<128x128xf32, #tpu.memory_space<vmem>>
        %dma_start3A_181 = arith.constant 0 : i32
        %dma_start3A_182 = tpu.memref_slice %arg6[%rem3A_115, %dma_start3A_176, %dma_start3A_181] : memref<2x1x128xi32, #tpu.memory_space<vmem>> -> memref<1x1x128xi32, #tpu.memory_space<vmem>>
        %dma_start3A_183 = tpu.memref_squeeze %dma_start3A_182 : memref<1x1x128xi32, #tpu.memory_space<vmem>> -> memref<128xi32, #tpu.memory_space<vmem>>
        %dma_start3A_184 = arith.constant 0 : i32
        %dma_start3A_185 = arith.constant 0 : i32
        %dma_start3A_186 = tpu.memref_slice %arg2[%dma_start3A_184, %dma_start3A_185] : memref<10240x128xf32, #tpu.memory_space<hbm>> -> memref<10240x128xf32, #tpu.memory_space<hbm>>
        %dma_start3A_187 = tpu.memref_slice %arg10[%rem3A_115] : memref<2x!tpu.dma_semaphore, #tpu.memory_space<semaphore_mem>> -> memref<1x!tpu.dma_semaphore, #tpu.memory_space<semaphore_mem>>
        %dma_start3A_188 = tpu.memref_squeeze %dma_start3A_187 : memref<1x!tpu.dma_semaphore, #tpu.memory_space<semaphore_mem>> -> memref<!tpu.dma_semaphore, #tpu.memory_space<semaphore_mem>>
        tpu.enqueue_indirect_dma source(%dma_start3A_186 : memref<10240x128xf32, #tpu.memory_space<hbm>>) target(%dma_start3A_180 : memref<128x128xf32, #tpu.memory_space<vmem>>) offsets(%dma_start3A_183 : memref<128xi32, #tpu.memory_space<vmem>>) semaphore(%dma_start3A_188 : memref<!tpu.dma_semaphore, #tpu.memory_space<semaphore_mem>>)
      } else {
      }
      %dma_wait3A_119 = arith.constant 0 : i32
      %dma_wait3A_120 = arith.constant 0 : i32
      %dma_wait3A_121 = arith.constant 0 : i32
      %dma_wait3A_122 = tpu.memref_slice %arg8[%rem3A_111, %dma_wait3A_120, %dma_wait3A_121] : memref<2x128x128xf32, #tpu.memory_space<vmem>> -> memref<1x128x128xf32, #tpu.memory_space<vmem>>
      %dma_wait3A_123 = tpu.memref_squeeze %dma_wait3A_122 : memref<1x128x128xf32, #tpu.memory_space<vmem>> -> memref<128x128xf32, #tpu.memory_space<vmem>>
      %dma_wait3A_124 = arith.constant 0 : i32
      %dma_wait3A_125 = tpu.memref_slice %arg6[%rem3A_111, %dma_wait3A_119, %dma_wait3A_124] : memref<2x1x128xi32, #tpu.memory_space<vmem>> -> memref<1x1x128xi32, #tpu.memory_space<vmem>>
      %dma_wait3A_126 = tpu.memref_squeeze %dma_wait3A_125 : memref<1x1x128xi32, #tpu.memory_space<vmem>> -> memref<128xi32, #tpu.memory_space<vmem>>
      %dma_wait3A_127 = arith.constant 0 : i32
      %dma_wait3A_128 = arith.constant 0 : i32
      %dma_wait3A_129 = tpu.memref_slice %arg2[%dma_wait3A_127, %dma_wait3A_128] : memref<10240x128xf32, #tpu.memory_space<hbm>> -> memref<10240x128xf32, #tpu.memory_space<hbm>>
      %dma_wait3A_130 = tpu.memref_slice %arg10[%rem3A_111] : memref<2x!tpu.dma_semaphore, #tpu.memory_space<semaphore_mem>> -> memref<1x!tpu.dma_semaphore, #tpu.memory_space<semaphore_mem>>
      %dma_wait3A_131 = tpu.memref_squeeze %dma_wait3A_130 : memref<1x!tpu.dma_semaphore, #tpu.memory_space<semaphore_mem>> -> memref<!tpu.dma_semaphore, #tpu.memory_space<semaphore_mem>>
      tpu.wait_indirect_dma semaphore(%dma_wait3A_131 : memref<!tpu.dma_semaphore, #tpu.memory_space<semaphore_mem>>) src(%dma_wait3A_129 : memref<10240x128xf32, #tpu.memory_space<hbm>>) dst(%dma_wait3A_123 : memref<128x128xf32, #tpu.memory_space<vmem>>)
      %add3A_132 = arith.constant 2 : i32
      %add3A_133 = arith.addi %while3A_109, %add3A_132 : i32
      %lt3A_134 = arith.cmpi slt, %add3A_133, %select_n3A : i32
      %convert_element_type3A_135 = arith.extui %lt3A_134 : i1 to i32
      %cond3A_136 = arith.constant 0 : i32
      %cond3A_137 = arith.cmpi ne, %convert_element_type3A_135, %cond3A_136 : i32
      scf.if %cond3A_137 {
        %add3A_151 = arith.addi %select_n3A_8, %while3A_109 : i32
        %add3A_152 = arith.constant 2 : i32
        %add3A_153 = arith.addi %add3A_151, %add3A_152 : i32
        %dma_start3A_154 = arith.constant 0 : i32
        %dma_start3A_155 = arith.constant 0 : i32
        %dma_start3A_156 = tpu.memref_slice %arg6[%rem3A_111, %dma_start3A_154, %dma_start3A_155] : memref<2x1x128xi32, #tpu.memory_space<vmem>> -> memref<1x1x128xi32, #tpu.memory_space<vmem>>
        %dma_start3A_157 = tpu.memref_squeeze %dma_start3A_156 : memref<1x1x128xi32, #tpu.memory_space<vmem>> -> memref<1x128xi32, #tpu.memory_space<vmem>>
        %dma_start3A_158 = arith.constant 0 : i32
        %dma_start3A_159 = arith.constant 0 : i32
        %dma_start3A_160 = tpu.memref_slice %arg3[%add3A_153, %dma_start3A_158, %dma_start3A_159] : memref<2560x1x128xi32, #tpu.memory_space<hbm>> -> memref<1x1x128xi32, #tpu.memory_space<hbm>>
        %dma_start3A_161 = tpu.memref_squeeze %dma_start3A_160 : memref<1x1x128xi32, #tpu.memory_space<hbm>> -> memref<1x128xi32, #tpu.memory_space<hbm>>
        %dma_start3A_162 = tpu.memref_slice %arg11[%rem3A_111] : memref<2x!tpu.dma_semaphore, #tpu.memory_space<semaphore_mem>> -> memref<1x!tpu.dma_semaphore, #tpu.memory_space<semaphore_mem>>
        %dma_start3A_163 = tpu.memref_squeeze %dma_start3A_162 : memref<1x!tpu.dma_semaphore, #tpu.memory_space<semaphore_mem>> -> memref<!tpu.dma_semaphore, #tpu.memory_space<semaphore_mem>>
        %dma_start3A_164 = arith.constant 0 : i32
        %dma_start3A_165 = arith.constant 0 : i32
        %dma_start3A_166 = tpu.memref_slice %arg6[%rem3A_111, %dma_start3A_164, %dma_start3A_165] : memref<2x1x128xi32, #tpu.memory_space<vmem>> -> memref<1x1x128xi32, #tpu.memory_space<vmem>>
        %dma_start3A_167 = tpu.memref_squeeze %dma_start3A_166 : memref<1x1x128xi32, #tpu.memory_space<vmem>> -> memref<1x128xi32, #tpu.memory_space<vmem>>
        %dma_start3A_168 = arith.constant 0 : i32
        %dma_start3A_169 = arith.constant 0 : i32
        %dma_start3A_170 = tpu.memref_slice %arg3[%add3A_153, %dma_start3A_168, %dma_start3A_169] : memref<2560x1x128xi32, #tpu.memory_space<hbm>> -> memref<1x1x128xi32, #tpu.memory_space<hbm>>
        %dma_start3A_171 = tpu.memref_squeeze %dma_start3A_170 : memref<1x1x128xi32, #tpu.memory_space<hbm>> -> memref<1x128xi32, #tpu.memory_space<hbm>>
        tpu.enqueue_dma source(%dma_start3A_171 : memref<1x128xi32, #tpu.memory_space<hbm>>) target(%dma_start3A_167 : memref<1x128xi32, #tpu.memory_space<vmem>>) target_semaphore(%dma_start3A_163 : memref<!tpu.dma_semaphore, #tpu.memory_space<semaphore_mem>>)
      } else {
      }
      %dma_start3A_138 = arith.constant 0 : i32
      %dma_start3A_139 = arith.constant 0 : i32
      %dma_start3A_140 = arith.constant 0 : i32
      %dma_start3A_141 = tpu.memref_slice %arg8[%rem3A_111, %dma_start3A_139, %dma_start3A_140] : memref<2x128x128xf32, #tpu.memory_space<vmem>> -> memref<1x128x128xf32, #tpu.memory_space<vmem>>
      %dma_start3A_142 = tpu.memref_squeeze %dma_start3A_141 : memref<1x128x128xf32, #tpu.memory_space<vmem>> -> memref<128x128xf32, #tpu.memory_space<vmem>>
      %dma_start3A_143 = arith.constant 0 : i32
      %dma_start3A_144 = tpu.memref_slice %arg7[%while3A_109, %dma_start3A_138, %dma_start3A_143] : memref<99x1x128xi32, #tpu.memory_space<vmem>> -> memref<1x1x128xi32, #tpu.memory_space<vmem>>
      %dma_start3A_145 = tpu.memref_squeeze %dma_start3A_144 : memref<1x1x128xi32, #tpu.memory_space<vmem>> -> memref<128xi32, #tpu.memory_space<vmem>>
      %dma_start3A_146 = arith.constant 0 : i32
      %dma_start3A_147 = arith.constant 0 : i32
      %dma_start3A_148 = tpu.memref_slice %arg9[%dma_start3A_146, %dma_start3A_147] : memref<10240x128xf32, #tpu.memory_space<vmem_shared>> -> memref<10240x128xf32, #tpu.memory_space<vmem_shared>>
      %dma_start3A_149 = tpu.memref_slice %arg12[%rem3A_111] : memref<2x!tpu.dma_semaphore, #tpu.memory_space<semaphore_mem>> -> memref<1x!tpu.dma_semaphore, #tpu.memory_space<semaphore_mem>>
      %dma_start3A_150 = tpu.memref_squeeze %dma_start3A_149 : memref<1x!tpu.dma_semaphore, #tpu.memory_space<semaphore_mem>> -> memref<!tpu.dma_semaphore, #tpu.memory_space<semaphore_mem>>
      tpu.enqueue_indirect_dma source(%dma_start3A_142 : memref<128x128xf32, #tpu.memory_space<vmem>>) target(%dma_start3A_148 : memref<10240x128xf32, #tpu.memory_space<vmem_shared>>) offsets(%dma_start3A_145 : memref<128xi32, #tpu.memory_space<vmem>>) semaphore(%dma_start3A_150 : memref<!tpu.dma_semaphore, #tpu.memory_space<semaphore_mem>>) {add = true}
    }
    %rem3A = arith.constant 2 : i32
    %rem3A_69 = arith.remsi %select_n3A, %rem3A : i32
    %sub3A = arith.constant 2 : i32
    %sub3A_70 = arith.subi %select_n3A, %sub3A : i32
    %rem3A_71 = arith.constant 2 : i32
    %rem3A_72 = arith.remsi %select_n3A, %rem3A_71 : i32
    %dma_wait3A = arith.constant 0 : i32
    %dma_wait3A_73 = arith.constant 0 : i32
    %dma_wait3A_74 = arith.constant 0 : i32
    %dma_wait3A_75 = tpu.memref_slice %arg8[%rem3A_69, %dma_wait3A_73, %dma_wait3A_74] : memref<2x128x128xf32, #tpu.memory_space<vmem>> -> memref<1x128x128xf32, #tpu.memory_space<vmem>>
    %dma_wait3A_76 = tpu.memref_squeeze %dma_wait3A_75 : memref<1x128x128xf32, #tpu.memory_space<vmem>> -> memref<128x128xf32, #tpu.memory_space<vmem>>
    %dma_wait3A_77 = arith.constant 0 : i32
    %dma_wait3A_78 = tpu.memref_slice %arg7[%sub3A_70, %dma_wait3A, %dma_wait3A_77] : memref<99x1x128xi32, #tpu.memory_space<vmem>> -> memref<1x1x128xi32, #tpu.memory_space<vmem>>
    %dma_wait3A_79 = tpu.memref_squeeze %dma_wait3A_78 : memref<1x1x128xi32, #tpu.memory_space<vmem>> -> memref<128xi32, #tpu.memory_space<vmem>>
    %dma_wait3A_80 = arith.constant 0 : i32
    %dma_wait3A_81 = arith.constant 0 : i32
    %dma_wait3A_82 = tpu.memref_slice %arg9[%dma_wait3A_80, %dma_wait3A_81] : memref<10240x128xf32, #tpu.memory_space<vmem_shared>> -> memref<10240x128xf32, #tpu.memory_space<vmem_shared>>
    %dma_wait3A_83 = tpu.memref_slice %arg12[%rem3A_72] : memref<2x!tpu.dma_semaphore, #tpu.memory_space<semaphore_mem>> -> memref<1x!tpu.dma_semaphore, #tpu.memory_space<semaphore_mem>>
    %dma_wait3A_84 = tpu.memref_squeeze %dma_wait3A_83 : memref<1x!tpu.dma_semaphore, #tpu.memory_space<semaphore_mem>> -> memref<!tpu.dma_semaphore, #tpu.memory_space<semaphore_mem>>
    tpu.wait_indirect_dma semaphore(%dma_wait3A_84 : memref<!tpu.dma_semaphore, #tpu.memory_space<semaphore_mem>>) src(%dma_wait3A_76 : memref<128x128xf32, #tpu.memory_space<vmem>>) dst(%dma_wait3A_82 : memref<10240x128xf32, #tpu.memory_space<vmem_shared>>)
    %add3A_85 = arith.constant 1 : i32
    %add3A_86 = arith.addi %select_n3A, %add3A_85 : i32
    %rem3A_87 = arith.constant 2 : i32
    %rem3A_88 = arith.remsi %add3A_86, %rem3A_87 : i32
    %sub3A_89 = arith.constant 1 : i32
    %sub3A_90 = arith.subi %select_n3A, %sub3A_89 : i32
    %add3A_91 = arith.constant 1 : i32
    %add3A_92 = arith.addi %select_n3A, %add3A_91 : i32
    %rem3A_93 = arith.constant 2 : i32
    %rem3A_94 = arith.remsi %add3A_92, %rem3A_93 : i32
    %dma_wait3A_95 = arith.constant 0 : i32
    %dma_wait3A_96 = arith.constant 0 : i32
    %dma_wait3A_97 = arith.constant 0 : i32
    %dma_wait3A_98 = tpu.memref_slice %arg8[%rem3A_88, %dma_wait3A_96, %dma_wait3A_97] : memref<2x128x128xf32, #tpu.memory_space<vmem>> -> memref<1x128x128xf32, #tpu.memory_space<vmem>>
    %dma_wait3A_99 = tpu.memref_squeeze %dma_wait3A_98 : memref<1x128x128xf32, #tpu.memory_space<vmem>> -> memref<128x128xf32, #tpu.memory_space<vmem>>
    %dma_wait3A_100 = arith.constant 0 : i32
    %dma_wait3A_101 = tpu.memref_slice %arg7[%sub3A_90, %dma_wait3A_95, %dma_wait3A_100] : memref<99x1x128xi32, #tpu.memory_space<vmem>> -> memref<1x1x128xi32, #tpu.memory_space<vmem>>
    %dma_wait3A_102 = tpu.memref_squeeze %dma_wait3A_101 : memref<1x1x128xi32, #tpu.memory_space<vmem>> -> memref<128xi32, #tpu.memory_space<vmem>>
    %dma_wait3A_103 = arith.constant 0 : i32
    %dma_wait3A_104 = arith.constant 0 : i32
    %dma_wait3A_105 = tpu.memref_slice %arg9[%dma_wait3A_103, %dma_wait3A_104] : memref<10240x128xf32, #tpu.memory_space<vmem_shared>> -> memref<10240x128xf32, #tpu.memory_space<vmem_shared>>
    %dma_wait3A_106 = tpu.memref_slice %arg12[%rem3A_94] : memref<2x!tpu.dma_semaphore, #tpu.memory_space<semaphore_mem>> -> memref<1x!tpu.dma_semaphore, #tpu.memory_space<semaphore_mem>>
    %dma_wait3A_107 = tpu.memref_squeeze %dma_wait3A_106 : memref<1x!tpu.dma_semaphore, #tpu.memory_space<semaphore_mem>> -> memref<!tpu.dma_semaphore, #tpu.memory_space<semaphore_mem>>
    tpu.wait_indirect_dma semaphore(%dma_wait3A_107 : memref<!tpu.dma_semaphore, #tpu.memory_space<semaphore_mem>>) src(%dma_wait3A_99 : memref<128x128xf32, #tpu.memory_space<vmem>>) dst(%dma_wait3A_105 : memref<10240x128xf32, #tpu.memory_space<vmem_shared>>)
    %barrier3A_108 = arith.constant 0 : index
    tpu.barrier barrier_id(%barrier3A_108)
    "tpu.region"() ({
      %run_scoped3A_109 = tpu.sem_alloc : memref<!tpu.dma_semaphore, #tpu.memory_space<semaphore_mem>>
      %dma_start3A_110 = arith.constant 0 : i32
      %dma_start3A_111 = tpu.memref_slice %arg5[%arg0, %mul3A_10, %dma_start3A_110] : memref<2x10240x128xf32, #tpu.memory_space<hbm>> -> memref<1x640x128xf32, #tpu.memory_space<hbm>>
      %dma_start3A_112 = tpu.memref_squeeze %dma_start3A_111 : memref<1x640x128xf32, #tpu.memory_space<hbm>> -> memref<640x128xf32, #tpu.memory_space<hbm>>
      %dma_start3A_113 = arith.constant 0 : i32
      %dma_start3A_114 = tpu.memref_slice %arg9[%mul3A_10, %dma_start3A_113] : memref<10240x128xf32, #tpu.memory_space<vmem_shared>> -> memref<640x128xf32, #tpu.memory_space<vmem_shared>>
      tpu.enqueue_dma source(%dma_start3A_114 : memref<640x128xf32, #tpu.memory_space<vmem_shared>>) target(%dma_start3A_112 : memref<640x128xf32, #tpu.memory_space<hbm>>) target_semaphore(%run_scoped3A_109 : memref<!tpu.dma_semaphore, #tpu.memory_space<semaphore_mem>>)
      %dma_wait3A_115 = arith.constant 0 : i32
      %dma_wait3A_116 = tpu.memref_slice %arg5[%arg0, %mul3A_10, %dma_wait3A_115] : memref<2x10240x128xf32, #tpu.memory_space<hbm>> -> memref<1x640x128xf32, #tpu.memory_space<hbm>>
      %dma_wait3A_117 = tpu.memref_squeeze %dma_wait3A_116 : memref<1x640x128xf32, #tpu.memory_space<hbm>> -> memref<640x128xf32, #tpu.memory_space<hbm>>
      %dma_wait3A_118 = arith.constant 0 : i32
      %dma_wait3A_119 = tpu.memref_slice %arg9[%mul3A_10, %dma_wait3A_118] : memref<10240x128xf32, #tpu.memory_space<vmem_shared>> -> memref<640x128xf32, #tpu.memory_space<vmem_shared>>
      tpu.wait_dma2 semaphore(%run_scoped3A_109 : memref<!tpu.dma_semaphore, #tpu.memory_space<semaphore_mem>>) src(%dma_wait3A_119 : memref<640x128xf32, #tpu.memory_space<vmem_shared>>) dst(%dma_wait3A_117 : memref<640x128xf32, #tpu.memory_space<hbm>>)
      tpu.yield
    }) : () -> ()
    return
  }
}

#map = affine_map<(d0, d1) -> (0, 0)>
#map1 = affine_map<(d0, d1) -> (0, 0, 0)>
module attributes {stable_mosaic.version = 14 : i64} {
  func.func @edge_kernel(%arg0: i32, %arg1: i32, %arg2: memref<10240x128xf32, #tpu.memory_space<hbm>>, %arg3: memref<2560x1x128xi32, #tpu.memory_space<hbm>>, %arg4: memref<2560x1x128xi32, #tpu.memory_space<hbm>>, %arg5: memref<2x10240x128xf32, #tpu.memory_space<hbm>>, %arg6: memref<2x1x128xi32, #tpu.memory_space<vmem>>, %arg7: memref<99x1x128xi32, #tpu.memory_space<vmem>>, %arg8: memref<2x128x128xf32, #tpu.memory_space<vmem>>, %arg9: memref<10240x128xf32, #tpu.memory_space<vmem_shared>>, %arg10: memref<2x!tpu.dma_semaphore, #tpu.memory_space<semaphore_mem>>, %arg11: memref<2x!tpu.dma_semaphore, #tpu.memory_space<semaphore_mem>>, %arg12: memref<2x!tpu.dma_semaphore, #tpu.memory_space<semaphore_mem>>) attributes {dimension_semantics = [#tpu.dimension_semantics<core_parallel>, #tpu.dimension_semantics<subcore_parallel>], iteration_bounds = array<i64: 2, 16>, scalar_prefetch = 0 : i64, scratch_operands = 7 : i64, tpu.core_type = #tpu.core_type<sc_vector_subcore>, window_params = [{transform_indices = #map}, {transform_indices = #map1}, {transform_indices = #map1}, {transform_indices = #map1}]} {
    %eq3A = arith.constant 0 : i32
    %eq3A_0 = arith.cmpi eq, %arg0, %eq3A : i32
    %jit3A = arith.constant 99 : i32
    %jit3A_1 = arith.constant 58 : i32
    %select_n3A = arith.select %eq3A_0, %jit3A, %jit3A_1 : i32
    %eq3A_2 = arith.constant 0 : i32
    %eq3A_3 = arith.cmpi eq, %arg0, %eq3A_2 : i32
    %mul3A = arith.constant 99 : i32
    %mul3A_4 = arith.muli %arg1, %mul3A : i32
    %mul3A_5 = arith.constant 58 : i32
    %mul3A_6 = arith.muli %arg1, %mul3A_5 : i32
    %add3A = arith.constant 1584 : i32
    %add3A_7 = arith.addi %add3A, %mul3A_6 : i32
    %select_n3A_8 = arith.select %eq3A_3, %mul3A_4, %add3A_7 : i32
    %mul3A_9 = arith.constant 640 : i32
    %mul3A_10 = arith.muli %arg1, %mul3A_9 : i32
    %broadcast_in_dim3A = arith.constant 0.000000e+00 : f32
    %broadcast_in_dim3A_11 = vector.broadcast %broadcast_in_dim3A : f32 to vector<16xf32>
    %scan3A = arith.constant 0 : i32
    %scan3A_12 = arith.constant 0 : i32
    %scan3A_13 = arith.constant 128 : i32
    %scan3A_14 = arith.addi %scan3A_12, %scan3A_13 : i32
    %scan3A_15 = arith.constant 1 : i32
    scf.for %scan3A_109 = %scan3A_12 to %scan3A_14 step %scan3A_15  : i32 {
      %swap3A = arith.constant 0 : i32
      %swap3A_110 = arith.index_cast %swap3A : i32 to index
      %swap3A_111 = arith.index_cast %scan3A_109 : i32 to index
      %swap3A_112 = arith.constant 0 : index
      %swap3A_113 = tpu.vector_load %arg8[%swap3A_110, %swap3A_111, %swap3A_112] {strides = array<i32>} : memref<2x128x128xf32, #tpu.memory_space<vmem>>, vector<1x1x16xf32>,
      %swap3A_114 = vector.shape_cast %swap3A_113 : vector<1x1x16xf32> to vector<16xf32>
      %swap3A_115 = vector.shape_cast %broadcast_in_dim3A_11 : vector<16xf32> to vector<1x1x16xf32>
      tpu.vector_store %arg8[%swap3A_110, %swap3A_111, %swap3A_112], %swap3A_115 {strides = array<i32>} : memref<2x128x128xf32, #tpu.memory_space<vmem>>, vector<1x1x16xf32>,
      %swap3A_116 = arith.constant 0 : i32
      %swap3A_117 = arith.index_cast %swap3A_116 : i32 to index
      %swap3A_118 = arith.index_cast %scan3A_109 : i32 to index
      %swap3A_119 = arith.constant 16 : index
      %swap3A_120 = tpu.vector_load %arg8[%swap3A_117, %swap3A_118, %swap3A_119] {strides = array<i32>} : memref<2x128x128xf32, #tpu.memory_space<vmem>>, vector<1x1x16xf32>,
      %swap3A_121 = vector.shape_cast %swap3A_120 : vector<1x1x16xf32> to vector<16xf32>
      %swap3A_122 = vector.shape_cast %broadcast_in_dim3A_11 : vector<16xf32> to vector<1x1x16xf32>
      tpu.vector_store %arg8[%swap3A_117, %swap3A_118, %swap3A_119], %swap3A_122 {strides = array<i32>} : memref<2x128x128xf32, #tpu.memory_space<vmem>>, vector<1x1x16xf32>,
      %swap3A_123 = arith.constant 0 : i32
      %swap3A_124 = arith.index_cast %swap3A_123 : i32 to index
      %swap3A_125 = arith.index_cast %scan3A_109 : i32 to index
      %swap3A_126 = arith.constant 32 : index
      %swap3A_127 = tpu.vector_load %arg8[%swap3A_124, %swap3A_125, %swap3A_126] {strides = array<i32>} : memref<2x128x128xf32, #tpu.memory_space<vmem>>, vector<1x1x16xf32>,
      %swap3A_128 = vector.shape_cast %swap3A_127 : vector<1x1x16xf32> to vector<16xf32>
      %swap3A_129 = vector.shape_cast %broadcast_in_dim3A_11 : vector<16xf32> to vector<1x1x16xf32>
      tpu.vector_store %arg8[%swap3A_124, %swap3A_125, %swap3A_126], %swap3A_129 {strides = array<i32>} : memref<2x128x128xf32, #tpu.memory_space<vmem>>, vector<1x1x16xf32>,
      %swap3A_130 = arith.constant 0 : i32
      %swap3A_131 = arith.index_cast %swap3A_130 : i32 to index
      %swap3A_132 = arith.index_cast %scan3A_109 : i32 to index
      %swap3A_133 = arith.constant 48 : index
      %swap3A_134 = tpu.vector_load %arg8[%swap3A_131, %swap3A_132, %swap3A_133] {strides = array<i32>} : memref<2x128x128xf32, #tpu.memory_space<vmem>>, vector<1x1x16xf32>,
      %swap3A_135 = vector.shape_cast %swap3A_134 : vector<1x1x16xf32> to vector<16xf32>
      %swap3A_136 = vector.shape_cast %broadcast_in_dim3A_11 : vector<16xf32> to vector<1x1x16xf32>
      tpu.vector_store %arg8[%swap3A_131, %swap3A_132, %swap3A_133], %swap3A_136 {strides = array<i32>} : memref<2x128x128xf32, #tpu.memory_space<vmem>>, vector<1x1x16xf32>,
      %swap3A_137 = arith.constant 0 : i32
      %swap3A_138 = arith.index_cast %swap3A_137 : i32 to index
      %swap3A_139 = arith.index_cast %scan3A_109 : i32 to index
      %swap3A_140 = arith.constant 64 : index
      %swap3A_141 = tpu.vector_load %arg8[%swap3A_138, %swap3A_139, %swap3A_140] {strides = array<i32>} : memref<2x128x128xf32, #tpu.memory_space<vmem>>, vector<1x1x16xf32>,
      %swap3A_142 = vector.shape_cast %swap3A_141 : vector<1x1x16xf32> to vector<16xf32>
      %swap3A_143 = vector.shape_cast %broadcast_in_dim3A_11 : vector<16xf32> to vector<1x1x16xf32>
      tpu.vector_store %arg8[%swap3A_138, %swap3A_139, %swap3A_140], %swap3A_143 {strides = array<i32>} : memref<2x128x128xf32, #tpu.memory_space<vmem>>, vector<1x1x16xf32>,
      %swap3A_144 = arith.constant 0 : i32
      %swap3A_145 = arith.index_cast %swap3A_144 : i32 to index
      %swap3A_146 = arith.index_cast %scan3A_109 : i32 to index
      %swap3A_147 = arith.constant 80 : index
      %swap3A_148 = tpu.vector_load %arg8[%swap3A_145, %swap3A_146, %swap3A_147] {strides = array<i32>} : memref<2x128x128xf32, #tpu.memory_space<vmem>>, vector<1x1x16xf32>,
      %swap3A_149 = vector.shape_cast %swap3A_148 : vector<1x1x16xf32> to vector<16xf32>
      %swap3A_150 = vector.shape_cast %broadcast_in_dim3A_11 : vector<16xf32> to vector<1x1x16xf32>
      tpu.vector_store %arg8[%swap3A_145, %swap3A_146, %swap3A_147], %swap3A_150 {strides = array<i32>} : memref<2x128x128xf32, #tpu.memory_space<vmem>>, vector<1x1x16xf32>,
      %swap3A_151 = arith.constant 0 : i32
      %swap3A_152 = arith.index_cast %swap3A_151 : i32 to index
      %swap3A_153 = arith.index_cast %scan3A_109 : i32 to index
      %swap3A_154 = arith.constant 96 : index
      %swap3A_155 = tpu.vector_load %arg8[%swap3A_152, %swap3A_153, %swap3A_154] {strides = array<i32>} : memref<2x128x128xf32, #tpu.memory_space<vmem>>, vector<1x1x16xf32>,
      %swap3A_156 = vector.shape_cast %swap3A_155 : vector<1x1x16xf32> to vector<16xf32>
      %swap3A_157 = vector.shape_cast %broadcast_in_dim3A_11 : vector<16xf32> to vector<1x1x16xf32>
      tpu.vector_store %arg8[%swap3A_152, %swap3A_153, %swap3A_154], %swap3A_157 {strides = array<i32>} : memref<2x128x128xf32, #tpu.memory_space<vmem>>, vector<1x1x16xf32>,
      %swap3A_158 = arith.constant 0 : i32
      %swap3A_159 = arith.index_cast %swap3A_158 : i32 to index
      %swap3A_160 = arith.index_cast %scan3A_109 : i32 to index
      %swap3A_161 = arith.constant 112 : index
      %swap3A_162 = tpu.vector_load %arg8[%swap3A_159, %swap3A_160, %swap3A_161] {strides = array<i32>} : memref<2x128x128xf32, #tpu.memory_space<vmem>>, vector<1x1x16xf32>,
      %swap3A_163 = vector.shape_cast %swap3A_162 : vector<1x1x16xf32> to vector<16xf32>
      %swap3A_164 = vector.shape_cast %broadcast_in_dim3A_11 : vector<16xf32> to vector<1x1x16xf32>
      tpu.vector_store %arg8[%swap3A_159, %swap3A_160, %swap3A_161], %swap3A_164 {strides = array<i32>} : memref<2x128x128xf32, #tpu.memory_space<vmem>>, vector<1x1x16xf32>,
    }
    %scan3A_16 = arith.constant 128 : i32
    %scan3A_17 = arith.constant 0 : i32
    %scan3A_18 = arith.constant 0 : i32
    %scan3A_19 = arith.constant 5 : i32
    %scan3A_20 = arith.addi %scan3A_18, %scan3A_19 : i32
    %scan3A_21 = arith.constant 1 : i32
    scf.for %scan3A_109 = %scan3A_18 to %scan3A_20 step %scan3A_21  : i32 {
      %mul3A_110 = arith.constant 128 : i32
      %mul3A_111 = arith.muli %scan3A_109, %mul3A_110 : i32
      %add3A_112 = arith.addi %mul3A_10, %mul3A_111 : i32
      %run_scoped3A_113 = arith.constant 0 : i32
      "tpu.region"() ({
        %run_scoped3A_114 = tpu.sem_alloc : memref<!tpu.dma_semaphore, #tpu.memory_space<semaphore_mem>>
        %dma_start3A_115 = arith.constant 0 : i32
        %dma_start3A_116 = arith.constant 0 : i32
        %dma_start3A_117 = tpu.memref_slice %arg8[%run_scoped3A_113, %dma_start3A_115, %dma_start3A_116] : memref<2x128x128xf32, #tpu.memory_space<vmem>> -> memref<1x128x128xf32, #tpu.memory_space<vmem>>
        %dma_start3A_118 = tpu.memref_squeeze %dma_start3A_117 : memref<1x128x128xf32, #tpu.memory_space<vmem>> -> memref<128x128xf32, #tpu.memory_space<vmem>>
        %dma_start3A_119 = arith.constant 0 : i32
        %dma_start3A_120 = tpu.memref_slice %arg9[%add3A_112, %dma_start3A_119] : memref<10240x128xf32, #tpu.memory_space<vmem_shared>> -> memref<128x128xf32, #tpu.memory_space<vmem_shared>>
        %dma_start3A_121 = arith.constant 0 : i32
        %dma_start3A_122 = tpu.memref_slice %arg9[%add3A_112, %dma_start3A_121] : memref<10240x128xf32, #tpu.memory_space<vmem_shared>> -> memref<128x128xf32, #tpu.memory_space<vmem_shared>>
        %dma_start3A_123 = arith.constant 0 : i32
        %dma_start3A_124 = arith.constant 0 : i32
        %dma_start3A_125 = tpu.memref_slice %arg8[%run_scoped3A_113, %dma_start3A_123, %dma_start3A_124] : memref<2x128x128xf32, #tpu.memory_space<vmem>> -> memref<1x128x128xf32, #tpu.memory_space<vmem>>
        %dma_start3A_126 = tpu.memref_squeeze %dma_start3A_125 : memref<1x128x128xf32, #tpu.memory_space<vmem>> -> memref<128x128xf32, #tpu.memory_space<vmem>>
        tpu.enqueue_dma source(%dma_start3A_126 : memref<128x128xf32, #tpu.memory_space<vmem>>) target(%dma_start3A_122 : memref<128x128xf32, #tpu.memory_space<vmem_shared>>) target_semaphore(%run_scoped3A_114 : memref<!tpu.dma_semaphore, #tpu.memory_space<semaphore_mem>>)
        %dma_wait3A_127 = arith.constant 0 : i32
        %dma_wait3A_128 = arith.constant 0 : i32
        %dma_wait3A_129 = tpu.memref_slice %arg8[%run_scoped3A_113, %dma_wait3A_127, %dma_wait3A_128] : memref<2x128x128xf32, #tpu.memory_space<vmem>> -> memref<1x128x128xf32, #tpu.memory_space<vmem>>
        %dma_wait3A_130 = tpu.memref_squeeze %dma_wait3A_129 : memref<1x128x128xf32, #tpu.memory_space<vmem>> -> memref<128x128xf32, #tpu.memory_space<vmem>>
        %dma_wait3A_131 = arith.constant 0 : i32
        %dma_wait3A_132 = tpu.memref_slice %arg9[%add3A_112, %dma_wait3A_131] : memref<10240x128xf32, #tpu.memory_space<vmem_shared>> -> memref<128x128xf32, #tpu.memory_space<vmem_shared>>
        %dma_wait3A_133 = arith.constant 0 : i32
        %dma_wait3A_134 = tpu.memref_slice %arg9[%add3A_112, %dma_wait3A_133] : memref<10240x128xf32, #tpu.memory_space<vmem_shared>> -> memref<128x128xf32, #tpu.memory_space<vmem_shared>>
        %dma_wait3A_135 = arith.constant 0 : i32
        %dma_wait3A_136 = arith.constant 0 : i32
        %dma_wait3A_137 = tpu.memref_slice %arg8[%run_scoped3A_113, %dma_wait3A_135, %dma_wait3A_136] : memref<2x128x128xf32, #tpu.memory_space<vmem>> -> memref<1x128x128xf32, #tpu.memory_space<vmem>>
        %dma_wait3A_138 = tpu.memref_squeeze %dma_wait3A_137 : memref<1x128x128xf32, #tpu.memory_space<vmem>> -> memref<128x128xf32, #tpu.memory_space<vmem>>
        tpu.wait_dma2 semaphore(%run_scoped3A_114 : memref<!tpu.dma_semaphore, #tpu.memory_space<semaphore_mem>>) src(%dma_wait3A_138 : memref<128x128xf32, #tpu.memory_space<vmem>>) dst(%dma_wait3A_134 : memref<128x128xf32, #tpu.memory_space<vmem_shared>>)
        tpu.yield
      }) : () -> ()
    }
    %scan3A_22 = arith.constant 5 : i32
    "tpu.region"() ({
      %run_scoped3A_109 = tpu.sem_alloc : memref<!tpu.dma_semaphore, #tpu.memory_space<semaphore_mem>>
      %dma_start3A_110 = arith.constant 0 : i32
      %dma_start3A_111 = arith.constant 0 : i32
      %dma_start3A_112 = tpu.memref_slice %arg4[%select_n3A_8, %dma_start3A_110, %dma_start3A_111] : memref<2560x1x128xi32, #tpu.memory_space<hbm>> -> memref<99x1x128xi32, #tpu.memory_space<hbm>>
      %dma_start3A_113 = arith.constant 0 : i32
      %dma_start3A_114 = arith.constant 0 : i32
      %dma_start3A_115 = tpu.memref_slice %arg4[%select_n3A_8, %dma_start3A_113, %dma_start3A_114] : memref<2560x1x128xi32, #tpu.memory_space<hbm>> -> memref<99x1x128xi32, #tpu.memory_space<hbm>>
      tpu.enqueue_dma source(%dma_start3A_115 : memref<99x1x128xi32, #tpu.memory_space<hbm>>) target(%arg7 : memref<99x1x128xi32, #tpu.memory_space<vmem>>) target_semaphore(%run_scoped3A_109 : memref<!tpu.dma_semaphore, #tpu.memory_space<semaphore_mem>>)
      %dma_wait3A_116 = arith.constant 0 : i32
      %dma_wait3A_117 = arith.constant 0 : i32
      %dma_wait3A_118 = tpu.memref_slice %arg4[%select_n3A_8, %dma_wait3A_116, %dma_wait3A_117] : memref<2560x1x128xi32, #tpu.memory_space<hbm>> -> memref<99x1x128xi32, #tpu.memory_space<hbm>>
      %dma_wait3A_119 = arith.constant 0 : i32
      %dma_wait3A_120 = arith.constant 0 : i32
      %dma_wait3A_121 = tpu.memref_slice %arg4[%select_n3A_8, %dma_wait3A_119, %dma_wait3A_120] : memref<2560x1x128xi32, #tpu.memory_space<hbm>> -> memref<99x1x128xi32, #tpu.memory_space<hbm>>
      tpu.wait_dma2 semaphore(%run_scoped3A_109 : memref<!tpu.dma_semaphore, #tpu.memory_space<semaphore_mem>>) src(%dma_wait3A_121 : memref<99x1x128xi32, #tpu.memory_space<hbm>>) dst(%arg7 : memref<99x1x128xi32, #tpu.memory_space<vmem>>)
      tpu.yield
    }) : () -> ()
    %barrier3A = arith.constant 0 : index
    tpu.barrier barrier_id(%barrier3A)
    %run_scoped3A = arith.constant 0 : i32
    "tpu.region"() ({
      %run_scoped3A_109 = tpu.sem_alloc : memref<!tpu.dma_semaphore, #tpu.memory_space<semaphore_mem>>
      %dma_start3A_110 = arith.constant 0 : i32
      %dma_start3A_111 = arith.constant 0 : i32
      %dma_start3A_112 = tpu.memref_slice %arg6[%run_scoped3A, %dma_start3A_110, %dma_start3A_111] : memref<2x1x128xi32, #tpu.memory_space<vmem>> -> memref<1x1x128xi32, #tpu.memory_space<vmem>>
      %dma_start3A_113 = tpu.memref_squeeze %dma_start3A_112 : memref<1x1x128xi32, #tpu.memory_space<vmem>> -> memref<1x128xi32, #tpu.memory_space<vmem>>
      %dma_start3A_114 = arith.constant 0 : i32
      %dma_start3A_115 = arith.constant 0 : i32
      %dma_start3A_116 = tpu.memref_slice %arg3[%select_n3A_8, %dma_start3A_114, %dma_start3A_115] : memref<2560x1x128xi32, #tpu.memory_space<hbm>> -> memref<1x1x128xi32, #tpu.memory_space<hbm>>
      %dma_start3A_117 = tpu.memref_squeeze %dma_start3A_116 : memref<1x1x128xi32, #tpu.memory_space<hbm>> -> memref<1x128xi32, #tpu.memory_space<hbm>>
      %dma_start3A_118 = arith.constant 0 : i32
      %dma_start3A_119 = arith.constant 0 : i32
      %dma_start3A_120 = tpu.memref_slice %arg6[%run_scoped3A, %dma_start3A_118, %dma_start3A_119] : memref<2x1x128xi32, #tpu.memory_space<vmem>> -> memref<1x1x128xi32, #tpu.memory_space<vmem>>
      %dma_start3A_121 = tpu.memref_squeeze %dma_start3A_120 : memref<1x1x128xi32, #tpu.memory_space<vmem>> -> memref<1x128xi32, #tpu.memory_space<vmem>>
      %dma_start3A_122 = arith.constant 0 : i32
      %dma_start3A_123 = arith.constant 0 : i32
      %dma_start3A_124 = tpu.memref_slice %arg3[%select_n3A_8, %dma_start3A_122, %dma_start3A_123] : memref<2560x1x128xi32, #tpu.memory_space<hbm>> -> memref<1x1x128xi32, #tpu.memory_space<hbm>>
      %dma_start3A_125 = tpu.memref_squeeze %dma_start3A_124 : memref<1x1x128xi32, #tpu.memory_space<hbm>> -> memref<1x128xi32, #tpu.memory_space<hbm>>
      tpu.enqueue_dma source(%dma_start3A_125 : memref<1x128xi32, #tpu.memory_space<hbm>>) target(%dma_start3A_121 : memref<1x128xi32, #tpu.memory_space<vmem>>) target_semaphore(%run_scoped3A_109 : memref<!tpu.dma_semaphore, #tpu.memory_space<semaphore_mem>>)
      %dma_wait3A_126 = arith.constant 0 : i32
      %dma_wait3A_127 = arith.constant 0 : i32
      %dma_wait3A_128 = tpu.memref_slice %arg6[%run_scoped3A, %dma_wait3A_126, %dma_wait3A_127] : memref<2x1x128xi32, #tpu.memory_space<vmem>> -> memref<1x1x128xi32, #tpu.memory_space<vmem>>
      %dma_wait3A_129 = tpu.memref_squeeze %dma_wait3A_128 : memref<1x1x128xi32, #tpu.memory_space<vmem>> -> memref<1x128xi32, #tpu.memory_space<vmem>>
      %dma_wait3A_130 = arith.constant 0 : i32
      %dma_wait3A_131 = arith.constant 0 : i32
      %dma_wait3A_132 = tpu.memref_slice %arg3[%select_n3A_8, %dma_wait3A_130, %dma_wait3A_131] : memref<2560x1x128xi32, #tpu.memory_space<hbm>> -> memref<1x1x128xi32, #tpu.memory_space<hbm>>
      %dma_wait3A_133 = tpu.memref_squeeze %dma_wait3A_132 : memref<1x1x128xi32, #tpu.memory_space<hbm>> -> memref<1x128xi32, #tpu.memory_space<hbm>>
      %dma_wait3A_134 = arith.constant 0 : i32
      %dma_wait3A_135 = arith.constant 0 : i32
      %dma_wait3A_136 = tpu.memref_slice %arg6[%run_scoped3A, %dma_wait3A_134, %dma_wait3A_135] : memref<2x1x128xi32, #tpu.memory_space<vmem>> -> memref<1x1x128xi32, #tpu.memory_space<vmem>>
      %dma_wait3A_137 = tpu.memref_squeeze %dma_wait3A_136 : memref<1x1x128xi32, #tpu.memory_space<vmem>> -> memref<1x128xi32, #tpu.memory_space<vmem>>
      %dma_wait3A_138 = arith.constant 0 : i32
      %dma_wait3A_139 = arith.constant 0 : i32
      %dma_wait3A_140 = tpu.memref_slice %arg3[%select_n3A_8, %dma_wait3A_138, %dma_wait3A_139] : memref<2560x1x128xi32, #tpu.memory_space<hbm>> -> memref<1x1x128xi32, #tpu.memory_space<hbm>>
      %dma_wait3A_141 = tpu.memref_squeeze %dma_wait3A_140 : memref<1x1x128xi32, #tpu.memory_space<hbm>> -> memref<1x128xi32, #tpu.memory_space<hbm>>
      tpu.wait_dma2 semaphore(%run_scoped3A_109 : memref<!tpu.dma_semaphore, #tpu.memory_space<semaphore_mem>>) src(%dma_wait3A_141 : memref<1x128xi32, #tpu.memory_space<hbm>>) dst(%dma_wait3A_137 : memref<1x128xi32, #tpu.memory_space<vmem>>)
      tpu.yield
    }) : () -> ()
    %dma_start3A = arith.constant 0 : i32
    %dma_start3A_23 = arith.constant 0 : i32
    %dma_start3A_24 = arith.constant 0 : i32
    %dma_start3A_25 = arith.constant 0 : i32
    %dma_start3A_26 = arith.constant 0 : i32
    %dma_start3A_27 = arith.constant 0 : i32
    %dma_start3A_28 = tpu.memref_slice %arg8[%dma_start3A_24, %dma_start3A_26, %dma_start3A_27] : memref<2x128x128xf32, #tpu.memory_space<vmem>> -> memref<1x128x128xf32, #tpu.memory_space<vmem>>
    %dma_start3A_29 = tpu.memref_squeeze %dma_start3A_28 : memref<1x128x128xf32, #tpu.memory_space<vmem>> -> memref<128x128xf32, #tpu.memory_space<vmem>>
    %dma_start3A_30 = arith.constant 0 : i32
    %dma_start3A_31 = tpu.memref_slice %arg6[%dma_start3A, %dma_start3A_23, %dma_start3A_30] : memref<2x1x128xi32, #tpu.memory_space<vmem>> -> memref<1x1x128xi32, #tpu.memory_space<vmem>>
    %dma_start3A_32 = tpu.memref_squeeze %dma_start3A_31 : memref<1x1x128xi32, #tpu.memory_space<vmem>> -> memref<128xi32, #tpu.memory_space<vmem>>
    %dma_start3A_33 = arith.constant 0 : i32
    %dma_start3A_34 = arith.constant 0 : i32
    %dma_start3A_35 = tpu.memref_slice %arg2[%dma_start3A_33, %dma_start3A_34] : memref<10240x128xf32, #tpu.memory_space<hbm>> -> memref<10240x128xf32, #tpu.memory_space<hbm>>
    %dma_start3A_36 = tpu.memref_slice %arg10[%dma_start3A_25] : memref<2x!tpu.dma_semaphore, #tpu.memory_space<semaphore_mem>> -> memref<1x!tpu.dma_semaphore, #tpu.memory_space<semaphore_mem>>
    %dma_start3A_37 = tpu.memref_squeeze %dma_start3A_36 : memref<1x!tpu.dma_semaphore, #tpu.memory_space<semaphore_mem>> -> memref<!tpu.dma_semaphore, #tpu.memory_space<semaphore_mem>>
    tpu.enqueue_indirect_dma source(%dma_start3A_35 : memref<10240x128xf32, #tpu.memory_space<hbm>>) target(%dma_start3A_29 : memref<128x128xf32, #tpu.memory_space<vmem>>) offsets(%dma_start3A_32 : memref<128xi32, #tpu.memory_space<vmem>>) semaphore(%dma_start3A_37 : memref<!tpu.dma_semaphore, #tpu.memory_space<semaphore_mem>>)
    %add3A_38 = arith.constant 1 : i32
    %add3A_39 = arith.addi %select_n3A_8, %add3A_38 : i32
    %dma_start3A_40 = arith.constant 1 : i32
    %dma_start3A_41 = arith.constant 1 : i32
    %dma_start3A_42 = arith.constant 0 : i32
    %dma_start3A_43 = arith.constant 0 : i32
    %dma_start3A_44 = tpu.memref_slice %arg6[%dma_start3A_40, %dma_start3A_42, %dma_start3A_43] : memref<2x1x128xi32, #tpu.memory_space<vmem>> -> memref<1x1x128xi32, #tpu.memory_space<vmem>>
    %dma_start3A_45 = tpu.memref_squeeze %dma_start3A_44 : memref<1x1x128xi32, #tpu.memory_space<vmem>> -> memref<1x128xi32, #tpu.memory_space<vmem>>
    %dma_start3A_46 = arith.constant 0 : i32
    %dma_start3A_47 = arith.constant 0 : i32
    %dma_start3A_48 = tpu.memref_slice %arg3[%add3A_39, %dma_start3A_46, %dma_start3A_47] : memref<2560x1x128xi32, #tpu.memory_space<hbm>> -> memref<1x1x128xi32, #tpu.memory_space<hbm>>
    %dma_start3A_49 = tpu.memref_squeeze %dma_start3A_48 : memref<1x1x128xi32, #tpu.memory_space<hbm>> -> memref<1x128xi32, #tpu.memory_space<hbm>>
    %dma_start3A_50 = tpu.memref_slice %arg11[%dma_start3A_41] : memref<2x!tpu.dma_semaphore, #tpu.memory_space<semaphore_mem>> -> memref<1x!tpu.dma_semaphore, #tpu.memory_space<semaphore_mem>>
    %dma_start3A_51 = tpu.memref_squeeze %dma_start3A_50 : memref<1x!tpu.dma_semaphore, #tpu.memory_space<semaphore_mem>> -> memref<!tpu.dma_semaphore, #tpu.memory_space<semaphore_mem>>
    %dma_start3A_52 = arith.constant 0 : i32
    %dma_start3A_53 = arith.constant 0 : i32
    %dma_start3A_54 = tpu.memref_slice %arg6[%dma_start3A_40, %dma_start3A_52, %dma_start3A_53] : memref<2x1x128xi32, #tpu.memory_space<vmem>> -> memref<1x1x128xi32, #tpu.memory_space<vmem>>
    %dma_start3A_55 = tpu.memref_squeeze %dma_start3A_54 : memref<1x1x128xi32, #tpu.memory_space<vmem>> -> memref<1x128xi32, #tpu.memory_space<vmem>>
    %dma_start3A_56 = arith.constant 0 : i32
    %dma_start3A_57 = arith.constant 0 : i32
    %dma_start3A_58 = tpu.memref_slice %arg3[%add3A_39, %dma_start3A_56, %dma_start3A_57] : memref<2560x1x128xi32, #tpu.memory_space<hbm>> -> memref<1x1x128xi32, #tpu.memory_space<hbm>>
    %dma_start3A_59 = tpu.memref_squeeze %dma_start3A_58 : memref<1x1x128xi32, #tpu.memory_space<hbm>> -> memref<1x128xi32, #tpu.memory_space<hbm>>
    tpu.enqueue_dma source(%dma_start3A_59 : memref<1x128xi32, #tpu.memory_space<hbm>>) target(%dma_start3A_55 : memref<1x128xi32, #tpu.memory_space<vmem>>) target_semaphore(%dma_start3A_51 : memref<!tpu.dma_semaphore, #tpu.memory_space<semaphore_mem>>)
    %while3A = arith.constant 0 : i32
    %while3A_60 = arith.constant 0 : i32
    %while3A_61 = arith.subi %select_n3A, %while3A_60 : i32
    %while3A_62 = arith.addi %while3A_60, %while3A_61 : i32
    %while3A_63 = arith.constant 1 : i32
    %while3A_64 = arith.divsi %while3A_61, %while3A_63 : i32
    %while3A_65 = arith.muli %while3A_64, %while3A_63 : i32
    %while3A_66 = arith.addi %while3A_60, %while3A_65 : i32
    %while3A_67 = arith.constant 1 : i32
    scf.for %while3A_109 = %while3A_60 to %while3A_66 step %while3A_67  : i32 {
      %rem3A_110 = arith.constant 2 : i32
      %rem3A_111 = arith.remsi %while3A_109, %rem3A_110 : i32
      %add3A_112 = arith.constant 1 : i32
      %add3A_113 = arith.addi %while3A_109, %add3A_112 : i32
      %rem3A_114 = arith.constant 2 : i32
      %rem3A_115 = arith.remsi %add3A_113, %rem3A_114 : i32
      %add3A_116 = arith.constant 1 : i32
      %add3A_117 = arith.addi %while3A_109, %add3A_116 : i32
      %lt3A = arith.cmpi slt, %add3A_117, %select_n3A : i32
      %convert_element_type3A = arith.extui %lt3A : i1 to i32
      %cond3A = arith.constant 0 : i32
      %cond3A_118 = arith.cmpi ne, %convert_element_type3A, %cond3A : i32
      scf.if %cond3A_118 {
        %ge3A = arith.constant 1 : i32
        %ge3A_151 = arith.cmpi sge, %while3A_109, %ge3A : i32
        %convert_element_type3A_152 = arith.extui %ge3A_151 : i1 to i32
        %cond3A_153 = arith.constant 0 : i32
        %cond3A_154 = arith.cmpi ne, %convert_element_type3A_152, %cond3A_153 : i32
        scf.if %cond3A_154 {
          %sub3A_189 = arith.constant 1 : i32
          %sub3A_190 = arith.subi %while3A_109, %sub3A_189 : i32
          %dma_wait3A_191 = arith.constant 0 : i32
          %dma_wait3A_192 = arith.constant 0 : i32
          %dma_wait3A_193 = arith.constant 0 : i32
          %dma_wait3A_194 = tpu.memref_slice %arg8[%rem3A_115, %dma_wait3A_192, %dma_wait3A_193] : memref<2x128x128xf32, #tpu.memory_space<vmem>> -> memref<1x128x128xf32, #tpu.memory_space<vmem>>
          %dma_wait3A_195 = tpu.memref_squeeze %dma_wait3A_194 : memref<1x128x128xf32, #tpu.memory_space<vmem>> -> memref<128x128xf32, #tpu.memory_space<vmem>>
          %dma_wait3A_196 = arith.constant 0 : i32
          %dma_wait3A_197 = tpu.memref_slice %arg7[%sub3A_190, %dma_wait3A_191, %dma_wait3A_196] : memref<99x1x128xi32, #tpu.memory_space<vmem>> -> memref<1x1x128xi32, #tpu.memory_space<vmem>>
          %dma_wait3A_198 = tpu.memref_squeeze %dma_wait3A_197 : memref<1x1x128xi32, #tpu.memory_space<vmem>> -> memref<128xi32, #tpu.memory_space<vmem>>
          %dma_wait3A_199 = arith.constant 0 : i32
          %dma_wait3A_200 = arith.constant 0 : i32
          %dma_wait3A_201 = tpu.memref_slice %arg9[%dma_wait3A_199, %dma_wait3A_200] : memref<10240x128xf32, #tpu.memory_space<vmem_shared>> -> memref<10240x128xf32, #tpu.memory_space<vmem_shared>>
          %dma_wait3A_202 = tpu.memref_slice %arg12[%rem3A_115] : memref<2x!tpu.dma_semaphore, #tpu.memory_space<semaphore_mem>> -> memref<1x!tpu.dma_semaphore, #tpu.memory_space<semaphore_mem>>
          %dma_wait3A_203 = tpu.memref_squeeze %dma_wait3A_202 : memref<1x!tpu.dma_semaphore, #tpu.memory_space<semaphore_mem>> -> memref<!tpu.dma_semaphore, #tpu.memory_space<semaphore_mem>>
          tpu.wait_indirect_dma semaphore(%dma_wait3A_203 : memref<!tpu.dma_semaphore, #tpu.memory_space<semaphore_mem>>) src(%dma_wait3A_195 : memref<128x128xf32, #tpu.memory_space<vmem>>) dst(%dma_wait3A_201 : memref<10240x128xf32, #tpu.memory_space<vmem_shared>>)
        } else {
        }
        %add3A_155 = arith.addi %select_n3A_8, %while3A_109 : i32
        %add3A_156 = arith.constant 1 : i32
        %add3A_157 = arith.addi %add3A_155, %add3A_156 : i32
        %dma_wait3A_158 = arith.constant 0 : i32
        %dma_wait3A_159 = arith.constant 0 : i32
        %dma_wait3A_160 = tpu.memref_slice %arg6[%rem3A_115, %dma_wait3A_158, %dma_wait3A_159] : memref<2x1x128xi32, #tpu.memory_space<vmem>> -> memref<1x1x128xi32, #tpu.memory_space<vmem>>
        %dma_wait3A_161 = tpu.memref_squeeze %dma_wait3A_160 : memref<1x1x128xi32, #tpu.memory_space<vmem>> -> memref<1x128xi32, #tpu.memory_space<vmem>>
        %dma_wait3A_162 = arith.constant 0 : i32
        %dma_wait3A_163 = arith.constant 0 : i32
        %dma_wait3A_164 = tpu.memref_slice %arg3[%add3A_157, %dma_wait3A_162, %dma_wait3A_163] : memref<2560x1x128xi32, #tpu.memory_space<hbm>> -> memref<1x1x128xi32, #tpu.memory_space<hbm>>
        %dma_wait3A_165 = tpu.memref_squeeze %dma_wait3A_164 : memref<1x1x128xi32, #tpu.memory_space<hbm>> -> memref<1x128xi32, #tpu.memory_space<hbm>>
        %dma_wait3A_166 = tpu.memref_slice %arg11[%rem3A_115] : memref<2x!tpu.dma_semaphore, #tpu.memory_space<semaphore_mem>> -> memref<1x!tpu.dma_semaphore, #tpu.memory_space<semaphore_mem>>
        %dma_wait3A_167 = tpu.memref_squeeze %dma_wait3A_166 : memref<1x!tpu.dma_semaphore, #tpu.memory_space<semaphore_mem>> -> memref<!tpu.dma_semaphore, #tpu.memory_space<semaphore_mem>>
        %dma_wait3A_168 = arith.constant 0 : i32
        %dma_wait3A_169 = arith.constant 0 : i32
        %dma_wait3A_170 = tpu.memref_slice %arg6[%rem3A_115, %dma_wait3A_168, %dma_wait3A_169] : memref<2x1x128xi32, #tpu.memory_space<vmem>> -> memref<1x1x128xi32, #tpu.memory_space<vmem>>
        %dma_wait3A_171 = tpu.memref_squeeze %dma_wait3A_170 : memref<1x1x128xi32, #tpu.memory_space<vmem>> -> memref<1x128xi32, #tpu.memory_space<vmem>>
        %dma_wait3A_172 = arith.constant 0 : i32
        %dma_wait3A_173 = arith.constant 0 : i32
        %dma_wait3A_174 = tpu.memref_slice %arg3[%add3A_157, %dma_wait3A_172, %dma_wait3A_173] : memref<2560x1x128xi32, #tpu.memory_space<hbm>> -> memref<1x1x128xi32, #tpu.memory_space<hbm>>
        %dma_wait3A_175 = tpu.memref_squeeze %dma_wait3A_174 : memref<1x1x128xi32, #tpu.memory_space<hbm>> -> memref<1x128xi32, #tpu.memory_space<hbm>>
        tpu.wait_dma2 semaphore(%dma_wait3A_167 : memref<!tpu.dma_semaphore, #tpu.memory_space<semaphore_mem>>) src(%dma_wait3A_175 : memref<1x128xi32, #tpu.memory_space<hbm>>) dst(%dma_wait3A_171 : memref<1x128xi32, #tpu.memory_space<vmem>>)
        %dma_start3A_176 = arith.constant 0 : i32
        %dma_start3A_177 = arith.constant 0 : i32
        %dma_start3A_178 = arith.constant 0 : i32
        %dma_start3A_179 = tpu.memref_slice %arg8[%rem3A_115, %dma_start3A_177, %dma_start3A_178] : memref<2x128x128xf32, #tpu.memory_space<vmem>> -> memref<1x128x128xf32, #tpu.memory_space<vmem>>
        %dma_start3A_180 = tpu.memref_squeeze %dma_start3A_179 : memref<1x128x128xf32, #tpu.memory_space<vmem>> -> memref<128x128xf32, #tpu.memory_space<vmem>>
        %dma_start3A_181 = arith.constant 0 : i32
        %dma_start3A_182 = tpu.memref_slice %arg6[%rem3A_115, %dma_start3A_176, %dma_start3A_181] : memref<2x1x128xi32, #tpu.memory_space<vmem>> -> memref<1x1x128xi32, #tpu.memory_space<vmem>>
        %dma_start3A_183 = tpu.memref_squeeze %dma_start3A_182 : memref<1x1x128xi32, #tpu.memory_space<vmem>> -> memref<128xi32, #tpu.memory_space<vmem>>
        %dma_start3A_184 = arith.constant 0 : i32
        %dma_start3A_185 = arith.constant 0 : i32
        %dma_start3A_186 = tpu.memref_slice %arg2[%dma_start3A_184, %dma_start3A_185] : memref<10240x128xf32, #tpu.memory_space<hbm>> -> memref<10240x128xf32, #tpu.memory_space<hbm>>
        %dma_start3A_187 = tpu.memref_slice %arg10[%rem3A_115] : memref<2x!tpu.dma_semaphore, #tpu.memory_space<semaphore_mem>> -> memref<1x!tpu.dma_semaphore, #tpu.memory_space<semaphore_mem>>
        %dma_start3A_188 = tpu.memref_squeeze %dma_start3A_187 : memref<1x!tpu.dma_semaphore, #tpu.memory_space<semaphore_mem>> -> memref<!tpu.dma_semaphore, #tpu.memory_space<semaphore_mem>>
        tpu.enqueue_indirect_dma source(%dma_start3A_186 : memref<10240x128xf32, #tpu.memory_space<hbm>>) target(%dma_start3A_180 : memref<128x128xf32, #tpu.memory_space<vmem>>) offsets(%dma_start3A_183 : memref<128xi32, #tpu.memory_space<vmem>>) semaphore(%dma_start3A_188 : memref<!tpu.dma_semaphore, #tpu.memory_space<semaphore_mem>>)
      } else {
      }
      %dma_wait3A_119 = arith.constant 0 : i32
      %dma_wait3A_120 = arith.constant 0 : i32
      %dma_wait3A_121 = arith.constant 0 : i32
      %dma_wait3A_122 = tpu.memref_slice %arg8[%rem3A_111, %dma_wait3A_120, %dma_wait3A_121] : memref<2x128x128xf32, #tpu.memory_space<vmem>> -> memref<1x128x128xf32, #tpu.memory_space<vmem>>
      %dma_wait3A_123 = tpu.memref_squeeze %dma_wait3A_122 : memref<1x128x128xf32, #tpu.memory_space<vmem>> -> memref<128x128xf32, #tpu.memory_space<vmem>>
      %dma_wait3A_124 = arith.constant 0 : i32
      %dma_wait3A_125 = tpu.memref_slice %arg6[%rem3A_111, %dma_wait3A_119, %dma_wait3A_124] : memref<2x1x128xi32, #tpu.memory_space<vmem>> -> memref<1x1x128xi32, #tpu.memory_space<vmem>>
      %dma_wait3A_126 = tpu.memref_squeeze %dma_wait3A_125 : memref<1x1x128xi32, #tpu.memory_space<vmem>> -> memref<128xi32, #tpu.memory_space<vmem>>
      %dma_wait3A_127 = arith.constant 0 : i32
      %dma_wait3A_128 = arith.constant 0 : i32
      %dma_wait3A_129 = tpu.memref_slice %arg2[%dma_wait3A_127, %dma_wait3A_128] : memref<10240x128xf32, #tpu.memory_space<hbm>> -> memref<10240x128xf32, #tpu.memory_space<hbm>>
      %dma_wait3A_130 = tpu.memref_slice %arg10[%rem3A_111] : memref<2x!tpu.dma_semaphore, #tpu.memory_space<semaphore_mem>> -> memref<1x!tpu.dma_semaphore, #tpu.memory_space<semaphore_mem>>
      %dma_wait3A_131 = tpu.memref_squeeze %dma_wait3A_130 : memref<1x!tpu.dma_semaphore, #tpu.memory_space<semaphore_mem>> -> memref<!tpu.dma_semaphore, #tpu.memory_space<semaphore_mem>>
      tpu.wait_indirect_dma semaphore(%dma_wait3A_131 : memref<!tpu.dma_semaphore, #tpu.memory_space<semaphore_mem>>) src(%dma_wait3A_129 : memref<10240x128xf32, #tpu.memory_space<hbm>>) dst(%dma_wait3A_123 : memref<128x128xf32, #tpu.memory_space<vmem>>)
      %add3A_132 = arith.constant 2 : i32
      %add3A_133 = arith.addi %while3A_109, %add3A_132 : i32
      %lt3A_134 = arith.cmpi slt, %add3A_133, %select_n3A : i32
      %convert_element_type3A_135 = arith.extui %lt3A_134 : i1 to i32
      %cond3A_136 = arith.constant 0 : i32
      %cond3A_137 = arith.cmpi ne, %convert_element_type3A_135, %cond3A_136 : i32
      scf.if %cond3A_137 {
        %add3A_151 = arith.addi %select_n3A_8, %while3A_109 : i32
        %add3A_152 = arith.constant 2 : i32
        %add3A_153 = arith.addi %add3A_151, %add3A_152 : i32
        %dma_start3A_154 = arith.constant 0 : i32
        %dma_start3A_155 = arith.constant 0 : i32
        %dma_start3A_156 = tpu.memref_slice %arg6[%rem3A_111, %dma_start3A_154, %dma_start3A_155] : memref<2x1x128xi32, #tpu.memory_space<vmem>> -> memref<1x1x128xi32, #tpu.memory_space<vmem>>
        %dma_start3A_157 = tpu.memref_squeeze %dma_start3A_156 : memref<1x1x128xi32, #tpu.memory_space<vmem>> -> memref<1x128xi32, #tpu.memory_space<vmem>>
        %dma_start3A_158 = arith.constant 0 : i32
        %dma_start3A_159 = arith.constant 0 : i32
        %dma_start3A_160 = tpu.memref_slice %arg3[%add3A_153, %dma_start3A_158, %dma_start3A_159] : memref<2560x1x128xi32, #tpu.memory_space<hbm>> -> memref<1x1x128xi32, #tpu.memory_space<hbm>>
        %dma_start3A_161 = tpu.memref_squeeze %dma_start3A_160 : memref<1x1x128xi32, #tpu.memory_space<hbm>> -> memref<1x128xi32, #tpu.memory_space<hbm>>
        %dma_start3A_162 = tpu.memref_slice %arg11[%rem3A_111] : memref<2x!tpu.dma_semaphore, #tpu.memory_space<semaphore_mem>> -> memref<1x!tpu.dma_semaphore, #tpu.memory_space<semaphore_mem>>
        %dma_start3A_163 = tpu.memref_squeeze %dma_start3A_162 : memref<1x!tpu.dma_semaphore, #tpu.memory_space<semaphore_mem>> -> memref<!tpu.dma_semaphore, #tpu.memory_space<semaphore_mem>>
        %dma_start3A_164 = arith.constant 0 : i32
        %dma_start3A_165 = arith.constant 0 : i32
        %dma_start3A_166 = tpu.memref_slice %arg6[%rem3A_111, %dma_start3A_164, %dma_start3A_165] : memref<2x1x128xi32, #tpu.memory_space<vmem>> -> memref<1x1x128xi32, #tpu.memory_space<vmem>>
        %dma_start3A_167 = tpu.memref_squeeze %dma_start3A_166 : memref<1x1x128xi32, #tpu.memory_space<vmem>> -> memref<1x128xi32, #tpu.memory_space<vmem>>
        %dma_start3A_168 = arith.constant 0 : i32
        %dma_start3A_169 = arith.constant 0 : i32
        %dma_start3A_170 = tpu.memref_slice %arg3[%add3A_153, %dma_start3A_168, %dma_start3A_169] : memref<2560x1x128xi32, #tpu.memory_space<hbm>> -> memref<1x1x128xi32, #tpu.memory_space<hbm>>
        %dma_start3A_171 = tpu.memref_squeeze %dma_start3A_170 : memref<1x1x128xi32, #tpu.memory_space<hbm>> -> memref<1x128xi32, #tpu.memory_space<hbm>>
        tpu.enqueue_dma source(%dma_start3A_171 : memref<1x128xi32, #tpu.memory_space<hbm>>) target(%dma_start3A_167 : memref<1x128xi32, #tpu.memory_space<vmem>>) target_semaphore(%dma_start3A_163 : memref<!tpu.dma_semaphore, #tpu.memory_space<semaphore_mem>>)
      } else {
      }
      %dma_start3A_138 = arith.constant 0 : i32
      %dma_start3A_139 = arith.constant 0 : i32
      %dma_start3A_140 = arith.constant 0 : i32
      %dma_start3A_141 = tpu.memref_slice %arg8[%rem3A_111, %dma_start3A_139, %dma_start3A_140] : memref<2x128x128xf32, #tpu.memory_space<vmem>> -> memref<1x128x128xf32, #tpu.memory_space<vmem>>
      %dma_start3A_142 = tpu.memref_squeeze %dma_start3A_141 : memref<1x128x128xf32, #tpu.memory_space<vmem>> -> memref<128x128xf32, #tpu.memory_space<vmem>>
      %dma_start3A_143 = arith.constant 0 : i32
      %dma_start3A_144 = tpu.memref_slice %arg7[%while3A_109, %dma_start3A_138, %dma_start3A_143] : memref<99x1x128xi32, #tpu.memory_space<vmem>> -> memref<1x1x128xi32, #tpu.memory_space<vmem>>
      %dma_start3A_145 = tpu.memref_squeeze %dma_start3A_144 : memref<1x1x128xi32, #tpu.memory_space<vmem>> -> memref<128xi32, #tpu.memory_space<vmem>>
      %dma_start3A_146 = arith.constant 0 : i32
      %dma_start3A_147 = arith.constant 0 : i32
      %dma_start3A_148 = tpu.memref_slice %arg9[%dma_start3A_146, %dma_start3A_147] : memref<10240x128xf32, #tpu.memory_space<vmem_shared>> -> memref<10240x128xf32, #tpu.memory_space<vmem_shared>>
      %dma_start3A_149 = tpu.memref_slice %arg12[%rem3A_111] : memref<2x!tpu.dma_semaphore, #tpu.memory_space<semaphore_mem>> -> memref<1x!tpu.dma_semaphore, #tpu.memory_space<semaphore_mem>>
      %dma_start3A_150 = tpu.memref_squeeze %dma_start3A_149 : memref<1x!tpu.dma_semaphore, #tpu.memory_space<semaphore_mem>> -> memref<!tpu.dma_semaphore, #tpu.memory_space<semaphore_mem>>
      tpu.enqueue_indirect_dma source(%dma_start3A_142 : memref<128x128xf32, #tpu.memory_space<vmem>>) target(%dma_start3A_148 : memref<10240x128xf32, #tpu.memory_space<vmem_shared>>) offsets(%dma_start3A_145 : memref<128xi32, #tpu.memory_space<vmem>>) semaphore(%dma_start3A_150 : memref<!tpu.dma_semaphore, #tpu.memory_space<semaphore_mem>>) {add = true}
    }
    %while3A_68 = arith.constant 1 : i32
    scf.for %while3A_109 = %while3A_66 to %while3A_62 step %while3A_68  : i32 {
      %rem3A_110 = arith.constant 2 : i32
      %rem3A_111 = arith.remsi %while3A_109, %rem3A_110 : i32
      %add3A_112 = arith.constant 1 : i32
      %add3A_113 = arith.addi %while3A_109, %add3A_112 : i32
      %rem3A_114 = arith.constant 2 : i32
      %rem3A_115 = arith.remsi %add3A_113, %rem3A_114 : i32
      %add3A_116 = arith.constant 1 : i32
      %add3A_117 = arith.addi %while3A_109, %add3A_116 : i32
      %lt3A = arith.cmpi slt, %add3A_117, %select_n3A : i32
      %convert_element_type3A = arith.extui %lt3A : i1 to i32
      %cond3A = arith.constant 0 : i32
      %cond3A_118 = arith.cmpi ne, %convert_element_type3A, %cond3A : i32
      scf.if %cond3A_118 {
        %ge3A = arith.constant 1 : i32
        %ge3A_151 = arith.cmpi sge, %while3A_109, %ge3A : i32
        %convert_element_type3A_152 = arith.extui %ge3A_151 : i1 to i32
        %cond3A_153 = arith.constant 0 : i32
        %cond3A_154 = arith.cmpi ne, %convert_element_type3A_152, %cond3A_153 : i32
        scf.if %cond3A_154 {
          %sub3A_189 = arith.constant 1 : i32
          %sub3A_190 = arith.subi %while3A_109, %sub3A_189 : i32
          %dma_wait3A_191 = arith.constant 0 : i32
          %dma_wait3A_192 = arith.constant 0 : i32
          %dma_wait3A_193 = arith.constant 0 : i32
          %dma_wait3A_194 = tpu.memref_slice %arg8[%rem3A_115, %dma_wait3A_192, %dma_wait3A_193] : memref<2x128x128xf32, #tpu.memory_space<vmem>> -> memref<1x128x128xf32, #tpu.memory_space<vmem>>
          %dma_wait3A_195 = tpu.memref_squeeze %dma_wait3A_194 : memref<1x128x128xf32, #tpu.memory_space<vmem>> -> memref<128x128xf32, #tpu.memory_space<vmem>>
          %dma_wait3A_196 = arith.constant 0 : i32
          %dma_wait3A_197 = tpu.memref_slice %arg7[%sub3A_190, %dma_wait3A_191, %dma_wait3A_196] : memref<99x1x128xi32, #tpu.memory_space<vmem>> -> memref<1x1x128xi32, #tpu.memory_space<vmem>>
          %dma_wait3A_198 = tpu.memref_squeeze %dma_wait3A_197 : memref<1x1x128xi32, #tpu.memory_space<vmem>> -> memref<128xi32, #tpu.memory_space<vmem>>
          %dma_wait3A_199 = arith.constant 0 : i32
          %dma_wait3A_200 = arith.constant 0 : i32
          %dma_wait3A_201 = tpu.memref_slice %arg9[%dma_wait3A_199, %dma_wait3A_200] : memref<10240x128xf32, #tpu.memory_space<vmem_shared>> -> memref<10240x128xf32, #tpu.memory_space<vmem_shared>>
          %dma_wait3A_202 = tpu.memref_slice %arg12[%rem3A_115] : memref<2x!tpu.dma_semaphore, #tpu.memory_space<semaphore_mem>> -> memref<1x!tpu.dma_semaphore, #tpu.memory_space<semaphore_mem>>
          %dma_wait3A_203 = tpu.memref_squeeze %dma_wait3A_202 : memref<1x!tpu.dma_semaphore, #tpu.memory_space<semaphore_mem>> -> memref<!tpu.dma_semaphore, #tpu.memory_space<semaphore_mem>>
          tpu.wait_indirect_dma semaphore(%dma_wait3A_203 : memref<!tpu.dma_semaphore, #tpu.memory_space<semaphore_mem>>) src(%dma_wait3A_195 : memref<128x128xf32, #tpu.memory_space<vmem>>) dst(%dma_wait3A_201 : memref<10240x128xf32, #tpu.memory_space<vmem_shared>>)
        } else {
        }
        %add3A_155 = arith.addi %select_n3A_8, %while3A_109 : i32
        %add3A_156 = arith.constant 1 : i32
        %add3A_157 = arith.addi %add3A_155, %add3A_156 : i32
        %dma_wait3A_158 = arith.constant 0 : i32
        %dma_wait3A_159 = arith.constant 0 : i32
        %dma_wait3A_160 = tpu.memref_slice %arg6[%rem3A_115, %dma_wait3A_158, %dma_wait3A_159] : memref<2x1x128xi32, #tpu.memory_space<vmem>> -> memref<1x1x128xi32, #tpu.memory_space<vmem>>
        %dma_wait3A_161 = tpu.memref_squeeze %dma_wait3A_160 : memref<1x1x128xi32, #tpu.memory_space<vmem>> -> memref<1x128xi32, #tpu.memory_space<vmem>>
        %dma_wait3A_162 = arith.constant 0 : i32
        %dma_wait3A_163 = arith.constant 0 : i32
        %dma_wait3A_164 = tpu.memref_slice %arg3[%add3A_157, %dma_wait3A_162, %dma_wait3A_163] : memref<2560x1x128xi32, #tpu.memory_space<hbm>> -> memref<1x1x128xi32, #tpu.memory_space<hbm>>
        %dma_wait3A_165 = tpu.memref_squeeze %dma_wait3A_164 : memref<1x1x128xi32, #tpu.memory_space<hbm>> -> memref<1x128xi32, #tpu.memory_space<hbm>>
        %dma_wait3A_166 = tpu.memref_slice %arg11[%rem3A_115] : memref<2x!tpu.dma_semaphore, #tpu.memory_space<semaphore_mem>> -> memref<1x!tpu.dma_semaphore, #tpu.memory_space<semaphore_mem>>
        %dma_wait3A_167 = tpu.memref_squeeze %dma_wait3A_166 : memref<1x!tpu.dma_semaphore, #tpu.memory_space<semaphore_mem>> -> memref<!tpu.dma_semaphore, #tpu.memory_space<semaphore_mem>>
        %dma_wait3A_168 = arith.constant 0 : i32
        %dma_wait3A_169 = arith.constant 0 : i32
        %dma_wait3A_170 = tpu.memref_slice %arg6[%rem3A_115, %dma_wait3A_168, %dma_wait3A_169] : memref<2x1x128xi32, #tpu.memory_space<vmem>> -> memref<1x1x128xi32, #tpu.memory_space<vmem>>
        %dma_wait3A_171 = tpu.memref_squeeze %dma_wait3A_170 : memref<1x1x128xi32, #tpu.memory_space<vmem>> -> memref<1x128xi32, #tpu.memory_space<vmem>>
        %dma_wait3A_172 = arith.constant 0 : i32
        %dma_wait3A_173 = arith.constant 0 : i32
        %dma_wait3A_174 = tpu.memref_slice %arg3[%add3A_157, %dma_wait3A_172, %dma_wait3A_173] : memref<2560x1x128xi32, #tpu.memory_space<hbm>> -> memref<1x1x128xi32, #tpu.memory_space<hbm>>
        %dma_wait3A_175 = tpu.memref_squeeze %dma_wait3A_174 : memref<1x1x128xi32, #tpu.memory_space<hbm>> -> memref<1x128xi32, #tpu.memory_space<hbm>>
        tpu.wait_dma2 semaphore(%dma_wait3A_167 : memref<!tpu.dma_semaphore, #tpu.memory_space<semaphore_mem>>) src(%dma_wait3A_175 : memref<1x128xi32, #tpu.memory_space<hbm>>) dst(%dma_wait3A_171 : memref<1x128xi32, #tpu.memory_space<vmem>>)
        %dma_start3A_176 = arith.constant 0 : i32
        %dma_start3A_177 = arith.constant 0 : i32
        %dma_start3A_178 = arith.constant 0 : i32
        %dma_start3A_179 = tpu.memref_slice %arg8[%rem3A_115, %dma_start3A_177, %dma_start3A_178] : memref<2x128x128xf32, #tpu.memory_space<vmem>> -> memref<1x128x128xf32, #tpu.memory_space<vmem>>
        %dma_start3A_180 = tpu.memref_squeeze %dma_start3A_179 : memref<1x128x128xf32, #tpu.memory_space<vmem>> -> memref<128x128xf32, #tpu.memory_space<vmem>>
        %dma_start3A_181 = arith.constant 0 : i32
        %dma_start3A_182 = tpu.memref_slice %arg6[%rem3A_115, %dma_start3A_176, %dma_start3A_181] : memref<2x1x128xi32, #tpu.memory_space<vmem>> -> memref<1x1x128xi32, #tpu.memory_space<vmem>>
        %dma_start3A_183 = tpu.memref_squeeze %dma_start3A_182 : memref<1x1x128xi32, #tpu.memory_space<vmem>> -> memref<128xi32, #tpu.memory_space<vmem>>
        %dma_start3A_184 = arith.constant 0 : i32
        %dma_start3A_185 = arith.constant 0 : i32
        %dma_start3A_186 = tpu.memref_slice %arg2[%dma_start3A_184, %dma_start3A_185] : memref<10240x128xf32, #tpu.memory_space<hbm>> -> memref<10240x128xf32, #tpu.memory_space<hbm>>
        %dma_start3A_187 = tpu.memref_slice %arg10[%rem3A_115] : memref<2x!tpu.dma_semaphore, #tpu.memory_space<semaphore_mem>> -> memref<1x!tpu.dma_semaphore, #tpu.memory_space<semaphore_mem>>
        %dma_start3A_188 = tpu.memref_squeeze %dma_start3A_187 : memref<1x!tpu.dma_semaphore, #tpu.memory_space<semaphore_mem>> -> memref<!tpu.dma_semaphore, #tpu.memory_space<semaphore_mem>>
        tpu.enqueue_indirect_dma source(%dma_start3A_186 : memref<10240x128xf32, #tpu.memory_space<hbm>>) target(%dma_start3A_180 : memref<128x128xf32, #tpu.memory_space<vmem>>) offsets(%dma_start3A_183 : memref<128xi32, #tpu.memory_space<vmem>>) semaphore(%dma_start3A_188 : memref<!tpu.dma_semaphore, #tpu.memory_space<semaphore_mem>>)
      } else {
      }
      %dma_wait3A_119 = arith.constant 0 : i32
      %dma_wait3A_120 = arith.constant 0 : i32
      %dma_wait3A_121 = arith.constant 0 : i32
      %dma_wait3A_122 = tpu.memref_slice %arg8[%rem3A_111, %dma_wait3A_120, %dma_wait3A_121] : memref<2x128x128xf32, #tpu.memory_space<vmem>> -> memref<1x128x128xf32, #tpu.memory_space<vmem>>
      %dma_wait3A_123 = tpu.memref_squeeze %dma_wait3A_122 : memref<1x128x128xf32, #tpu.memory_space<vmem>> -> memref<128x128xf32, #tpu.memory_space<vmem>>
      %dma_wait3A_124 = arith.constant 0 : i32
      %dma_wait3A_125 = tpu.memref_slice %arg6[%rem3A_111, %dma_wait3A_119, %dma_wait3A_124] : memref<2x1x128xi32, #tpu.memory_space<vmem>> -> memref<1x1x128xi32, #tpu.memory_space<vmem>>
      %dma_wait3A_126 = tpu.memref_squeeze %dma_wait3A_125 : memref<1x1x128xi32, #tpu.memory_space<vmem>> -> memref<128xi32, #tpu.memory_space<vmem>>
      %dma_wait3A_127 = arith.constant 0 : i32
      %dma_wait3A_128 = arith.constant 0 : i32
      %dma_wait3A_129 = tpu.memref_slice %arg2[%dma_wait3A_127, %dma_wait3A_128] : memref<10240x128xf32, #tpu.memory_space<hbm>> -> memref<10240x128xf32, #tpu.memory_space<hbm>>
      %dma_wait3A_130 = tpu.memref_slice %arg10[%rem3A_111] : memref<2x!tpu.dma_semaphore, #tpu.memory_space<semaphore_mem>> -> memref<1x!tpu.dma_semaphore, #tpu.memory_space<semaphore_mem>>
      %dma_wait3A_131 = tpu.memref_squeeze %dma_wait3A_130 : memref<1x!tpu.dma_semaphore, #tpu.memory_space<semaphore_mem>> -> memref<!tpu.dma_semaphore, #tpu.memory_space<semaphore_mem>>
      tpu.wait_indirect_dma semaphore(%dma_wait3A_131 : memref<!tpu.dma_semaphore, #tpu.memory_space<semaphore_mem>>) src(%dma_wait3A_129 : memref<10240x128xf32, #tpu.memory_space<hbm>>) dst(%dma_wait3A_123 : memref<128x128xf32, #tpu.memory_space<vmem>>)
      %add3A_132 = arith.constant 2 : i32
      %add3A_133 = arith.addi %while3A_109, %add3A_132 : i32
      %lt3A_134 = arith.cmpi slt, %add3A_133, %select_n3A : i32
      %convert_element_type3A_135 = arith.extui %lt3A_134 : i1 to i32
      %cond3A_136 = arith.constant 0 : i32
      %cond3A_137 = arith.cmpi ne, %convert_element_type3A_135, %cond3A_136 : i32
      scf.if %cond3A_137 {
        %add3A_151 = arith.addi %select_n3A_8, %while3A_109 : i32
        %add3A_152 = arith.constant 2 : i32
        %add3A_153 = arith.addi %add3A_151, %add3A_152 : i32
        %dma_start3A_154 = arith.constant 0 : i32
        %dma_start3A_155 = arith.constant 0 : i32
        %dma_start3A_156 = tpu.memref_slice %arg6[%rem3A_111, %dma_start3A_154, %dma_start3A_155] : memref<2x1x128xi32, #tpu.memory_space<vmem>> -> memref<1x1x128xi32, #tpu.memory_space<vmem>>
        %dma_start3A_157 = tpu.memref_squeeze %dma_start3A_156 : memref<1x1x128xi32, #tpu.memory_space<vmem>> -> memref<1x128xi32, #tpu.memory_space<vmem>>
        %dma_start3A_158 = arith.constant 0 : i32
        %dma_start3A_159 = arith.constant 0 : i32
        %dma_start3A_160 = tpu.memref_slice %arg3[%add3A_153, %dma_start3A_158, %dma_start3A_159] : memref<2560x1x128xi32, #tpu.memory_space<hbm>> -> memref<1x1x128xi32, #tpu.memory_space<hbm>>
        %dma_start3A_161 = tpu.memref_squeeze %dma_start3A_160 : memref<1x1x128xi32, #tpu.memory_space<hbm>> -> memref<1x128xi32, #tpu.memory_space<hbm>>
        %dma_start3A_162 = tpu.memref_slice %arg11[%rem3A_111] : memref<2x!tpu.dma_semaphore, #tpu.memory_space<semaphore_mem>> -> memref<1x!tpu.dma_semaphore, #tpu.memory_space<semaphore_mem>>
        %dma_start3A_163 = tpu.memref_squeeze %dma_start3A_162 : memref<1x!tpu.dma_semaphore, #tpu.memory_space<semaphore_mem>> -> memref<!tpu.dma_semaphore, #tpu.memory_space<semaphore_mem>>
        %dma_start3A_164 = arith.constant 0 : i32
        %dma_start3A_165 = arith.constant 0 : i32
        %dma_start3A_166 = tpu.memref_slice %arg6[%rem3A_111, %dma_start3A_164, %dma_start3A_165] : memref<2x1x128xi32, #tpu.memory_space<vmem>> -> memref<1x1x128xi32, #tpu.memory_space<vmem>>
        %dma_start3A_167 = tpu.memref_squeeze %dma_start3A_166 : memref<1x1x128xi32, #tpu.memory_space<vmem>> -> memref<1x128xi32, #tpu.memory_space<vmem>>
        %dma_start3A_168 = arith.constant 0 : i32
        %dma_start3A_169 = arith.constant 0 : i32
        %dma_start3A_170 = tpu.memref_slice %arg3[%add3A_153, %dma_start3A_168, %dma_start3A_169] : memref<2560x1x128xi32, #tpu.memory_space<hbm>> -> memref<1x1x128xi32, #tpu.memory_space<hbm>>
        %dma_start3A_171 = tpu.memref_squeeze %dma_start3A_170 : memref<1x1x128xi32, #tpu.memory_space<hbm>> -> memref<1x128xi32, #tpu.memory_space<hbm>>
        tpu.enqueue_dma source(%dma_start3A_171 : memref<1x128xi32, #tpu.memory_space<hbm>>) target(%dma_start3A_167 : memref<1x128xi32, #tpu.memory_space<vmem>>) target_semaphore(%dma_start3A_163 : memref<!tpu.dma_semaphore, #tpu.memory_space<semaphore_mem>>)
      } else {
      }
      %dma_start3A_138 = arith.constant 0 : i32
      %dma_start3A_139 = arith.constant 0 : i32
      %dma_start3A_140 = arith.constant 0 : i32
      %dma_start3A_141 = tpu.memref_slice %arg8[%rem3A_111, %dma_start3A_139, %dma_start3A_140] : memref<2x128x128xf32, #tpu.memory_space<vmem>> -> memref<1x128x128xf32, #tpu.memory_space<vmem>>
      %dma_start3A_142 = tpu.memref_squeeze %dma_start3A_141 : memref<1x128x128xf32, #tpu.memory_space<vmem>> -> memref<128x128xf32, #tpu.memory_space<vmem>>
      %dma_start3A_143 = arith.constant 0 : i32
      %dma_start3A_144 = tpu.memref_slice %arg7[%while3A_109, %dma_start3A_138, %dma_start3A_143] : memref<99x1x128xi32, #tpu.memory_space<vmem>> -> memref<1x1x128xi32, #tpu.memory_space<vmem>>
      %dma_start3A_145 = tpu.memref_squeeze %dma_start3A_144 : memref<1x1x128xi32, #tpu.memory_space<vmem>> -> memref<128xi32, #tpu.memory_space<vmem>>
      %dma_start3A_146 = arith.constant 0 : i32
      %dma_start3A_147 = arith.constant 0 : i32
      %dma_start3A_148 = tpu.memref_slice %arg9[%dma_start3A_146, %dma_start3A_147] : memref<10240x128xf32, #tpu.memory_space<vmem_shared>> -> memref<10240x128xf32, #tpu.memory_space<vmem_shared>>
      %dma_start3A_149 = tpu.memref_slice %arg12[%rem3A_111] : memref<2x!tpu.dma_semaphore, #tpu.memory_space<semaphore_mem>> -> memref<1x!tpu.dma_semaphore, #tpu.memory_space<semaphore_mem>>
      %dma_start3A_150 = tpu.memref_squeeze %dma_start3A_149 : memref<1x!tpu.dma_semaphore, #tpu.memory_space<semaphore_mem>> -> memref<!tpu.dma_semaphore, #tpu.memory_space<semaphore_mem>>
      tpu.enqueue_indirect_dma source(%dma_start3A_142 : memref<128x128xf32, #tpu.memory_space<vmem>>) target(%dma_start3A_148 : memref<10240x128xf32, #tpu.memory_space<vmem_shared>>) offsets(%dma_start3A_145 : memref<128xi32, #tpu.memory_space<vmem>>) semaphore(%dma_start3A_150 : memref<!tpu.dma_semaphore, #tpu.memory_space<semaphore_mem>>) {add = true}
    }
    %rem3A = arith.constant 2 : i32
    %rem3A_69 = arith.remsi %select_n3A, %rem3A : i32
    %sub3A = arith.constant 2 : i32
    %sub3A_70 = arith.subi %select_n3A, %sub3A : i32
    %rem3A_71 = arith.constant 2 : i32
    %rem3A_72 = arith.remsi %select_n3A, %rem3A_71 : i32
    %dma_wait3A = arith.constant 0 : i32
    %dma_wait3A_73 = arith.constant 0 : i32
    %dma_wait3A_74 = arith.constant 0 : i32
    %dma_wait3A_75 = tpu.memref_slice %arg8[%rem3A_69, %dma_wait3A_73, %dma_wait3A_74] : memref<2x128x128xf32, #tpu.memory_space<vmem>> -> memref<1x128x128xf32, #tpu.memory_space<vmem>>
    %dma_wait3A_76 = tpu.memref_squeeze %dma_wait3A_75 : memref<1x128x128xf32, #tpu.memory_space<vmem>> -> memref<128x128xf32, #tpu.memory_space<vmem>>
    %dma_wait3A_77 = arith.constant 0 : i32
    %dma_wait3A_78 = tpu.memref_slice %arg7[%sub3A_70, %dma_wait3A, %dma_wait3A_77] : memref<99x1x128xi32, #tpu.memory_space<vmem>> -> memref<1x1x128xi32, #tpu.memory_space<vmem>>
    %dma_wait3A_79 = tpu.memref_squeeze %dma_wait3A_78 : memref<1x1x128xi32, #tpu.memory_space<vmem>> -> memref<128xi32, #tpu.memory_space<vmem>>
    %dma_wait3A_80 = arith.constant 0 : i32
    %dma_wait3A_81 = arith.constant 0 : i32
    %dma_wait3A_82 = tpu.memref_slice %arg9[%dma_wait3A_80, %dma_wait3A_81] : memref<10240x128xf32, #tpu.memory_space<vmem_shared>> -> memref<10240x128xf32, #tpu.memory_space<vmem_shared>>
    %dma_wait3A_83 = tpu.memref_slice %arg12[%rem3A_72] : memref<2x!tpu.dma_semaphore, #tpu.memory_space<semaphore_mem>> -> memref<1x!tpu.dma_semaphore, #tpu.memory_space<semaphore_mem>>
    %dma_wait3A_84 = tpu.memref_squeeze %dma_wait3A_83 : memref<1x!tpu.dma_semaphore, #tpu.memory_space<semaphore_mem>> -> memref<!tpu.dma_semaphore, #tpu.memory_space<semaphore_mem>>
    tpu.wait_indirect_dma semaphore(%dma_wait3A_84 : memref<!tpu.dma_semaphore, #tpu.memory_space<semaphore_mem>>) src(%dma_wait3A_76 : memref<128x128xf32, #tpu.memory_space<vmem>>) dst(%dma_wait3A_82 : memref<10240x128xf32, #tpu.memory_space<vmem_shared>>)
    %add3A_85 = arith.constant 1 : i32
    %add3A_86 = arith.addi %select_n3A, %add3A_85 : i32
    %rem3A_87 = arith.constant 2 : i32
    %rem3A_88 = arith.remsi %add3A_86, %rem3A_87 : i32
    %sub3A_89 = arith.constant 1 : i32
    %sub3A_90 = arith.subi %select_n3A, %sub3A_89 : i32
    %add3A_91 = arith.constant 1 : i32
    %add3A_92 = arith.addi %select_n3A, %add3A_91 : i32
    %rem3A_93 = arith.constant 2 : i32
    %rem3A_94 = arith.remsi %add3A_92, %rem3A_93 : i32
    %dma_wait3A_95 = arith.constant 0 : i32
    %dma_wait3A_96 = arith.constant 0 : i32
    %dma_wait3A_97 = arith.constant 0 : i32
    %dma_wait3A_98 = tpu.memref_slice %arg8[%rem3A_88, %dma_wait3A_96, %dma_wait3A_97] : memref<2x128x128xf32, #tpu.memory_space<vmem>> -> memref<1x128x128xf32, #tpu.memory_space<vmem>>
    %dma_wait3A_99 = tpu.memref_squeeze %dma_wait3A_98 : memref<1x128x128xf32, #tpu.memory_space<vmem>> -> memref<128x128xf32, #tpu.memory_space<vmem>>
    %dma_wait3A_100 = arith.constant 0 : i32
    %dma_wait3A_101 = tpu.memref_slice %arg7[%sub3A_90, %dma_wait3A_95, %dma_wait3A_100] : memref<99x1x128xi32, #tpu.memory_space<vmem>> -> memref<1x1x128xi32, #tpu.memory_space<vmem>>
    %dma_wait3A_102 = tpu.memref_squeeze %dma_wait3A_101 : memref<1x1x128xi32, #tpu.memory_space<vmem>> -> memref<128xi32, #tpu.memory_space<vmem>>
    %dma_wait3A_103 = arith.constant 0 : i32
    %dma_wait3A_104 = arith.constant 0 : i32
    %dma_wait3A_105 = tpu.memref_slice %arg9[%dma_wait3A_103, %dma_wait3A_104] : memref<10240x128xf32, #tpu.memory_space<vmem_shared>> -> memref<10240x128xf32, #tpu.memory_space<vmem_shared>>
    %dma_wait3A_106 = tpu.memref_slice %arg12[%rem3A_94] : memref<2x!tpu.dma_semaphore, #tpu.memory_space<semaphore_mem>> -> memref<1x!tpu.dma_semaphore, #tpu.memory_space<semaphore_mem>>
    %dma_wait3A_107 = tpu.memref_squeeze %dma_wait3A_106 : memref<1x!tpu.dma_semaphore, #tpu.memory_space<semaphore_mem>> -> memref<!tpu.dma_semaphore, #tpu.memory_space<semaphore_mem>>
    tpu.wait_indirect_dma semaphore(%dma_wait3A_107 : memref<!tpu.dma_semaphore, #tpu.memory_space<semaphore_mem>>) src(%dma_wait3A_99 : memref<128x128xf32, #tpu.memory_space<vmem>>) dst(%dma_wait3A_105 : memref<10240x128xf32, #tpu.memory_space<vmem_shared>>)
    %barrier3A_108 = arith.constant 0 : index
    tpu.barrier barrier_id(%barrier3A_108)
    "tpu.region"() ({
      %run_scoped3A_109 = tpu.sem_alloc : memref<!tpu.dma_semaphore, #tpu.memory_space<semaphore_mem>>
      %dma_start3A_110 = arith.constant 0 : i32
      %dma_start3A_111 = tpu.memref_slice %arg5[%arg0, %mul3A_10, %dma_start3A_110] : memref<2x10240x128xf32, #tpu.memory_space<hbm>> -> memref<1x640x128xf32, #tpu.memory_space<hbm>>
      %dma_start3A_112 = tpu.memref_squeeze %dma_start3A_111 : memref<1x640x128xf32, #tpu.memory_space<hbm>> -> memref<640x128xf32, #tpu.memory_space<hbm>>
      %dma_start3A_113 = arith.constant 0 : i32
      %dma_start3A_114 = tpu.memref_slice %arg9[%mul3A_10, %dma_start3A_113] : memref<10240x128xf32, #tpu.memory_space<vmem_shared>> -> memref<640x128xf32, #tpu.memory_space<vmem_shared>>
      tpu.enqueue_dma source(%dma_start3A_114 : memref<640x128xf32, #tpu.memory_space<vmem_shared>>) target(%dma_start3A_112 : memref<640x128xf32, #tpu.memory_space<hbm>>) target_semaphore(%run_scoped3A_109 : memref<!tpu.dma_semaphore, #tpu.memory_space<semaphore_mem>>)
      %dma_wait3A_115 = arith.constant 0 : i32
      %dma_wait3A_116 = tpu.memref_slice %arg5[%arg0, %mul3A_10, %dma_wait3A_115] : memref<2x10240x128xf32, #tpu.memory_space<hbm>> -> memref<1x640x128xf32, #tpu.memory_space<hbm>>
      %dma_wait3A_117 = tpu.memref_squeeze %dma_wait3A_116 : memref<1x640x128xf32, #tpu.memory_space<hbm>> -> memref<640x128xf32, #tpu.memory_space<hbm>>
      %dma_wait3A_118 = arith.constant 0 : i32
      %dma_wait3A_119 = tpu.memref_slice %arg9[%mul3A_10, %dma_wait3A_118] : memref<10240x128xf32, #tpu.memory_space<vmem_shared>> -> memref<640x128xf32, #tpu.memory_space<vmem_shared>>
      tpu.wait_dma2 semaphore(%run_scoped3A_109 : memref<!tpu.dma_semaphore, #tpu.memory_space<semaphore_mem>>) src(%dma_wait3A_119 : memref<640x128xf32, #tpu.memory_space<vmem_shared>>) dst(%dma_wait3A_117 : memref<640x128xf32, #tpu.memory_space<hbm>>)
      tpu.yield
    }) : () -> ()
    return
  }
}

module attributes {stable_mosaic.version = 14 : i64} {
  func.func @body(%arg0: i32, %arg1: memref<1x2560xi32, #tpu.memory_space<vmem>>, %arg2: memref<128x128xf32, #tpu.memory_space<vmem>>, %arg3: memref<128x128xf32, #tpu.memory_space<vmem>>) attributes {dimension_semantics = [#tpu.dimension_semantics<arbitrary>], iteration_bounds = array<i64: 128>, scalar_prefetch = 0 : i64, scratch_operands = 1 : i64, tpu.core_type = #tpu.core_type<tc>, window_params = [{transform_indices = @transform_0, window_bounds = array<i64: 1, 2560>}, {pipeline_mode = #tpu.pipeline_mode<synchronous>, transform_indices = @transform_1, window_bounds = array<i64: 128, 128>}]} {
    %eq3A = arith.constant 0 : i32
    %eq3A_0 = arith.cmpi eq, %arg0, %eq3A : i32
    %convert_element_type3A = arith.extui %eq3A_0 : i1 to i32
    %cond3A = arith.constant 0 : i32
    %cond3A_1 = arith.cmpi ne, %convert_element_type3A, %cond3A : i32
    scf.if %cond3A_1 {
      %broadcast_in_dim3A = arith.constant 0.000000e+00 : f32
      %broadcast_in_dim3A_31 = vector.broadcast %broadcast_in_dim3A : f32 to vector<128x128xf32>
      %swap3A_32 = arith.constant 0 : index
      %swap3A_33 = arith.constant 0 : index
      %swap3A_34 = vector.load %arg3[%swap3A_32, %swap3A_33] : memref<128x128xf32, #tpu.memory_space<vmem>>, vector<128x128xf32>
      tpu.vector_store %arg3[%swap3A_32, %swap3A_33], %broadcast_in_dim3A_31 {strides = array<i32>} : memref<128x128xf32, #tpu.memory_space<vmem>>, vector<128x128xf32>,
    } else {
    }
    %get3A = arith.constant 0 : index
    %get3A_2 = arith.constant 0 : index
    %get3A_3 = vector.load %arg1[%get3A, %get3A_2] : memref<1x2560xi32, #tpu.memory_space<vmem>>, vector<1x2560xi32>
    %iota3A = tpu.iota {dimensions = array<i32: 0>} : vector<128x1xi32>
    %and3A = arith.constant 127 : i32
    %and3A_4 = vector.broadcast %and3A : i32 to vector<1x2560xi32>
    %and3A_5 = arith.andi %get3A_3, %and3A_4 : vector<1x2560xi32>
    %eq3A_6 = vector.broadcast %and3A_5 : vector<1x2560xi32> to vector<128x2560xi32>
    %eq3A_7 = vector.broadcast %iota3A : vector<128x1xi32> to vector<128x2560xi32>
    %eq3A_8 = arith.cmpi eq, %eq3A_6, %eq3A_7 : vector<128x2560xi32>
    %convert_element_type3A_9 = arith.extui %eq3A_8 : vector<128x2560xi1> to vector<128x2560xi32>
    %convert_element_type3A_10 = arith.sitofp %convert_element_type3A_9 : vector<128x2560xi32> to vector<128x2560xf32>
    %convert_element_type3A_11 = arith.truncf %convert_element_type3A_10 : vector<128x2560xf32> to vector<128x2560xbf16>
    %shift_right_logical3A = arith.constant 7 : i32
    %shift_right_logical3A_12 = vector.broadcast %shift_right_logical3A : i32 to vector<1x2560xi32>
    %shift_right_logical3A_13 = arith.shrui %get3A_3, %shift_right_logical3A_12 : vector<1x2560xi32>
    %eq3A_14 = vector.broadcast %shift_right_logical3A_13 : vector<1x2560xi32> to vector<128x2560xi32>
    %eq3A_15 = vector.broadcast %iota3A : vector<128x1xi32> to vector<128x2560xi32>
    %eq3A_16 = arith.cmpi eq, %eq3A_14, %eq3A_15 : vector<128x2560xi32>
    %convert_element_type3A_17 = arith.extui %eq3A_16 : vector<128x2560xi1> to vector<128x2560xi32>
    %convert_element_type3A_18 = arith.sitofp %convert_element_type3A_17 : vector<128x2560xi32> to vector<128x2560xf32>
    %convert_element_type3A_19 = arith.truncf %convert_element_type3A_18 : vector<128x2560xf32> to vector<128x2560xbf16>
    %get3A_20 = arith.constant 0 : index
    %get3A_21 = arith.constant 0 : index
    %get3A_22 = vector.load %arg3[%get3A_20, %get3A_21] : memref<128x128xf32, #tpu.memory_space<vmem>>, vector<128x128xf32>
    %dot_general3A = arith.constant dense<0.000000e+00> : vector<128x128xf32>
    %dot_general3A_23 = tpu.matmul %convert_element_type3A_11, %convert_element_type3A_19, %dot_general3A {dimension_numbers = #tpu.dot_dimension_numbers<[1], [1], [0], [0], [0, 0, 1, 0], [], []>, transpose_lhs_hint = false} : vector<128x2560xbf16>, vector<128x2560xbf16>, vector<128x128xf32> -> vector<128x128xf32>
    %add3A = arith.addf %get3A_22, %dot_general3A_23 : vector<128x128xf32>
    %swap3A = arith.constant 0 : index
    %swap3A_24 = arith.constant 0 : index
    %swap3A_25 = vector.load %arg3[%swap3A, %swap3A_24] : memref<128x128xf32, #tpu.memory_space<vmem>>, vector<128x128xf32>
    tpu.vector_store %arg3[%swap3A, %swap3A_24], %add3A {strides = array<i32>} : memref<128x128xf32, #tpu.memory_space<vmem>>, vector<128x128xf32>,
    %eq3A_26 = arith.constant 127 : i32
    %eq3A_27 = arith.cmpi eq, %arg0, %eq3A_26 : i32
    %convert_element_type3A_28 = arith.extui %eq3A_27 : i1 to i32
    %cond3A_29 = arith.constant 0 : i32
    %cond3A_30 = arith.cmpi ne, %convert_element_type3A_28, %cond3A_29 : i32
    scf.if %cond3A_30 {
      %get3A_31 = arith.constant 0 : index
      %get3A_32 = arith.constant 0 : index
      %get3A_33 = vector.load %arg3[%get3A_31, %get3A_32] : memref<128x128xf32, #tpu.memory_space<vmem>>, vector<128x128xf32>
      %swap3A_34 = arith.constant 0 : index
      %swap3A_35 = arith.constant 0 : index
      %swap3A_36 = vector.load %arg2[%swap3A_34, %swap3A_35] : memref<128x128xf32, #tpu.memory_space<vmem>>, vector<128x128xf32>
      tpu.vector_store %arg2[%swap3A_34, %swap3A_35], %get3A_33 {strides = array<i32>} : memref<128x128xf32, #tpu.memory_space<vmem>>, vector<128x128xf32>,
    } else {
    }
    return
  }
  func.func @transform_0(%arg0: i32) -> (i32, i32) {
    %c0_i32 = arith.constant 0 : i32
    %c0_i32_0 = arith.constant 0 : i32
    return %c0_i32, %arg0 : i32, i32
  }
  func.func @transform_1(%arg0: i32) -> (i32, i32) {
    %c0_i32 = arith.constant 0 : i32
    %c0_i32_0 = arith.constant 0 : i32
    %c0_i32_1 = arith.constant 0 : i32
    return %c0_i32, %c0_i32_0 : i32, i32
  }
}

module attributes {stable_mosaic.version = 14 : i64} {
  func.func @body(%arg0: i32, %arg1: memref<1024x1xf32, #tpu.memory_space<vmem>>, %arg2: memref<1024x128xf32, #tpu.memory_space<vmem>>, %arg3: memref<1024x128xf32, #tpu.memory_space<vmem>>, %arg4: memref<1024x1xf32, #tpu.memory_space<vmem>>) attributes {dimension_semantics = [#tpu.dimension_semantics<arbitrary>], iteration_bounds = array<i64: 10>, scalar_prefetch = 0 : i64, scratch_operands = 0 : i64, tpu.core_type = #tpu.core_type<tc>, window_params = [{transform_indices = @transform_0, window_bounds = array<i64: 1024, 1>}, {transform_indices = @transform_1, window_bounds = array<i64: 1024, 128>}, {transform_indices = @transform_2, window_bounds = array<i64: 1024, 128>}, {transform_indices = @transform_3, window_bounds = array<i64: 1024, 1>}]} {
    %get3A = arith.constant 0 : index
    %get3A_0 = arith.constant 0 : index
    %get3A_1 = vector.load %arg1[%get3A, %get3A_0] : memref<1024x1xf32, #tpu.memory_space<vmem>>, vector<1024x1xf32>
    %add3A = arith.constant 1.000000e+00 : f32
    %add3A_2 = vector.broadcast %add3A : f32 to vector<1024x1xf32>
    %add3A_3 = arith.addf %get3A_1, %add3A_2 : vector<1024x1xf32>
    %sqrt3A = math.sqrt %add3A_3 : vector<1024x1xf32>
    %div3A = arith.constant 1.000000e+00 : f32
    %div3A_4 = vector.broadcast %div3A : f32 to vector<1024x1xf32>
    %div3A_5 = arith.divf %div3A_4, %sqrt3A : vector<1024x1xf32>
    %swap3A = arith.constant 0 : index
    %swap3A_6 = arith.constant 0 : index
    %swap3A_7 = vector.load %arg4[%swap3A, %swap3A_6] : memref<1024x1xf32, #tpu.memory_space<vmem>>, vector<1024x1xf32>
    tpu.vector_store %arg4[%swap3A, %swap3A_6], %div3A_5 {strides = array<i32>} : memref<1024x1xf32, #tpu.memory_space<vmem>>, vector<1024x1xf32>,
    %get3A_8 = arith.constant 0 : index
    %get3A_9 = arith.constant 0 : index
    %get3A_10 = vector.load %arg2[%get3A_8, %get3A_9] : memref<1024x128xf32, #tpu.memory_space<vmem>>, vector<1024x128xf32>
    %mul3A = vector.broadcast %div3A_5 : vector<1024x1xf32> to vector<1024x128xf32>
    %mul3A_11 = arith.mulf %get3A_10, %mul3A : vector<1024x128xf32>
    %swap3A_12 = arith.constant 0 : index
    %swap3A_13 = arith.constant 0 : index
    %swap3A_14 = vector.load %arg3[%swap3A_12, %swap3A_13] : memref<1024x128xf32, #tpu.memory_space<vmem>>, vector<1024x128xf32>
    tpu.vector_store %arg3[%swap3A_12, %swap3A_13], %mul3A_11 {strides = array<i32>} : memref<1024x128xf32, #tpu.memory_space<vmem>>, vector<1024x128xf32>,
    return
  }
  func.func @transform_0(%arg0: i32) -> (i32, i32) {
    %c0_i32 = arith.constant 0 : i32
    %c0_i32_0 = arith.constant 0 : i32
    return %arg0, %c0_i32 : i32, i32
  }
  func.func @transform_1(%arg0: i32) -> (i32, i32) {
    %c0_i32 = arith.constant 0 : i32
    %c0_i32_0 = arith.constant 0 : i32
    return %arg0, %c0_i32 : i32, i32
  }
  func.func @transform_2(%arg0: i32) -> (i32, i32) {
    %c0_i32 = arith.constant 0 : i32
    %c0_i32_0 = arith.constant 0 : i32
    return %arg0, %c0_i32 : i32, i32
  }
  func.func @transform_3(%arg0: i32) -> (i32, i32) {
    %c0_i32 = arith.constant 0 : i32
    %c0_i32_0 = arith.constant 0 : i32
    return %arg0, %c0_i32 : i32, i32
  }
}

module attributes {stable_mosaic.version = 14 : i64} {
  func.func @body(%arg0: i32, %arg1: memref<2x1024x128xf32, #tpu.memory_space<vmem>>, %arg2: memref<1024x128xf32, #tpu.memory_space<vmem>>, %arg3: memref<1024x1xf32, #tpu.memory_space<vmem>>, %arg4: memref<1024x128xf32, #tpu.memory_space<vmem>>, %arg5: memref<128x128xf32, #tpu.memory_space<vmem>>, %arg6: memref<1x128xf32, #tpu.memory_space<vmem>>, %arg7: memref<1x128xf32, #tpu.memory_space<vmem>>, %arg8: memref<1x128xf32, #tpu.memory_space<vmem>>, %arg9: memref<1024x128xf32, #tpu.memory_space<vmem>>, %arg10: memref<1024x128xf32, #tpu.memory_space<vmem>>) attributes {dimension_semantics = [#tpu.dimension_semantics<arbitrary>], iteration_bounds = array<i64: 10>, scalar_prefetch = 0 : i64, scratch_operands = 0 : i64, tpu.core_type = #tpu.core_type<tc>, window_params = [{transform_indices = @transform_0, window_bounds = array<i64: 2, 1024, 128>}, {transform_indices = @transform_1, window_bounds = array<i64: 1024, 128>}, {transform_indices = @transform_2, window_bounds = array<i64: 1024, 1>}, {transform_indices = @transform_3, window_bounds = array<i64: 1024, 128>}, {pipeline_mode = #tpu.pipeline_mode<synchronous>, transform_indices = @transform_4, window_bounds = array<i64: 128, 128>}, {pipeline_mode = #tpu.pipeline_mode<synchronous>, transform_indices = @transform_5, window_bounds = array<i64: 1, 128>}, {pipeline_mode = #tpu.pipeline_mode<synchronous>, transform_indices = @transform_6, window_bounds = array<i64: 1, 128>}, {pipeline_mode = #tpu.pipeline_mode<synchronous>, transform_indices = @transform_7, window_bounds = array<i64: 1, 128>}, {transform_indices = @transform_8, window_bounds = array<i64: 1024, 128>}, {transform_indices = @transform_9, window_bounds = array<i64: 1024, 128>}]} {
    %get3A = arith.constant 0 : index
    %get3A_0 = arith.constant 0 : index
    %get3A_1 = arith.constant 0 : index
    %get3A_2 = vector.load %arg1[%get3A, %get3A_0, %get3A_1] : memref<2x1024x128xf32, #tpu.memory_space<vmem>>, vector<1x1024x128xf32>
    %get3A_3 = vector.shape_cast %get3A_2 : vector<1x1024x128xf32> to vector<1024x128xf32>
    %get3A_4 = arith.constant 1 : index
    %get3A_5 = arith.constant 0 : index
    %get3A_6 = arith.constant 0 : index
    %get3A_7 = vector.load %arg1[%get3A_4, %get3A_5, %get3A_6] : memref<2x1024x128xf32, #tpu.memory_space<vmem>>, vector<1x1024x128xf32>
    %get3A_8 = vector.shape_cast %get3A_7 : vector<1x1024x128xf32> to vector<1024x128xf32>
    %add3A = arith.addf %get3A_3, %get3A_8 : vector<1024x128xf32>
    %get3A_9 = arith.constant 0 : index
    %get3A_10 = arith.constant 0 : index
    %get3A_11 = vector.load %arg2[%get3A_9, %get3A_10] : memref<1024x128xf32, #tpu.memory_space<vmem>>, vector<1024x128xf32>
    %add3A_12 = arith.addf %add3A, %get3A_11 : vector<1024x128xf32>
    %get3A_13 = arith.constant 0 : index
    %get3A_14 = arith.constant 0 : index
    %get3A_15 = vector.load %arg3[%get3A_13, %get3A_14] : memref<1024x1xf32, #tpu.memory_space<vmem>>, vector<1024x1xf32>
    %mul3A = vector.broadcast %get3A_15 : vector<1024x1xf32> to vector<1024x128xf32>
    %mul3A_16 = arith.mulf %add3A_12, %mul3A : vector<1024x128xf32>
    %get3A_17 = arith.constant 0 : index
    %get3A_18 = arith.constant 0 : index
    %get3A_19 = vector.load %arg5[%get3A_17, %get3A_18] : memref<128x128xf32, #tpu.memory_space<vmem>>, vector<128x128xf32>
    %dot_general3A = arith.constant dense<0.000000e+00> : vector<1024x128xf32>
    %dot_general3A_20 = tpu.matmul %mul3A_16, %get3A_19, %dot_general3A {dimension_numbers = #tpu.dot_dimension_numbers<[1], [0], [0], [1], [0, 0, 1, 1], [], []>, precision = #tpu.contract_precision<fp32>, transpose_lhs_hint = false} : vector<1024x128xf32>, vector<128x128xf32>, vector<1024x128xf32> -> vector<1024x128xf32>
    %get3A_21 = arith.constant 0 : index
    %get3A_22 = arith.constant 0 : index
    %get3A_23 = vector.load %arg6[%get3A_21, %get3A_22] : memref<1x128xf32, #tpu.memory_space<vmem>>, vector<1x128xf32>
    %add3A_24 = vector.broadcast %get3A_23 : vector<1x128xf32> to vector<1024x128xf32>
    %add3A_25 = arith.addf %dot_general3A_20, %add3A_24 : vector<1024x128xf32>
    %reduce_sum3A = arith.constant dense<0.000000e+00> : vector<1024xf32>
    %reduce_sum3A_26 = vector.multi_reduction <add>, %add3A_25, %reduce_sum3A [1] : vector<1024x128xf32> to vector<1024xf32>
    %broadcast_in_dim3A = vector.shape_cast %reduce_sum3A_26 : vector<1024xf32> to vector<1024x1xf32>
    %div3A = arith.constant 1.280000e+02 : f32
    %div3A_27 = vector.broadcast %div3A : f32 to vector<1024x1xf32>
    %div3A_28 = arith.divf %broadcast_in_dim3A, %div3A_27 : vector<1024x1xf32>
    %sub3A = vector.broadcast %div3A_28 : vector<1024x1xf32> to vector<1024x128xf32>
    %sub3A_29 = arith.subf %add3A_25, %sub3A : vector<1024x128xf32>
    %integer_pow3A = arith.mulf %sub3A_29, %sub3A_29 : vector<1024x128xf32>
    %reduce_sum3A_30 = arith.constant dense<0.000000e+00> : vector<1024xf32>
    %reduce_sum3A_31 = vector.multi_reduction <add>, %integer_pow3A, %reduce_sum3A_30 [1] : vector<1024x128xf32> to vector<1024xf32>
    %broadcast_in_dim3A_32 = vector.shape_cast %reduce_sum3A_31 : vector<1024xf32> to vector<1024x1xf32>
    %div3A_33 = arith.constant 1.280000e+02 : f32
    %div3A_34 = vector.broadcast %div3A_33 : f32 to vector<1024x1xf32>
    %div3A_35 = arith.divf %broadcast_in_dim3A_32, %div3A_34 : vector<1024x1xf32>
    %sub3A_36 = vector.broadcast %div3A_28 : vector<1024x1xf32> to vector<1024x128xf32>
    %sub3A_37 = arith.subf %add3A_25, %sub3A_36 : vector<1024x128xf32>
    %add3A_38 = arith.constant 9.99999974E-6 : f32
    %add3A_39 = vector.broadcast %add3A_38 : f32 to vector<1024x1xf32>
    %add3A_40 = arith.addf %div3A_35, %add3A_39 : vector<1024x1xf32>
    %sqrt3A = math.sqrt %add3A_40 : vector<1024x1xf32>
    %div3A_41 = vector.broadcast %sqrt3A : vector<1024x1xf32> to vector<1024x128xf32>
    %div3A_42 = arith.divf %sub3A_37, %div3A_41 : vector<1024x128xf32>
    %get3A_43 = arith.constant 0 : index
    %get3A_44 = arith.constant 0 : index
    %get3A_45 = vector.load %arg7[%get3A_43, %get3A_44] : memref<1x128xf32, #tpu.memory_space<vmem>>, vector<1x128xf32>
    %mul3A_46 = vector.broadcast %get3A_45 : vector<1x128xf32> to vector<1024x128xf32>
    %mul3A_47 = arith.mulf %div3A_42, %mul3A_46 : vector<1024x128xf32>
    %get3A_48 = arith.constant 0 : index
    %get3A_49 = arith.constant 0 : index
    %get3A_50 = vector.load %arg8[%get3A_48, %get3A_49] : memref<1x128xf32, #tpu.memory_space<vmem>>, vector<1x128xf32>
    %add3A_51 = vector.broadcast %get3A_50 : vector<1x128xf32> to vector<1024x128xf32>
    %add3A_52 = arith.addf %mul3A_47, %add3A_51 : vector<1024x128xf32>
    %gt3A = arith.constant 0.000000e+00 : f32
    %gt3A_53 = vector.broadcast %gt3A : f32 to vector<1024x128xf32>
    %gt3A_54 = arith.cmpf ogt, %add3A_52, %gt3A_53 : vector<1024x128xf32>
    %exp3A = math.exp %add3A_52 : vector<1024x128xf32>
    %sub3A_55 = arith.constant 1.000000e+00 : f32
    %sub3A_56 = vector.broadcast %sub3A_55 : f32 to vector<1024x128xf32>
    %sub3A_57 = arith.subf %exp3A, %sub3A_56 : vector<1024x128xf32>
    %select_n3A = arith.select %gt3A_54, %add3A_52, %sub3A_57 : vector<1024x128xi1>, vector<1024x128xf32>
    %get3A_58 = arith.constant 0 : index
    %get3A_59 = arith.constant 0 : index
    %get3A_60 = vector.load %arg4[%get3A_58, %get3A_59] : memref<1024x128xf32, #tpu.memory_space<vmem>>, vector<1024x128xf32>
    %add3A_61 = arith.addf %select_n3A, %get3A_60 : vector<1024x128xf32>
    %swap3A = arith.constant 0 : index
    %swap3A_62 = arith.constant 0 : index
    %swap3A_63 = vector.load %arg9[%swap3A, %swap3A_62] : memref<1024x128xf32, #tpu.memory_space<vmem>>, vector<1024x128xf32>
    tpu.vector_store %arg9[%swap3A, %swap3A_62], %add3A_61 {strides = array<i32>} : memref<1024x128xf32, #tpu.memory_space<vmem>>, vector<1024x128xf32>,
    %mul3A_64 = arith.constant 1024 : i32
    %mul3A_65 = arith.muli %arg0, %mul3A_64 : i32
    %iota3A = tpu.iota {dimensions = array<i32: 0>} : vector<1024x1xi32>
    %add3A_66 = vector.broadcast %mul3A_65 : i32 to vector<1024x1xi32>
    %add3A_67 = arith.addi %add3A_66, %iota3A : vector<1024x1xi32>
    %lt3A = arith.constant 10000 : i32
    %lt3A_68 = vector.broadcast %lt3A : i32 to vector<1024x1xi32>
    %lt3A_69 = arith.cmpi slt, %add3A_67, %lt3A_68 : vector<1024x1xi32>
    %convert_element_type3A = arith.extui %lt3A_69 : vector<1024x1xi1> to vector<1024x1xi32>
    %convert_element_type3A_70 = arith.sitofp %convert_element_type3A : vector<1024x1xi32> to vector<1024x1xf32>
    %get3A_71 = arith.constant 0 : index
    %get3A_72 = arith.constant 0 : index
    %get3A_73 = vector.load %arg3[%get3A_71, %get3A_72] : memref<1024x1xf32, #tpu.memory_space<vmem>>, vector<1024x1xf32>
    %mul3A_74 = vector.broadcast %get3A_73 : vector<1024x1xf32> to vector<1024x128xf32>
    %mul3A_75 = arith.mulf %add3A_61, %mul3A_74 : vector<1024x128xf32>
    %mul3A_76 = vector.broadcast %convert_element_type3A_70 : vector<1024x1xf32> to vector<1024x128xf32>
    %mul3A_77 = arith.mulf %mul3A_75, %mul3A_76 : vector<1024x128xf32>
    %swap3A_78 = arith.constant 0 : index
    %swap3A_79 = arith.constant 0 : index
    %swap3A_80 = vector.load %arg10[%swap3A_78, %swap3A_79] : memref<1024x128xf32, #tpu.memory_space<vmem>>, vector<1024x128xf32>
    tpu.vector_store %arg10[%swap3A_78, %swap3A_79], %mul3A_77 {strides = array<i32>} : memref<1024x128xf32, #tpu.memory_space<vmem>>, vector<1024x128xf32>,
    return
  }
  func.func @transform_0(%arg0: i32) -> (i32, i32, i32) {
    %c0_i32 = arith.constant 0 : i32
    %c0_i32_0 = arith.constant 0 : i32
    %c0_i32_1 = arith.constant 0 : i32
    return %c0_i32, %arg0, %c0_i32_0 : i32, i32, i32
  }
  func.func @transform_1(%arg0: i32) -> (i32, i32) {
    %c0_i32 = arith.constant 0 : i32
    %c0_i32_0 = arith.constant 0 : i32
    return %arg0, %c0_i32 : i32, i32
  }
  func.func @transform_2(%arg0: i32) -> (i32, i32) {
    %c0_i32 = arith.constant 0 : i32
    %c0_i32_0 = arith.constant 0 : i32
    return %arg0, %c0_i32 : i32, i32
  }
  func.func @transform_3(%arg0: i32) -> (i32, i32) {
    %c0_i32 = arith.constant 0 : i32
    %c0_i32_0 = arith.constant 0 : i32
    return %arg0, %c0_i32 : i32, i32
  }
  func.func @transform_4(%arg0: i32) -> (i32, i32) {
    %c0_i32 = arith.constant 0 : i32
    %c0_i32_0 = arith.constant 0 : i32
    %c0_i32_1 = arith.constant 0 : i32
    return %c0_i32, %c0_i32_0 : i32, i32
  }
  func.func @transform_5(%arg0: i32) -> (i32, i32) {
    %c0_i32 = arith.constant 0 : i32
    %c0_i32_0 = arith.constant 0 : i32
    %c0_i32_1 = arith.constant 0 : i32
    return %c0_i32, %c0_i32_0 : i32, i32
  }
  func.func @transform_6(%arg0: i32) -> (i32, i32) {
    %c0_i32 = arith.constant 0 : i32
    %c0_i32_0 = arith.constant 0 : i32
    %c0_i32_1 = arith.constant 0 : i32
    return %c0_i32, %c0_i32_0 : i32, i32
  }
  func.func @transform_7(%arg0: i32) -> (i32, i32) {
    %c0_i32 = arith.constant 0 : i32
    %c0_i32_0 = arith.constant 0 : i32
    %c0_i32_1 = arith.constant 0 : i32
    return %c0_i32, %c0_i32_0 : i32, i32
  }
  func.func @transform_8(%arg0: i32) -> (i32, i32) {
    %c0_i32 = arith.constant 0 : i32
    %c0_i32_0 = arith.constant 0 : i32
    return %arg0, %c0_i32 : i32, i32
  }
  func.func @transform_9(%arg0: i32) -> (i32, i32) {
    %c0_i32 = arith.constant 0 : i32
    %c0_i32_0 = arith.constant 0 : i32
    return %arg0, %c0_i32 : i32, i32
  }
}

module attributes {stable_mosaic.version = 14 : i64} {
  func.func @body(%arg0: i32, %arg1: memref<2x1024x128xf32, #tpu.memory_space<vmem>>, %arg2: memref<1024x128xf32, #tpu.memory_space<vmem>>, %arg3: memref<1024x1xf32, #tpu.memory_space<vmem>>, %arg4: memref<1024x128xf32, #tpu.memory_space<vmem>>, %arg5: memref<1024x1xi32, #tpu.memory_space<vmem>>, %arg6: memref<128x128xf32, #tpu.memory_space<vmem>>, %arg7: memref<1x128xf32, #tpu.memory_space<vmem>>, %arg8: memref<1x128xf32, #tpu.memory_space<vmem>>, %arg9: memref<1x128xf32, #tpu.memory_space<vmem>>, %arg10: memref<128x1xf32, #tpu.memory_space<vmem>>, %arg11: memref<1x1xf32, #tpu.memory_space<vmem>>, %arg12: memref<128x64xf32, #tpu.memory_space<vmem>>, %arg13: memref<1x64xf32, #tpu.memory_space<vmem>>, %arg14: memref<64x50xf32, #tpu.memory_space<vmem>>, %arg15: memref<1x50xf32, #tpu.memory_space<vmem>>, %arg16: memref<1024x1xf32, #tpu.memory_space<vmem>>, %arg17: memref<16x50xf32, #tpu.memory_space<vmem>>, %arg18: memref<16x128xf32, #tpu.memory_space<vmem>>, %arg19: memref<16x128xf32, #tpu.memory_space<vmem>>) attributes {dimension_semantics = [#tpu.dimension_semantics<arbitrary>], iteration_bounds = array<i64: 10>, scalar_prefetch = 0 : i64, scratch_operands = 2 : i64, tpu.core_type = #tpu.core_type<tc>, window_params = [{transform_indices = @transform_0, window_bounds = array<i64: 2, 1024, 128>}, {transform_indices = @transform_1, window_bounds = array<i64: 1024, 128>}, {transform_indices = @transform_2, window_bounds = array<i64: 1024, 1>}, {transform_indices = @transform_3, window_bounds = array<i64: 1024, 128>}, {transform_indices = @transform_4, window_bounds = array<i64: 1024, 1>}, {pipeline_mode = #tpu.pipeline_mode<synchronous>, transform_indices = @transform_5, window_bounds = array<i64: 128, 128>}, {pipeline_mode = #tpu.pipeline_mode<synchronous>, transform_indices = @transform_6, window_bounds = array<i64: 1, 128>}, {pipeline_mode = #tpu.pipeline_mode<synchronous>, transform_indices = @transform_7, window_bounds = array<i64: 1, 128>}, {pipeline_mode = #tpu.pipeline_mode<synchronous>, transform_indices = @transform_8, window_bounds = array<i64: 1, 128>}, {pipeline_mode = #tpu.pipeline_mode<synchronous>, transform_indices = @transform_9, window_bounds = array<i64: 128, 1>}, {pipeline_mode = #tpu.pipeline_mode<synchronous>, transform_indices = @transform_10, window_bounds = array<i64: 1, 1>}, {pipeline_mode = #tpu.pipeline_mode<synchronous>, transform_indices = @transform_11, window_bounds = array<i64: 128, 64>}, {pipeline_mode = #tpu.pipeline_mode<synchronous>, transform_indices = @transform_12, window_bounds = array<i64: 1, 64>}, {pipeline_mode = #tpu.pipeline_mode<synchronous>, transform_indices = @transform_13, window_bounds = array<i64: 64, 50>}, {pipeline_mode = #tpu.pipeline_mode<synchronous>, transform_indices = @transform_14, window_bounds = array<i64: 1, 50>}, {transform_indices = @transform_15, window_bounds = array<i64: 1024, 1>}, {pipeline_mode = #tpu.pipeline_mode<synchronous>, transform_indices = @transform_16, window_bounds = array<i64: 16, 50>}]} {
    %get3A = arith.constant 0 : index
    %get3A_0 = arith.constant 0 : index
    %get3A_1 = arith.constant 0 : index
    %get3A_2 = vector.load %arg1[%get3A, %get3A_0, %get3A_1] : memref<2x1024x128xf32, #tpu.memory_space<vmem>>, vector<1x1024x128xf32>
    %get3A_3 = vector.shape_cast %get3A_2 : vector<1x1024x128xf32> to vector<1024x128xf32>
    %get3A_4 = arith.constant 1 : index
    %get3A_5 = arith.constant 0 : index
    %get3A_6 = arith.constant 0 : index
    %get3A_7 = vector.load %arg1[%get3A_4, %get3A_5, %get3A_6] : memref<2x1024x128xf32, #tpu.memory_space<vmem>>, vector<1x1024x128xf32>
    %get3A_8 = vector.shape_cast %get3A_7 : vector<1x1024x128xf32> to vector<1024x128xf32>
    %add3A = arith.addf %get3A_3, %get3A_8 : vector<1024x128xf32>
    %get3A_9 = arith.constant 0 : index
    %get3A_10 = arith.constant 0 : index
    %get3A_11 = vector.load %arg2[%get3A_9, %get3A_10] : memref<1024x128xf32, #tpu.memory_space<vmem>>, vector<1024x128xf32>
    %add3A_12 = arith.addf %add3A, %get3A_11 : vector<1024x128xf32>
    %get3A_13 = arith.constant 0 : index
    %get3A_14 = arith.constant 0 : index
    %get3A_15 = vector.load %arg3[%get3A_13, %get3A_14] : memref<1024x1xf32, #tpu.memory_space<vmem>>, vector<1024x1xf32>
    %mul3A = vector.broadcast %get3A_15 : vector<1024x1xf32> to vector<1024x128xf32>
    %mul3A_16 = arith.mulf %add3A_12, %mul3A : vector<1024x128xf32>
    %get3A_17 = arith.constant 0 : index
    %get3A_18 = arith.constant 0 : index
    %get3A_19 = vector.load %arg6[%get3A_17, %get3A_18] : memref<128x128xf32, #tpu.memory_space<vmem>>, vector<128x128xf32>
    %dot_general3A = arith.constant dense<0.000000e+00> : vector<1024x128xf32>
    %dot_general3A_20 = tpu.matmul %mul3A_16, %get3A_19, %dot_general3A {dimension_numbers = #tpu.dot_dimension_numbers<[1], [0], [0], [1], [0, 0, 1, 1], [], []>, precision = #tpu.contract_precision<fp32>, transpose_lhs_hint = false} : vector<1024x128xf32>, vector<128x128xf32>, vector<1024x128xf32> -> vector<1024x128xf32>
    %get3A_21 = arith.constant 0 : index
    %get3A_22 = arith.constant 0 : index
    %get3A_23 = vector.load %arg7[%get3A_21, %get3A_22] : memref<1x128xf32, #tpu.memory_space<vmem>>, vector<1x128xf32>
    %add3A_24 = vector.broadcast %get3A_23 : vector<1x128xf32> to vector<1024x128xf32>
    %add3A_25 = arith.addf %dot_general3A_20, %add3A_24 : vector<1024x128xf32>
    %reduce_sum3A = arith.constant dense<0.000000e+00> : vector<1024xf32>
    %reduce_sum3A_26 = vector.multi_reduction <add>, %add3A_25, %reduce_sum3A [1] : vector<1024x128xf32> to vector<1024xf32>
    %broadcast_in_dim3A = vector.shape_cast %reduce_sum3A_26 : vector<1024xf32> to vector<1024x1xf32>
    %div3A = arith.constant 1.280000e+02 : f32
    %div3A_27 = vector.broadcast %div3A : f32 to vector<1024x1xf32>
    %div3A_28 = arith.divf %broadcast_in_dim3A, %div3A_27 : vector<1024x1xf32>
    %sub3A = vector.broadcast %div3A_28 : vector<1024x1xf32> to vector<1024x128xf32>
    %sub3A_29 = arith.subf %add3A_25, %sub3A : vector<1024x128xf32>
    %integer_pow3A = arith.mulf %sub3A_29, %sub3A_29 : vector<1024x128xf32>
    %reduce_sum3A_30 = arith.constant dense<0.000000e+00> : vector<1024xf32>
    %reduce_sum3A_31 = vector.multi_reduction <add>, %integer_pow3A, %reduce_sum3A_30 [1] : vector<1024x128xf32> to vector<1024xf32>
    %broadcast_in_dim3A_32 = vector.shape_cast %reduce_sum3A_31 : vector<1024xf32> to vector<1024x1xf32>
    %div3A_33 = arith.constant 1.280000e+02 : f32
    %div3A_34 = vector.broadcast %div3A_33 : f32 to vector<1024x1xf32>
    %div3A_35 = arith.divf %broadcast_in_dim3A_32, %div3A_34 : vector<1024x1xf32>
    %sub3A_36 = vector.broadcast %div3A_28 : vector<1024x1xf32> to vector<1024x128xf32>
    %sub3A_37 = arith.subf %add3A_25, %sub3A_36 : vector<1024x128xf32>
    %add3A_38 = arith.constant 9.99999974E-6 : f32
    %add3A_39 = vector.broadcast %add3A_38 : f32 to vector<1024x1xf32>
    %add3A_40 = arith.addf %div3A_35, %add3A_39 : vector<1024x1xf32>
    %sqrt3A = math.sqrt %add3A_40 : vector<1024x1xf32>
    %div3A_41 = vector.broadcast %sqrt3A : vector<1024x1xf32> to vector<1024x128xf32>
    %div3A_42 = arith.divf %sub3A_37, %div3A_41 : vector<1024x128xf32>
    %get3A_43 = arith.constant 0 : index
    %get3A_44 = arith.constant 0 : index
    %get3A_45 = vector.load %arg8[%get3A_43, %get3A_44] : memref<1x128xf32, #tpu.memory_space<vmem>>, vector<1x128xf32>
    %mul3A_46 = vector.broadcast %get3A_45 : vector<1x128xf32> to vector<1024x128xf32>
    %mul3A_47 = arith.mulf %div3A_42, %mul3A_46 : vector<1024x128xf32>
    %get3A_48 = arith.constant 0 : index
    %get3A_49 = arith.constant 0 : index
    %get3A_50 = vector.load %arg9[%get3A_48, %get3A_49] : memref<1x128xf32, #tpu.memory_space<vmem>>, vector<1x128xf32>
    %add3A_51 = vector.broadcast %get3A_50 : vector<1x128xf32> to vector<1024x128xf32>
    %add3A_52 = arith.addf %mul3A_47, %add3A_51 : vector<1024x128xf32>
    %gt3A = arith.constant 0.000000e+00 : f32
    %gt3A_53 = vector.broadcast %gt3A : f32 to vector<1024x128xf32>
    %gt3A_54 = arith.cmpf ogt, %add3A_52, %gt3A_53 : vector<1024x128xf32>
    %exp3A = math.exp %add3A_52 : vector<1024x128xf32>
    %sub3A_55 = arith.constant 1.000000e+00 : f32
    %sub3A_56 = vector.broadcast %sub3A_55 : f32 to vector<1024x128xf32>
    %sub3A_57 = arith.subf %exp3A, %sub3A_56 : vector<1024x128xf32>
    %select_n3A = arith.select %gt3A_54, %add3A_52, %sub3A_57 : vector<1024x128xi1>, vector<1024x128xf32>
    %get3A_58 = arith.constant 0 : index
    %get3A_59 = arith.constant 0 : index
    %get3A_60 = vector.load %arg4[%get3A_58, %get3A_59] : memref<1024x128xf32, #tpu.memory_space<vmem>>, vector<1024x128xf32>
    %add3A_61 = arith.addf %select_n3A, %get3A_60 : vector<1024x128xf32>
    %get3A_62 = arith.constant 0 : index
    %get3A_63 = arith.constant 0 : index
    %get3A_64 = vector.load %arg10[%get3A_62, %get3A_63] : memref<128x1xf32, #tpu.memory_space<vmem>>, vector<128x1xf32>
    %dot_general3A_65 = arith.constant dense<0.000000e+00> : vector<1024x1xf32>
    %dot_general3A_66 = tpu.matmul %add3A_61, %get3A_64, %dot_general3A_65 {dimension_numbers = #tpu.dot_dimension_numbers<[1], [0], [0], [1], [0, 0, 1, 1], [], []>, precision = #tpu.contract_precision<fp32>, transpose_lhs_hint = false} : vector<1024x128xf32>, vector<128x1xf32>, vector<1024x1xf32> -> vector<1024x1xf32>
    %get3A_67 = arith.constant 0 : index
    %get3A_68 = arith.constant 0 : index
    %get3A_69 = vector.load %arg11[%get3A_67, %get3A_68] : memref<1x1xf32, #tpu.memory_space<vmem>>, vector<1x1xf32>
    %add3A_70 = vector.broadcast %get3A_69 : vector<1x1xf32> to vector<1024x1xf32>
    %add3A_71 = arith.addf %dot_general3A_66, %add3A_70 : vector<1024x1xf32>
    %swap3A = arith.constant 0 : index
    %swap3A_72 = arith.constant 0 : index
    %swap3A_73 = vector.load %arg16[%swap3A, %swap3A_72] : memref<1024x1xf32, #tpu.memory_space<vmem>>, vector<1024x1xf32>
    tpu.vector_store %arg16[%swap3A, %swap3A_72], %add3A_71 {strides = array<i32>} : memref<1024x1xf32, #tpu.memory_space<vmem>>, vector<1024x1xf32>,
    %eq3A = arith.constant 0 : i32
    %eq3A_74 = arith.cmpi eq, %arg0, %eq3A : i32
    %convert_element_type3A = arith.extui %eq3A_74 : i1 to i32
    %cond3A = arith.constant 0 : i32
    %cond3A_75 = arith.cmpi ne, %convert_element_type3A, %cond3A : i32
    scf.if %cond3A_75 {
      %broadcast_in_dim3A_109 = arith.constant 0.000000e+00 : f32
      %broadcast_in_dim3A_110 = vector.broadcast %broadcast_in_dim3A_109 : f32 to vector<16x128xf32>
      %swap3A_111 = arith.constant 0 : index
      %swap3A_112 = arith.constant 0 : index
      %swap3A_113 = vector.load %arg18[%swap3A_111, %swap3A_112] : memref<16x128xf32, #tpu.memory_space<vmem>>, vector<16x128xf32>
      tpu.vector_store %arg18[%swap3A_111, %swap3A_112], %broadcast_in_dim3A_110 {strides = array<i32>} : memref<16x128xf32, #tpu.memory_space<vmem>>, vector<16x128xf32>,
      %broadcast_in_dim3A_114 = arith.constant 0.000000e+00 : f32
      %broadcast_in_dim3A_115 = vector.broadcast %broadcast_in_dim3A_114 : f32 to vector<16x128xf32>
      %swap3A_116 = arith.constant 0 : index
      %swap3A_117 = arith.constant 0 : index
      %swap3A_118 = vector.load %arg19[%swap3A_116, %swap3A_117] : memref<16x128xf32, #tpu.memory_space<vmem>>, vector<16x128xf32>
      tpu.vector_store %arg19[%swap3A_116, %swap3A_117], %broadcast_in_dim3A_115 {strides = array<i32>} : memref<16x128xf32, #tpu.memory_space<vmem>>, vector<16x128xf32>,
    } else {
    }
    %get3A_76 = arith.constant 0 : index
    %get3A_77 = arith.constant 0 : index
    %get3A_78 = vector.load %arg5[%get3A_76, %get3A_77] : memref<1024x1xi32, #tpu.memory_space<vmem>>, vector<1024x1xi32>
    %iota3A = tpu.iota {dimensions = array<i32: 1>} : vector<1x16xi32>
    %eq3A_79 = vector.broadcast %get3A_78 : vector<1024x1xi32> to vector<1024x16xi32>
    %eq3A_80 = vector.broadcast %iota3A : vector<1x16xi32> to vector<1024x16xi32>
    %eq3A_81 = arith.cmpi eq, %eq3A_79, %eq3A_80 : vector<1024x16xi32>
    %convert_element_type3A_82 = arith.extui %eq3A_81 : vector<1024x16xi1> to vector<1024x16xi32>
    %convert_element_type3A_83 = arith.sitofp %convert_element_type3A_82 : vector<1024x16xi32> to vector<1024x16xf32>
    %get3A_84 = arith.constant 0 : index
    %get3A_85 = arith.constant 0 : index
    %get3A_86 = vector.load %arg18[%get3A_84, %get3A_85] : memref<16x128xf32, #tpu.memory_space<vmem>>, vector<16x128xf32>
    %dot_general3A_87 = arith.constant dense<0.000000e+00> : vector<16x128xf32>
    %dot_general3A_88 = tpu.matmul %convert_element_type3A_83, %add3A_61, %dot_general3A_87 {dimension_numbers = #tpu.dot_dimension_numbers<[0], [0], [1], [1], [0, 1, 1, 1], [], []>, precision = #tpu.contract_precision<fp32>, transpose_lhs_hint = false} : vector<1024x16xf32>, vector<1024x128xf32>, vector<16x128xf32> -> vector<16x128xf32>
    %add3A_89 = arith.addf %get3A_86, %dot_general3A_88 : vector<16x128xf32>
    %swap3A_90 = arith.constant 0 : index
    %swap3A_91 = arith.constant 0 : index
    %swap3A_92 = vector.load %arg18[%swap3A_90, %swap3A_91] : memref<16x128xf32, #tpu.memory_space<vmem>>, vector<16x128xf32>
    tpu.vector_store %arg18[%swap3A_90, %swap3A_91], %add3A_89 {strides = array<i32>} : memref<16x128xf32, #tpu.memory_space<vmem>>, vector<16x128xf32>,
    %get3A_93 = arith.constant 0 : index
    %get3A_94 = arith.constant 0 : index
    %get3A_95 = vector.load %arg19[%get3A_93, %get3A_94] : memref<16x128xf32, #tpu.memory_space<vmem>>, vector<16x128xf32>
    %broadcast_in_dim3A_96 = arith.constant 1.000000e+00 : f32
    %broadcast_in_dim3A_97 = vector.broadcast %broadcast_in_dim3A_96 : f32 to vector<1024x128xf32>
    %dot_general3A_98 = arith.constant dense<0.000000e+00> : vector<16x128xf32>
    %dot_general3A_99 = tpu.matmul %convert_element_type3A_83, %broadcast_in_dim3A_97, %dot_general3A_98 {dimension_numbers = #tpu.dot_dimension_numbers<[0], [0], [1], [1], [0, 1, 1, 1], [], []>, precision = #tpu.contract_precision<fp32>, transpose_lhs_hint = false} : vector<1024x16xf32>, vector<1024x128xf32>, vector<16x128xf32> -> vector<16x128xf32>
    %add3A_100 = arith.addf %get3A_95, %dot_general3A_99 : vector<16x128xf32>
    %swap3A_101 = arith.constant 0 : index
    %swap3A_102 = arith.constant 0 : index
    %swap3A_103 = vector.load %arg19[%swap3A_101, %swap3A_102] : memref<16x128xf32, #tpu.memory_space<vmem>>, vector<16x128xf32>
    tpu.vector_store %arg19[%swap3A_101, %swap3A_102], %add3A_100 {strides = array<i32>} : memref<16x128xf32, #tpu.memory_space<vmem>>, vector<16x128xf32>,
    %eq3A_104 = arith.constant 9 : i32
    %eq3A_105 = arith.cmpi eq, %arg0, %eq3A_104 : i32
    %convert_element_type3A_106 = arith.extui %eq3A_105 : i1 to i32
    %cond3A_107 = arith.constant 0 : i32
    %cond3A_108 = arith.cmpi ne, %convert_element_type3A_106, %cond3A_107 : i32
    scf.if %cond3A_108 {
      %get3A_109 = arith.constant 0 : index
      %get3A_110 = arith.constant 0 : index
      %get3A_111 = vector.load %arg18[%get3A_109, %get3A_110] : memref<16x128xf32, #tpu.memory_space<vmem>>, vector<16x128xf32>
      %get3A_112 = arith.constant 0 : index
      %get3A_113 = arith.constant 0 : index
      %get3A_114 = vector.load %arg19[%get3A_112, %get3A_113] : memref<16x128xf32, #tpu.memory_space<vmem>>, vector<16x128xf32>
      %max3A = arith.constant 1.000000e+00 : f32
      %max3A_115 = vector.broadcast %max3A : f32 to vector<16x128xf32>
      %max3A_116 = arith.maximumf %get3A_114, %max3A_115 : vector<16x128xf32>
      %div3A_117 = arith.divf %get3A_111, %max3A_116 : vector<16x128xf32>
      %get3A_118 = arith.constant 0 : index
      %get3A_119 = arith.constant 0 : index
      %get3A_120 = vector.load %arg12[%get3A_118, %get3A_119] : memref<128x64xf32, #tpu.memory_space<vmem>>, vector<128x64xf32>
      %dot_general3A_121 = arith.constant dense<0.000000e+00> : vector<16x64xf32>
      %dot_general3A_122 = tpu.matmul %div3A_117, %get3A_120, %dot_general3A_121 {dimension_numbers = #tpu.dot_dimension_numbers<[1], [0], [0], [1], [0, 0, 1, 1], [], []>, precision = #tpu.contract_precision<fp32>, transpose_lhs_hint = false} : vector<16x128xf32>, vector<128x64xf32>, vector<16x64xf32> -> vector<16x64xf32>
      %get3A_123 = arith.constant 0 : index
      %get3A_124 = arith.constant 0 : index
      %get3A_125 = vector.load %arg13[%get3A_123, %get3A_124] : memref<1x64xf32, #tpu.memory_space<vmem>>, vector<1x64xf32>
      %add3A_126 = vector.broadcast %get3A_125 : vector<1x64xf32> to vector<16x64xf32>
      %add3A_127 = arith.addf %dot_general3A_122, %add3A_126 : vector<16x64xf32>
      %gt3A_128 = arith.constant 0.000000e+00 : f32
      %gt3A_129 = vector.broadcast %gt3A_128 : f32 to vector<16x64xf32>
      %gt3A_130 = arith.cmpf ogt, %add3A_127, %gt3A_129 : vector<16x64xf32>
      %exp3A_131 = math.exp %add3A_127 : vector<16x64xf32>
      %sub3A_132 = arith.constant 1.000000e+00 : f32
      %sub3A_133 = vector.broadcast %sub3A_132 : f32 to vector<16x64xf32>
      %sub3A_134 = arith.subf %exp3A_131, %sub3A_133 : vector<16x64xf32>
      %select_n3A_135 = arith.select %gt3A_130, %add3A_127, %sub3A_134 : vector<16x64xi1>, vector<16x64xf32>
      %get3A_136 = arith.constant 0 : index
      %get3A_137 = arith.constant 0 : index
      %get3A_138 = vector.load %arg14[%get3A_136, %get3A_137] : memref<64x50xf32, #tpu.memory_space<vmem>>, vector<64x50xf32>
      %dot_general3A_139 = arith.constant dense<0.000000e+00> : vector<16x50xf32>
      %dot_general3A_140 = tpu.matmul %select_n3A_135, %get3A_138, %dot_general3A_139 {dimension_numbers = #tpu.dot_dimension_numbers<[1], [0], [0], [1], [0, 0, 1, 1], [], []>, precision = #tpu.contract_precision<fp32>, transpose_lhs_hint = false} : vector<16x64xf32>, vector<64x50xf32>, vector<16x50xf32> -> vector<16x50xf32>
      %get3A_141 = arith.constant 0 : index
      %get3A_142 = arith.constant 0 : index
      %get3A_143 = vector.load %arg15[%get3A_141, %get3A_142] : memref<1x50xf32, #tpu.memory_space<vmem>>, vector<1x50xf32>
      %add3A_144 = vector.broadcast %get3A_143 : vector<1x50xf32> to vector<16x50xf32>
      %add3A_145 = arith.addf %dot_general3A_140, %add3A_144 : vector<16x50xf32>
      %swap3A_146 = arith.constant 0 : index
      %swap3A_147 = arith.constant 0 : index
      %swap3A_148 = vector.load %arg17[%swap3A_146, %swap3A_147] : memref<16x50xf32, #tpu.memory_space<vmem>>, vector<16x50xf32>
      tpu.vector_store %arg17[%swap3A_146, %swap3A_147], %add3A_145 {strides = array<i32>} : memref<16x50xf32, #tpu.memory_space<vmem>>, vector<16x50xf32>,
    } else {
    }
    return
  }
  func.func @transform_0(%arg0: i32) -> (i32, i32, i32) {
    %c0_i32 = arith.constant 0 : i32
    %c0_i32_0 = arith.constant 0 : i32
    %c0_i32_1 = arith.constant 0 : i32
    return %c0_i32, %arg0, %c0_i32_0 : i32, i32, i32
  }
  func.func @transform_1(%arg0: i32) -> (i32, i32) {
    %c0_i32 = arith.constant 0 : i32
    %c0_i32_0 = arith.constant 0 : i32
    return %arg0, %c0_i32 : i32, i32
  }
  func.func @transform_2(%arg0: i32) -> (i32, i32) {
    %c0_i32 = arith.constant 0 : i32
    %c0_i32_0 = arith.constant 0 : i32
    return %arg0, %c0_i32 : i32, i32
  }
  func.func @transform_3(%arg0: i32) -> (i32, i32) {
    %c0_i32 = arith.constant 0 : i32
    %c0_i32_0 = arith.constant 0 : i32
    return %arg0, %c0_i32 : i32, i32
  }
  func.func @transform_4(%arg0: i32) -> (i32, i32) {
    %c0_i32 = arith.constant 0 : i32
    %c0_i32_0 = arith.constant 0 : i32
    return %arg0, %c0_i32 : i32, i32
  }
  func.func @transform_5(%arg0: i32) -> (i32, i32) {
    %c0_i32 = arith.constant 0 : i32
    %c0_i32_0 = arith.constant 0 : i32
    %c0_i32_1 = arith.constant 0 : i32
    return %c0_i32, %c0_i32_0 : i32, i32
  }
  func.func @transform_6(%arg0: i32) -> (i32, i32) {
    %c0_i32 = arith.constant 0 : i32
    %c0_i32_0 = arith.constant 0 : i32
    %c0_i32_1 = arith.constant 0 : i32
    return %c0_i32, %c0_i32_0 : i32, i32
  }
  func.func @transform_7(%arg0: i32) -> (i32, i32) {
    %c0_i32 = arith.constant 0 : i32
    %c0_i32_0 = arith.constant 0 : i32
    %c0_i32_1 = arith.constant 0 : i32
    return %c0_i32, %c0_i32_0 : i32, i32
  }
  func.func @transform_8(%arg0: i32) -> (i32, i32) {
    %c0_i32 = arith.constant 0 : i32
    %c0_i32_0 = arith.constant 0 : i32
    %c0_i32_1 = arith.constant 0 : i32
    return %c0_i32, %c0_i32_0 : i32, i32
  }
  func.func @transform_9(%arg0: i32) -> (i32, i32) {
    %c0_i32 = arith.constant 0 : i32
    %c0_i32_0 = arith.constant 0 : i32
    %c0_i32_1 = arith.constant 0 : i32
    return %c0_i32, %c0_i32_0 : i32, i32
  }
  func.func @transform_10(%arg0: i32) -> (i32, i32) {
    %c0_i32 = arith.constant 0 : i32
    %c0_i32_0 = arith.constant 0 : i32
    %c0_i32_1 = arith.constant 0 : i32
    return %c0_i32, %c0_i32_0 : i32, i32
  }
  func.func @transform_11(%arg0: i32) -> (i32, i32) {
    %c0_i32 = arith.constant 0 : i32
    %c0_i32_0 = arith.constant 0 : i32
    %c0_i32_1 = arith.constant 0 : i32
    return %c0_i32, %c0_i32_0 : i32, i32
  }
  func.func @transform_12(%arg0: i32) -> (i32, i32) {
    %c0_i32 = arith.constant 0 : i32
    %c0_i32_0 = arith.constant 0 : i32
    %c0_i32_1 = arith.constant 0 : i32
    return %c0_i32, %c0_i32_0 : i32, i32
  }
  func.func @transform_13(%arg0: i32) -> (i32, i32) {
    %c0_i32 = arith.constant 0 : i32
    %c0_i32_0 = arith.constant 0 : i32
    %c0_i32_1 = arith.constant 0 : i32
    return %c0_i32, %c0_i32_0 : i32, i32
  }
  func.func @transform_14(%arg0: i32) -> (i32, i32) {
    %c0_i32 = arith.constant 0 : i32
    %c0_i32_0 = arith.constant 0 : i32
    %c0_i32_1 = arith.constant 0 : i32
    return %c0_i32, %c0_i32_0 : i32, i32
  }
  func.func @transform_15(%arg0: i32) -> (i32, i32) {
    %c0_i32 = arith.constant 0 : i32
    %c0_i32_0 = arith.constant 0 : i32
    return %arg0, %c0_i32 : i32, i32
  }
  func.func @transform_16(%arg0: i32) -> (i32, i32) {
    %c0_i32 = arith.constant 0 : i32
    %c0_i32_0 = arith.constant 0 : i32
    %c0_i32_1 = arith.constant 0 : i32
    return %c0_i32, %c0_i32_0 : i32, i32
  }
}

</mosaic_0001>

<sc_bundles>
// kernel: kernel.11.cloned.1.call-start
scs
__scs_entry_jumppad:
0x0: {  	(pc) =	sbr.rel $0x88, $3  }
0x1: {  	(tag) =	ssettag $0x0;
	lr =	simm.s32 $0x1  }
0x2: {  	[smem:$0x3F90] =	sst lr;
	_ =	strace $0xD0000000  }
0x3: {  	_ = 	snop  }
0x4: {  	_ = 	snop  }
0x5: {  	_ = 	snop  }
0x6: {  	_ = 	snop  }
0x7: {  	_ = 	snop  }
__scs_overlays_trampoline_lowered:
0x8: {  	[smem:$0x3F9F] =	sst s0  }
0x9: {  	[smem:$0x3FA0] =	sst s1  }
0xa: {  	[smem:$0x3FA1] =	sst s2  }
0xb: {  	[smem:$0x3FA2] =	sst s3  }
0xc: {  	[smem:$0x3FA3] =	sst s4  }
0xd: {  	[smem:$0x3FA4] =	sst s5  }
0xe: {  	[smem:$0x3FA5] =	sst s6  }
0xf: {  	[smem:$0x3FA6] =	sst s7  }
0x10: {  	[smem:$0x3FA7] =	sst s8  }
0x11: {  	[smem:$0x3FA8] =	sst s9;
	s0 =	simm.s32 @!p0 $0x0  }
0x12: {  	s1 =	sld [smem:$0x3F8E];
	s0 =	simm.s32 @p0 $0x1  }
0x13: {  	[smem:$0x3FA9] =	sst s0;
	s0 =	simm.s32 @!p1 $0x0  }
0x14: {  	s2 =	sld [smem:$0x3F8D];
	s0 =	simm.s32 @p1 $0x1  }
0x15: {  	[smem:$0x3FAA] =	sst s0;
	s0 =	simm.s32 @!p2 $0x0  }
0x16: {  	s3 =	sld [smem:$0x3FDB];
	s0 =	simm.s32 @p2 $0x1  }
0x17: {  	s4 =	simm.s32 $0x1BF5;
	[smem:$0x3FAC] =	sst s0  }
0x18: {  	s0 =	sld [smem:$0x3F8F];
	_ =	swait.ge [sflag:s4], $0x0  }
0x19: {  	s7 =	sld [smem:$0x3F90]  }
0x1a: {  	s8 =	sadd.s32 $0xFFFFE003, lr  }
0x1b: {  	s9 =	sadd.s32 $0xFFFFFEF7, lr;
	s5 =	simm.s32 $0xFFFFFFFF;
	p2 =	slt.u32 s8, $0xFFFFF086  }
0x1c: {  	p1 =	slt.u32 s9, $0xF7A;
	s5 =	simm.s32 @!p2 $0x0  }
0x1d: {  	s5 =	simm.s32 @p1 $0x1;
	p0 =	seq.s32 s7, s2  }
0x1e: {  	s7 =	smul.u32 @!p0 $0xF7A, s2;
	p2 =	seq.s32 @!p0 s5, $0x0  }
0x1f: {  	s9 =	smul.u32 $0xF7A, s1;
	s8 =	simm.s32 @!p0 $0x1BF5;
	p2 =	por !p2, p0  }
0x20: {  	[sflag:s8] =	ssyncset.s32 @!p0 $0xFFFFF086;
	s6 =	sadd.s32 @!p0 s3, s7;
	s7 =	simm.s32 @!p0 $0x108  }
0x21: {  	s3 =	sadd.s32 s3, s9;
	s6 =	sadd.s32 @!p0 $0x88, s6;
	s7 =	simm.s32 @p2 $0x1082  }
0x22: {  	[simem:s7], [sflag:s8] =	dma.local @!p0 [hbm:s6], $0xF7A  }
0x23: {  	s9 =	sor.u32 $0xD0000000, s2;
	s6 =	simm.s32 $0x108;
	_ =	swait.ge @!p0 [sflag:s8], $0x0  }
0x24: {  	s3 =	sadd.s32 $0x88, s3;
	s6 =	simm.s32 @!p1 $0x1082;
	[sflag:s4] =	ssyncset.s32 $0xFFFFF086  }
0x25: {  	[simem:s6], [sflag:s4] =	dma.local [hbm:s3], $0xF7A  }
0x26: {  	[smem:$0x3F90] =	sst s1;
	(tag) =	ssettag s2;
	_ =	strace s9  }
0x27: {  	s1 =	sld [smem:$0x3FA0]  }
0x28: {  	s2 =	sld [smem:$0x3FA1]  }
0x29: {  	s4 =	sld [smem:$0x3FA3]  }
0x2a: {  	p0 =	seq.s32 s5, $0x0;
	s5 =	sld [smem:$0x3FA4]  }
0x2b: {  	s6 =	sld [smem:$0x3FA5]  }
0x2c: {  	s7 =	sld [smem:$0x3FA6]  }
0x2d: {  	s3 =	simm.s32 $0x108;
	s8 =	sld [smem:$0x3FA7]  }
0x2e: {  	s3 =	simm.s32 @!p0 $0x1082;
	s9 =	sld [smem:$0x3FA8]  }
0x2f: {  	lr =	sadd.s32 s0, s3;
	s0 =	sld [smem:$0x3F9F]  }
0x30: {  	s3 =	sld [smem:$0x3FA2]  }
0x31: {  	[smem:$0x3FAB] =	sst s10  }
0x32: {  	s10 =	sld [smem:$0x3FA9];
	_ =	sdelay $0x3  }
0x33: {  	p0 =	seq.s32 s10, $0x1;
	s10 =	sld [smem:$0x3FAB];
	_ =	sdelay $0x3  }
0x34: {  	[smem:$0x3FAB] =	sst s10  }
0x35: {  	s10 =	sld [smem:$0x3FAA];
	_ =	sdelay $0x3  }
0x36: {  	p1 =	seq.s32 s10, $0x1;
	s10 =	sld [smem:$0x3FAB];
	_ =	sdelay $0x3  }
0x37: {  	[smem:$0x3FAB] =	sst s10  }
0x38: {  	s10 =	sld [smem:$0x3FAC]  }
0x39: {  	_ = 	snop;
	(pc) =	sbr.ind lr, $3  }
0x3a: {  	_ = 	snop  }
0x3b: {  	_ = 	snop  }
0x3c: {  	p2 =	seq.s32 s10, $0x1;
	s10 =	sld [smem:$0x3FAB]  }
0x3d: {  	_ =	shalt  }
0x3e: {  	_ =	shalt  }
0x3f: {  	_ =	shalt  }
0x40: {  	_ =	shalt  }
0x41: {  	_ =	shalt  }
0x42: {  	_ =	shalt  }
0x43: {  	_ =	shalt  }
0x44: {  	_ =	shalt  }
0x45: {  	_ =	shalt  }
0x46: {  	_ =	shalt  }
0x47: {  	_ =	shalt  }
0x48: {  	_ =	shalt  }
0x49: {  	_ =	shalt  }
0x4a: {  	_ =	shalt  }
0x4b: {  	_ =	shalt  }
0x4c: {  	_ =	shalt  }
0x4d: {  	_ =	shalt  }
0x4e: {  	_ =	shalt  }
0x4f: {  	_ =	shalt  }
0x50: {  	_ =	shalt  }
0x51: {  	_ =	shalt  }
0x52: {  	_ =	shalt  }
0x53: {  	_ =	shalt  }
0x54: {  	_ =	shalt  }
0x55: {  	_ =	shalt  }
0x56: {  	_ =	shalt  }
0x57: {  	_ =	shalt  }
0x58: {  	_ =	shalt  }
0x59: {  	_ =	shalt  }
0x5a: {  	_ =	shalt  }
0x5b: {  	_ =	shalt  }
0x5c: {  	_ =	shalt  }
0x5d: {  	_ =	shalt  }
0x5e: {  	_ =	shalt  }
0x5f: {  	_ =	shalt  }
0x60: {  	_ =	shalt  }
0x61: {  	_ =	shalt  }
0x62: {  	_ =	shalt  }
0x63: {  	_ =	shalt  }
0x64: {  	_ =	shalt  }
0x65: {  	_ =	shalt  }
0x66: {  	_ =	shalt  }
0x67: {  	_ =	shalt  }
0x68: {  	_ =	shalt  }
0x69: {  	_ =	shalt  }
0x6a: {  	_ =	shalt  }
0x6b: {  	_ =	shalt  }
0x6c: {  	_ =	shalt  }
0x6d: {  	_ =	shalt  }
0x6e: {  	_ =	shalt  }
0x6f: {  	_ =	shalt  }
0x70: {  	_ =	shalt  }
0x71: {  	_ =	shalt  }
0x72: {  	_ =	shalt  }
0x73: {  	_ =	shalt  }
0x74: {  	_ =	shalt  }
0x75: {  	_ =	shalt  }
0x76: {  	_ =	shalt  }
0x77: {  	_ =	shalt  }
0x78: {  	_ =	shalt  }
0x79: {  	_ =	shalt  }
0x7a: {  	_ =	shalt  }
0x7b: {  	_ =	shalt  }
0x7c: {  	_ =	shalt  }
0x7d: {  	_ =	shalt  }
0x7e: {  	_ =	shalt  }
0x7f: {  	_ =	shalt  }
0x80: {  	_ =	shalt  }
0x81: {  	_ =	shalt  }
0x82: {  	_ =	shalt  }
0x83: {  	_ =	shalt  }
0x84: {  	_ =	shalt  }
0x85: {  	_ =	shalt  }
0x86: {  	_ =	shalt  }
0x87: {  	_ =	shalt  }
.Lfunc_end0:
.L_simem_size_0:
called_computation.1_lowered:
.L_overlay_start_0:
0x88: {  	s2 =	sld [smem:$0x3FD9]  }
0x89: {  	s3 =	sld [smem:$0x3FFE];
	_ =	sdelay $0x1  }
0x8a: {  	s1 =	srdreg.scid  }
0x8b: {  	s0 =	sand.u32 $0x1, s1  }
0x8c: {  	s16 =	sshll.u32 s0, $0xA;
	s2 =	sadd.s32 s3, s2  }
0x8d: {  	s2 =	sadd.s32 s2, s16  }
0x8e: {  	[smem:$0x3FB7] =	sst s2  }
0x8f: {  	_ = 	snop  }
0x90: {  	(tm) =	ssettm $0x1  }
0x91: {  	s17 =	sld [smem:$0x3FFB];
	_ =	sdelay $0x3  }
0x92: {  	_ =	strace s17  }
0x93: {  	s2 =	sld [smem:$0x3FFC];
	_ =	sdelay $0x3  }
0x94: {  	_ =	strace s2  }
0x95: {  	s2 =	sld [smem:$0x3FFD];
	_ =	sdelay $0x3  }
0x96: {  	_ =	strace s2  }
0x97: {  	_ =	strace $0x8FFFFFFF  }
0x98: {  	s18 =	sld [smem:$0x3FDB];
	_ =	sdelay $0x1  }
0x99: {  	s19 =	simm.s32 $_scs_section_size  }
0x9a: {  	s4 =	simm.s32 $_size__tile_overlayer_lowered;
	s5 =	simm.s32 $_tile_overlayer_lowered  }
0x9b: {  	s22 =	simm.s32 $0x1BFF;
	s21 =	sshll.u32 s5, $0x1;
	s2 =	sadd.s32 s19, s18  }
0x9c: {  	s6 =	simm.s32 $0x0;
	s20 =	sshll.u32 s4, $0x1;
	s4 =	sadd.s32 s21, s2  }
0x9d: {  	[timem:s6], [sflag:s22] =	dma.local [hbm:s4], s20  }
0x9e: {  	_ =	swait.ge [sflag:s22], s20  }
0x9f: {  	s3 =	ssub.s32 $0x0, s20;
	[sflag:s22] =	ssyncset.done $0x0  }
0xa0: {  	[sflag:s22] =	ssyncadd.s32 s3;
	_ =	sdelay $0x1  }
0xa1: {  	s23 =	simm.s32 $0x1B8B  }
0xa2: {  	_ =	swait.ge [sflag:s23], $0x1  }
0xa3: {  	[sflag:s23] =	ssyncset.done $0x0  }
0xa4: {  	s25 =	simm.s32 $0x1B8E;
	s24 =	sld [smem:$0x3FFE];
	[sflag:s23] =	ssyncadd.s32 $0xFFFFFFFF  }
0xa5: {  	s26 =	simm.s32 $execute0_lowered;
	[smem:$0x3FD2] =	sst s25  }
0xa6: {  	s4 =	sshll.u32 s26, $0x1;
	_ =	strace $0x80000049;
	[dreg:$0x1] =	wrdreg $0xFFFFFFFF  }
0xa7: {  	s28 =	simm.s32 $_size_execute0_lowered;
	s2 =	sadd.s32 s2, s4;
	[dreg:$0x0] =	wrdreg $0x0  }
0xa8: {  	s4 =	sshll.u32 s28, $0x1;
	[dreg:$0x2] =	wrdreg s2  }
0xa9: {  	[dreg:$0x3] =	wrdreg s4  }
0xaa: {  	[dreg:$0x4] =	wrdreg $0xC0  }
0xab: {  	_ =	task [dreg:s6], $0x5FFFF  }
0xac: {  	[dreg:$0x1] =	wrdreg $0xFFFFFFFF  }
0xad: {  	[dreg:$0x0] =	wrdreg $0x60  }
0xae: {  	[dreg:$0x2] =	wrdreg s24  }
0xaf: {  	[dreg:$0x3] =	wrdreg $0xB2800  }
0xb0: {  	[dreg:$0x4] =	wrdreg $0x9  }
0xb1: {  	_ =	task.clear_ibuf [dreg:s6], $0x5FFFF;
	_ =	strace $0x90000049  }
0xb2: {  	s29 =	simm.s32 $0x9;
	_ =	strace $0x8000004B  }
0xb3: {  	_ =	swait.ge [sflag:s29], $0x1  }
0xb4: {  	[sflag:s29] =	ssyncadd.s32 $0xFFFFFFFF  }
0xb5: {  	_ =	strace $0x9000004B  }
0xb6: {  	_ =	sfence  }
0xb7: {  	s30 =	sld [smem:$0x0];
	_ =	sdelay $0x2  }
0xb8: {  	s31 =	sshll.u32 s1, $0xD;
	s1 =	sshrl.u32 s1, $0x2  }
0xb9: {  	s3 =	sand.u32 $0x4000, s31;
	s1 =	sadd.s32 s1, s30  }
0xba: {  	s0 =	sor.u32 s3, s0;
	s1 =	sshll.u32 s1, $0x11  }
0xbb: {  	s0 =	sor.u32 s1, s0  }
0xbc: {  	s0 =	sadd.s32 $0x8F2B, s0  }
0xbd: {  	[sflag:s0] =	ssyncadd.remote.s32 $0x1  }
0xbe: {  	_ =	sfence.sel $0xFFFF  }
0xbf: {  	[dreg:$0x0] =	wrdreg $0xFFFFFFFF;
	(pc) =	sbr.abs _section_cstart, $3  }
0xc0: {  	[dreg:$0x1] =	wrdreg $0xFFFFFFFF  }
0xc1: {  	_ =	task.clear_ibuf [dreg:s6], $0x2FFFF;
	_ =	strace $0x9FFFFFFF  }
0xc2: {  	(tm) =	ssettm $0x7FFFFFFF  }
0xc3: {  	_ =	shalt  }
tec
execute0_lowered:
.L_overlay_start_1:
0x0: {  	(tag) =	ssettag $0x1  }
0x1: {  	s0 =	rddreg [dreg:$0x0];
	s8 =	stileid.u32  }
0x2: {  	s2 =	rddreg [dreg:$0x1];
	s4 =	smul.u32 $0x3A, s8  }
0x3: {  	s3 =	simm.s32 $0x0;
	s1 =	srdreg.scid;
	s5 =	smul.u32 $0x63, s8  }
0x4: {  	s20 =	simm.s32 $0x3280;
	[smem:$0x7FF] =	sst s3;
	s21 =	smul.u32 $0x14000, s8  }
0x5: {  	s1 =	sand.u32 $0x1, s1;
	s22 =	smul.u32 $0x50000, s8;
	s8 =	simm.s32 $0x63  }
0x6: {  	p0 =	seq.s32 s1, $0x0;
	s6 =	smul.u32 $0x140000, s1;
	s1 =	ssub.s32 $0x2, s1  }
0x7: {  	_ =	strace $0x8000004A;
	s4 =	sadd.s32 $0x630, s4;
	s23 =	sshrl.u32 s1, $0x1  }
0x8: {  	s8 =	simm.s32 @!p0 $0x3A;
	s24 =	sshrl.u32 s22, $0x2;
	s22 =	simm.s32 $0x100  }
0x9: {  	s4 =	smov.u32 @p0 s5;
	s5 =	sadd.s32 s21, s6;
	s1 =	ssub.s32 s1, s23  }
0xa: {  	s26 =	sand.u32 $0x1, s8;
	s21 =	simm.s32 $0x7;
	s23 =	simm.s32 $0x80  }
0xb: {  	s7 =	sshll.u32 s4, $0x4;
	s4 =	sadd.s32 $0x17600, s0;
	s5 =	sshrl.u32 s5, $0x3  }
0xc: {  	s11 =	sxor.u32 $0x1, s26;
	s10 =	sadd.s32 $0x5, s26;
	s29 =	smax.u32 s1, $0x1  }
0xd: {  	s26 =	simm.s32 $0x1;
	s7 =	sadd.s32 s7, s0;
	s0 =	sadd.s32 s5, s0  }
0xe: {  	s5 =	sadd.s32 s24, s2;
	[dreg:$0x7] =	wrdreg s29;
	s25 =	sadd.s32 $0x3600, s7  }
0xf: {  	s11 =	sadd.s32 $0x5, s11;
	s9 =	sadd.s32 $0xD600, s7;
	[dreg:$0x3] =	wrdreg s25  }
0x10: {  	s24 =	simm.s32 $0x4;
	s28 =	sadd.s32 $0xD610, s7;
	[dreg:$0x4] =	wrdreg s9  }
0x11: {  	s0 =	sadd.s32 $0x3F600, s0;
	s30 =	sadd.s32 $0x4000, s5;
	[dreg:$0x5] =	wrdreg s28  }
0x12: {  	s31 =	sadd.s32 $0x8000, s5;
	s16 =	sadd.s32 $0xC000, s5;
	[dreg:$0x6] =	wrdreg s0  }
0x13: {  	s17 =	sadd.s32 $0x10000, s5;
	s18 =	sadd.s32 $0xD620, s7;
	[dreg:$0x8] =	wrdreg s30  }
0x14: {  	v0 =	vimm.f32 $0.0e+00;
	s7 =	sadd.s32 $0xD630, s7;
	s9 =	sadd.s32 $0xFFFFFFFE, s8;
	[dreg:$0x9] =	wrdreg s31  }
.LBB2_1:
0x15: {  	s0 =	simm.s32 $0x0;
	s1 =	simm.s32 $0x200  }
.LBB2_2:
0x16: {  	p0 =	sne.s32 s1, $0xFE00;
	[tilespmem:s0+$0x32F0] =	vst v0  }
0x17: {  	[tilespmem:s0+$0x3280] =	vst v0  }
0x18: {  	[tilespmem:s0+$0x3290] =	vst v0  }
.Ltmp0:
0x19: {  	[tilespmem:s0+$0x32A0] =	vst v0;
	(pc) =	sbr.rel @p0 .LBB2_2-.Ltmp0, $4  }
0x1a: {  	[tilespmem:s0+$0x32B0] =	vst v0  }
0x1b: {  	[tilespmem:s0+$0x32C0] =	vst v0  }
0x1c: {  	[tilespmem:s0+$0x32D0] =	vst v0  }
0x1d: {  	[tilespmem:s0+$0x32E0] =	vst v0;
	s0 =	sshra.s32 s1, $0x2;
	s1 =	sadd.s32 $0x200, s1  }
0x1e: {  	[tilespmem:s0+$0x32F0] =	vst v0  }
0x1f: {  	[tilespmem:s0+$0x3280] =	vst v0  }
0x20: {  	[tilespmem:s0+$0x3290] =	vst v0  }
0x21: {  	[tilespmem:s0+$0x32A0] =	vst v0  }
0x22: {  	[tilespmem:s0+$0x32B0] =	vst v0  }
0x23: {  	[tilespmem:s0+$0x32C0] =	vst v0  }
0x24: {  	[tilespmem:s0+$0x32D0] =	vst v0  }
0x25: {  	[tilespmem:s0+$0x32E0] =	vst v0  }
0x26: {  	[spmem:s5] =	stream.linear.scatter [tilespmem:s20], [sflag:$0x7], $0x4000, $0x38;
	[tilespmem:$0x1F280] =	vst v63  }
0x27: {  	_ =	swait.ge [sflag:s21], $0x4000  }
0x28: {  	[sflag:s21] =	ssyncset.done $0x0  }
0x29: {  	s15 =	rddreg [dreg:$0x8];
	[sflag:s21] =	ssyncadd.s32 $0xFFFFC000  }
0x2a: {  	[spmem:s15] =	stream.linear.scatter [tilespmem:s20], [sflag:$0x7], $0x4000, $0x38;
	[tilespmem:$0x1F280] =	vst v63  }
0x2b: {  	_ =	swait.ge [sflag:s21], $0x4000  }
0x2c: {  	[sflag:s21] =	ssyncset.done $0x0  }
0x2d: {  	s19 =	rddreg [dreg:$0x9];
	[sflag:s21] =	ssyncadd.s32 $0xFFFFC000  }
0x2e: {  	[spmem:s19] =	stream.linear.scatter [tilespmem:s20], [sflag:$0x7], $0x4000, $0x38;
	[tilespmem:$0x1F280] =	vst v63  }
0x2f: {  	_ =	swait.ge [sflag:s21], $0x4000  }
0x30: {  	[sflag:s21] =	ssyncset.done $0x0  }
0x31: {  	[sflag:s21] =	ssyncadd.s32 $0xFFFFC000  }
0x32: {  	[spmem:s16] =	stream.linear.scatter [tilespmem:s20], [sflag:$0x7], $0x4000, $0x38;
	[tilespmem:$0x1F280] =	vst v63  }
0x33: {  	_ =	swait.ge [sflag:s21], $0x4000  }
0x34: {  	[sflag:s21] =	ssyncset.done $0x0  }
0x35: {  	[sflag:s21] =	ssyncadd.s32 $0xFFFFC000  }
0x36: {  	[spmem:s17] =	stream.linear.scatter [tilespmem:s20], [sflag:$0x7], $0x4000, $0x38;
	[tilespmem:$0x1F280] =	vst v63  }
0x37: {  	_ =	swait.ge [sflag:s21], $0x4000  }
0x38: {  	[sflag:s21] =	ssyncset.done $0x0  }
0x39: {  	s25 =	simm.s32 $0x0;
	s1 =	rddreg [dreg:$0x3];
	[sflag:s21] =	ssyncadd.s32 $0xFFFFC000  }
0x3a: {  	[tilespmem:s22], [sflag:$0x7] =	stream.linear.gather [hbm4b:s1+s25], $0x3180, $0x38;
	[tilespmem:$0x1F280] =	vst v63  }
0x3b: {  	_ =	swait.ge [sflag:s21], $0x3180  }
0x3c: {  	[sflag:s21] =	ssyncset.done $0x0  }
0x3d: {  	[sflag:s21] =	ssyncadd.s32 $0xFFFFCE80  }
0x3e: {  	[bflag:$0x0] =	sbarrier.arrive $0xFFFF  }
0x3f: {  	s29 =	rddreg [dreg:$0x4]  }
0x40: {  	[tilespmem:s25], [sflag:$0x7] =	stream.linear.gather [hbm4b:s29+s25], $0x80, $0x38;
	[tilespmem:$0x1F280] =	vst v63  }
0x41: {  	_ =	swait.ge [sflag:s21], $0x80  }
0x42: {  	[sflag:s21] =	ssyncset.done $0x0  }
0x43: {  	[sflag:s21] =	ssyncadd.s32 $0xFFFFFF80  }
0x44: {  	[tilespmem:s20], [sflag:$0x1] =	stream.indirect.gather [hbm4b:s4+s23], $0x80, s25, s23, $0xb8;
	[tilespmem:$0x1F280] =	vst v63  }
0x45: {  	s30 =	rddreg [dreg:$0x5]  }
0x46: {  	[tilespmem:s23], [sflag:$0x4] =	stream.linear.gather [hbm4b:s30+s25], $0x80, $0x38;
	[tilespmem:$0x1F280] =	vst v63  }
0x47: {  	_ =	swait.ge [sflag:s24], $0x80  }
0x48: {  	[sflag:s24] =	ssyncset.done $0x0  }
0x49: {  	s31 =	simm.s32 $0x7280;
	[sflag:s24] =	ssyncadd.s32 $0xFFFFFF80  }
0x4a: {  	[tilespmem:s31], [sflag:$0x2] =	stream.indirect.gather [hbm4b:s4+s23], $0x80, s23, s23, $0xb8;
	[tilespmem:$0x1F280] =	vst v63  }
0x4b: {  	p1 =	sne.s32 s9, $0x1;
	_ =	swait.ge [sflag:s26], $0x4000  }
.Ltmp1:
0x4c: {  	[sflag:s26] =	ssyncset.done $0x0;
	(pc) =	sbr.rel @!p1 .LBB2_4-.Ltmp1, $4  }
0x4d: {  	s28 =	simm.s32 $0x180;
	[sflag:s26] =	ssyncadd.s32 $0xFFFFC000  }
0x4e: {  	[tilespmem:s25], [sflag:$0x3] =	stream.linear.gather [hbm4b:s18+s25], $0x80, $0x38;
	[tilespmem:$0x1F280] =	vst v63  }
0x4f: {  	s0 =	simm.s32 $0x1;
	s12 =	simm.s32 $0x2;
	p0 =	por $0x0, $0x0  }
0x50: {  	[spmem:s2] =	stream.indirect.scatter.add.f32 [tilespmem:s20], [sflag:$0x5], $0x80, s22, s23, $0xb8;
	[tilespmem:$0x1F280] =	vst v63  }
0x51: {  	s6 =	sand.u32 $0x1, s12;
	s30 =	simm.s32 $0x2  }
0x52: {  	p2 =	sne.s32 s9, $0x2;
	s31 =	simm.s32 $0x200;
	s1 =	sadd.s32 $0x5, s6  }
0x53: {  	s29 =	sadd.s32 $0x10, s7;
	p1 =	sle.u32 s9, $0x1;
	_ =	swait.ge [sflag:s1], $0x4000  }
0x54: {  	p0 =	por $0x1, $0x1;
	s8 =	sshll.u32 s6, $0xE;
	[sflag:s1] =	ssyncset.done $0x0  }
0x55: {  	s12 =	sadd.s32 $0x3, s6;
	s19 =	sadd.s32 $0x1, s6;
	[sflag:s1] =	ssyncadd.s32 $0xFFFFC000  }
0x56: {  	s6 =	sshll.u32 s6, $0x7;
	s8 =	sor.u32 $0x3280, s8;
	_ =	swait.ge [sflag:s12], $0x80  }
.Ltmp2:
0x57: {  	s1 =	sand.u32 $0x1, s0;
	[sflag:s12] =	ssyncset.done $0x0;
	(pc) =	sbr.rel @!p2 .LBB2_6-.Ltmp2, $4  }
0x58: {  	s25 =	sadd.s32 $0x1, s1;
	s13 =	sshll.u32 @!p1 s1, $0x7;
	[sflag:s12] =	ssyncadd.s32 $0xFFFFFF80  }
0x59: {  	[tilespmem:s8], [sflag:s19] =	stream.indirect.gather [hbm4b:s4+s23], $0x80, s6, s23, $0xb8;
	[tilespmem:$0x1F280] =	vst v63  }
0x5a: {  	s12 =	simm.s32 $0x3;
	s6 =	sshll.u32 s1, $0xE;
	_ =	swait.ge [sflag:s25], $0x4000  }
0x5b: {  	s8 =	sadd.s32 $0x5, s1;
	s19 =	smov.u32 s7;
	[sflag:s25] =	ssyncset.done $0x0  }
.LBB2_7:
0x5c: {  	s0 =	sadd.s32 @!p1 $0x3, s1;
	s1 =	simm.s32 @!p1 $0x0  }
0x5d: {  	s14 =	smov.u32 s30;
	s15 =	smov.u32 s30;
	s30 =	sadd.s32 $0x1, s30  }
0x5e: {  	s12 =	sand.u32 $0x1, s12;
	p2 =	sne.s32 s9, s30;
	[sflag:s25] =	ssyncadd.s32 $0xFFFFC000  }
0x5f: {  	[tilespmem:s13], [sflag:s0] =	stream.linear.gather @!p1 [hbm4b:s19+s1], $0x80, $0x38;
	[tilespmem:$0x1F280] =	vst v63  }
0x60: {  	s0 =	sadd.s32 $0x5, s12;
	s13 =	sshll.u32 s12, $0xE;
	s1 =	sor.u32 $0x3280, s6  }
0x61: {  	[spmem:s2] =	stream.indirect.scatter.add.f32 [tilespmem:s1], [sflag:s8], $0x80, s28, s23, $0xb8;
	[tilespmem:$0x1F280] =	vst v63  }
0x62: {  	s19 =	smov.u32 s29;
	s28 =	smov.u32 s31;
	_ =	swait.ge [sflag:s0], $0x4000  }
0x63: {  	s1 =	sand.u32 $0x1, s14;
	s31 =	sadd.s32 $0x80, s31;
	[sflag:s0] =	ssyncset.done $0x0  }
0x64: {  	s25 =	sadd.s32 $0x1, s1;
	[sflag:s0] =	ssyncadd.s32 $0xFFFFC000;
	s0 =	sadd.s32 $0x3, s12  }
0x65: {  	s29 =	sadd.s32 $0x10, s29;
	s6 =	sshll.u32 s1, $0xE;
	_ =	swait.ge [sflag:s0], $0x80  }
.Ltmp3:
0x66: {  	s8 =	sadd.s32 $0x1, s12;
	[sflag:s0] =	ssyncset.done $0x0;
	(pc) =	sbr.rel @p2 .LBB2_7-.Ltmp3, $4  }
0x67: {  	s12 =	sshll.u32 s12, $0x7;
	[sflag:s0] =	ssyncadd.s32 $0xFFFFFF80;
	s0 =	sor.u32 $0x3280, s13  }
0x68: {  	[tilespmem:s0], [sflag:s8] =	stream.indirect.gather [hbm4b:s4+s23], $0x80, s12, s23, $0xb8;
	[tilespmem:$0x1F280] =	vst v63  }
0x69: {  	p1 =	sge.u32 s14, s9;
	s8 =	sadd.s32 $0x5, s1;
	_ =	swait.ge [sflag:s25], $0x4000  }
0x6a: {  	s13 =	sshll.u32 @!p1 s1, $0x7;
	s12 =	sadd.s32 $0x2, s15;
	[sflag:s25] =	ssyncset.done $0x0  }
0x6b: {  	s14 =	smov.u32 s28;
	s0 =	smov.u32 s30;
	s28 =	smov.u32 s31  }
.LBB2_9:
0x6c: {  	p1 =	por p1, !p0;
	s12 =	sand.u32 $0x1, s12  }
0x6d: {  	[sflag:s25] =	ssyncadd.s32 @p0 $0xFFFFC000;
	s1 =	sadd.s32 @!p1 $0x3, s1;
	s15 =	simm.s32 @!p1 $0x0  }
0x6e: {  	[tilespmem:s13], [sflag:s1] =	stream.linear.gather @!p1 [hbm4b:s19+s15], $0x80, $0x38;
	[tilespmem:$0x1F280] =	vst v63  }
0x6f: {  	s6 =	sor.u32 @p0 $0x3280, s6;
	s1 =	sadd.s32 $0x5, s12  }
0x70: {  	[spmem:s2] =	stream.indirect.scatter.add.f32 @p0 [tilespmem:s6], [sflag:s8], $0x80, s14, s23, $0xb8;
	[tilespmem:$0x1F280] =	vst v63  }
0x71: {  	_ =	swait.ge [sflag:s1], $0x4000  }
0x72: {  	[sflag:s1] =	ssyncset.done $0x0  }
0x73: {  	s6 =	sadd.s32 $0x3, s12;
	[sflag:s1] =	ssyncadd.s32 $0xFFFFC000  }
0x74: {  	s30 =	sshll.u32 s12, $0xE;
	s13 =	sand.u32 $0x1, s0;
	_ =	swait.ge [sflag:s6], $0x80  }
0x75: {  	s15 =	sadd.s32 $0x1, s12;
	s14 =	sadd.s32 $0x1, s13;
	[sflag:s6] =	ssyncset.done $0x0  }
0x76: {  	s12 =	sshll.u32 s12, $0x7;
	s8 =	sor.u32 $0x3280, s30;
	[sflag:s6] =	ssyncadd.s32 $0xFFFFFF80  }
0x77: {  	[tilespmem:s8], [sflag:s15] =	stream.indirect.gather [hbm4b:s4+s23], $0x80, s12, s23, $0xb8;
	[tilespmem:$0x1F280] =	vst v63  }
0x78: {  	p0 =	sge.u32 s0, s9;
	_ =	swait.ge [sflag:s14], $0x4000  }
0x79: {  	s31 =	sshll.u32 s13, $0xE;
	s19 =	sshll.u32 @!p0 s13, $0x7;
	[sflag:s14] =	ssyncset.done $0x0  }
0x7a: {  	s25 =	sadd.s32 @!p0 $0x3, s13;
	s30 =	simm.s32 @!p0 $0x0;
	[sflag:s14] =	ssyncadd.s32 $0xFFFFC000  }
0x7b: {  	[tilespmem:s19], [sflag:s25] =	stream.linear.gather @!p0 [hbm4b:s29+s30], $0x80, $0x38;
	[tilespmem:$0x1F280] =	vst v63  }
0x7c: {  	s13 =	sadd.s32 $0x5, s13;
	s30 =	sor.u32 $0x3280, s31  }
0x7d: {  	[spmem:s2] =	stream.indirect.scatter.add.f32 [tilespmem:s30], [sflag:s13], $0x80, s28, s23, $0xb8;
	[tilespmem:$0x1F280] =	vst v63  }
0x7e: {  	_ =	swait.ge @!p0 [sflag:s13], $0x4000  }
0x7f: {  	[sflag:s13] =	ssyncset.done @!p0 $0x0  }
0x80: {  	[sflag:s13] =	ssyncadd.s32 @!p0 $0xFFFFC000  }
0x81: {  	_ =	swait.ge @!p0 [sflag:s25], $0x80  }
0x82: {  	[sflag:s25] =	ssyncset.done @!p0 $0x0  }
0x83: {  	s13 =	simm.s32 @!p0 $0x80;
	[sflag:s25] =	ssyncadd.s32 @!p0 $0xFFFFFF80  }
0x84: {  	[tilespmem:s30], [sflag:s14] =	stream.indirect.gather @!p0 [hbm4b:s4+s13], $0x80, s19, s13, $0xb8;
	[tilespmem:$0x1F280] =	vst v63  }
0x85: {  	s19 =	sadd.s32 $0x1, s0;
	_ =	swait.ge [sflag:s15], $0x4000  }
0x86: {  	p0 =	sge.u32 s19, s9;
	[sflag:s15] =	ssyncset.done $0x0  }
0x87: {  	s0 =	sadd.s32 $0x10, s29;
	s13 =	simm.s32 @!p0 $0x0;
	[sflag:s15] =	ssyncadd.s32 $0xFFFFC000  }
0x88: {  	[tilespmem:s12], [sflag:s6] =	stream.linear.gather @!p0 [hbm4b:s0+s13], $0x80, $0x38;
	[tilespmem:$0x1F280] =	vst v63  }
0x89: {  	s25 =	sadd.s32 $0x80, s28  }
0x8a: {  	[spmem:s2] =	stream.indirect.scatter.add.f32 [tilespmem:s8], [sflag:s1], $0x80, s25, s23, $0xb8;
	[tilespmem:$0x1F280] =	vst v63  }
0x8b: {  	_ =	swait.ge [sflag:s10], $0x4000  }
0x8c: {  	[sflag:s10] =	ssyncset.done $0x0  }
0x8d: {  	[sflag:s10] =	ssyncadd.s32 $0xFFFFC000  }
0x8e: {  	_ =	swait.ge [sflag:s11], $0x4000  }
0x8f: {  	[sflag:s11] =	ssyncset.done $0x0  }
0x90: {  	s28 =	stileid.u32;
	[sflag:s11] =	ssyncadd.s32 $0xFFFFC000  }
0x91: {  	s0 =	sshll.u32 s28, $0x6;
	[bflag:$0x0] =	sbarrier.arrive $0xFFFF  }
0x92: {  	s29 =	sshrl.u32 s5, $0x3;
	s0 =	sor.u32 $0x1C07, s0;
	s30 =	rddreg [dreg:$0x6]  }
0x93: {  	[hbm:s30], [sflag:s0] =	dma.local [spmem:s29], $0x2800  }
0x94: {  	_ =	swait.ge [sflag:s21], $0x2800  }
0x95: {  	s3 =	sadd.s32 $0x1, s3;
	s31 =	rddreg [dreg:$0x7]  }
0x96: {  	p0 =	sne.s32 s3, s31  }
.Ltmp4:
0x97: {  	_ = 	snop;
	(pc) =	sbr.rel @p0 .LBB2_1-.Ltmp4, $4  }
.Ltmp5:
0x98: {  	_ = 	snop;
	(pc) =	sbr.rel @!p0 .LBB2_10-.Ltmp5, $4  }
0x99: {  	_ = 	snop  }
0x9a: {  	[sflag:s21] =	ssyncset.done $0x0  }
0x9b: {  	[sflag:s21] =	ssyncadd.s32 $0xFFFFD800  }
0x9c: {  	_ = 	snop  }
.LBB2_4:
.Ltmp6:
0x9d: {  	(pc) =	sbr.rel .LBB2_9-.Ltmp6, $2  }
0x9e: {  	_ =	sdelay $0x2  }
0x9f: {  	s29 =	smov.u32 s7  }
.LBB2_6:
.Ltmp7:
0xa0: {  	(pc) =	sbr.rel .LBB2_9-.Ltmp7, $3  }
0xa1: {  	_ =	sdelay $0x1  }
0xa2: {  	s0 =	simm.s32 $0x2  }
0xa3: {  	s19 =	smov.u32 s7;
	s14 =	simm.s32 $0x180;
	s28 =	simm.s32 $0x200  }
.LBB2_10:
0xa4: {  	_ =	sfence.sel $0x180000  }
0xa5: {  	[bflag:$0x0] =	sbarrier.arrive $0xFFFF  }
0xa6: {  	_ =	strace $0x9000004A  }
0xa7: {  	s0 =	stileid.u32;
	[bflag:$0x2] =	sbarrier.arrive $0xFFFF  }
0xa8: {  	p0 =	sne.s32 s0, $0x0;
	s0 =	rddreg [dreg:$0x2]  }
0xa9: {  	s0 =	sadd.s32 @!p0 $0x100000, s0  }
0xaa: {  	[sflag:s0] =	ssyncadd.tile.s32 @!p0 $0x1;
	_ =	shalt  }
.Lfunc_end2:
_tile_overlayer_lowered:
.L_overlay_start_2:
0xab: {  	(tag) =	ssettag $0x2  }
0xac: {  	s0 =	rddreg [dreg:$0x0];
	s2 =	stileid.u32  }
0xad: {  	s1 =	rddreg [dreg:$0x1];
	p0 =	sne.s32 s2, $0x0  }
0xae: {  	s3 =	rddreg [dreg:$0x2];
	[bflag:$0x3] =	sbarrier.arrive $0xFFFF;
	s2 =	simm.s32 @!p0 $0x1C07  }
0xaf: {  	[timem:s3], [sflag:s2] =	dma.local @!p0 [hbm:s0], s1  }
0xb0: {  	s0 =	simm.s32 @!p0 $0x7  }
0xb1: {  	_ =	swait.ge @!p0 [sflag:s0], s1  }
0xb2: {  	s1 =	ssub.s32 @!p0 $0x0, s1;
	[sflag:s0] =	ssyncset.done @!p0 $0x0  }
0xb3: {  	[sflag:s0] =	ssyncadd.s32 @!p0 s1  }
0xb4: {  	[bflag:$0x3] =	sbarrier.arrive $0xFFFF  }
0xb5: {  	_ =	shalt  }

// kernel: kernel.8.cloned.1.call-start
scs
__scs_entry_jumppad:
0x0: {  	(pc) =	sbr.rel $0x88, $3  }
0x1: {  	(tag) =	ssettag $0x0;
	lr =	simm.s32 $0x1  }
0x2: {  	[smem:$0x3F90] =	sst lr;
	_ =	strace $0xD0000000  }
0x3: {  	_ = 	snop  }
0x4: {  	_ = 	snop  }
0x5: {  	_ = 	snop  }
0x6: {  	_ = 	snop  }
0x7: {  	_ = 	snop  }
__scs_overlays_trampoline_lowered:
0x8: {  	[smem:$0x3F9F] =	sst s0  }
0x9: {  	[smem:$0x3FA0] =	sst s1  }
0xa: {  	[smem:$0x3FA1] =	sst s2  }
0xb: {  	[smem:$0x3FA2] =	sst s3  }
0xc: {  	[smem:$0x3FA3] =	sst s4  }
0xd: {  	[smem:$0x3FA4] =	sst s5  }
0xe: {  	[smem:$0x3FA5] =	sst s6  }
0xf: {  	[smem:$0x3FA6] =	sst s7  }
0x10: {  	[smem:$0x3FA7] =	sst s8  }
0x11: {  	[smem:$0x3FA8] =	sst s9;
	s0 =	simm.s32 @!p0 $0x0  }
0x12: {  	s1 =	sld [smem:$0x3F8E];
	s0 =	simm.s32 @p0 $0x1  }
0x13: {  	[smem:$0x3FA9] =	sst s0;
	s0 =	simm.s32 @!p1 $0x0  }
0x14: {  	s2 =	sld [smem:$0x3F8D];
	s0 =	simm.s32 @p1 $0x1  }
0x15: {  	[smem:$0x3FAA] =	sst s0;
	s0 =	simm.s32 @!p2 $0x0  }
0x16: {  	s3 =	sld [smem:$0x3FDB];
	s0 =	simm.s32 @p2 $0x1  }
0x17: {  	s4 =	simm.s32 $0x1BF5;
	[smem:$0x3FAC] =	sst s0  }
0x18: {  	s0 =	sld [smem:$0x3F8F];
	_ =	swait.ge [sflag:s4], $0x0  }
0x19: {  	s7 =	sld [smem:$0x3F90]  }
0x1a: {  	s8 =	sadd.s32 $0xFFFFE003, lr  }
0x1b: {  	s9 =	sadd.s32 $0xFFFFFEF7, lr;
	s5 =	simm.s32 $0xFFFFFFFF;
	p2 =	slt.u32 s8, $0xFFFFF086  }
0x1c: {  	p1 =	slt.u32 s9, $0xF7A;
	s5 =	simm.s32 @!p2 $0x0  }
0x1d: {  	s5 =	simm.s32 @p1 $0x1;
	p0 =	seq.s32 s7, s2  }
0x1e: {  	s7 =	smul.u32 @!p0 $0xF7A, s2;
	p2 =	seq.s32 @!p0 s5, $0x0  }
0x1f: {  	s9 =	smul.u32 $0xF7A, s1;
	s8 =	simm.s32 @!p0 $0x1BF5;
	p2 =	por !p2, p0  }
0x20: {  	[sflag:s8] =	ssyncset.s32 @!p0 $0xFFFFF086;
	s6 =	sadd.s32 @!p0 s3, s7;
	s7 =	simm.s32 @!p0 $0x108  }
0x21: {  	s3 =	sadd.s32 s3, s9;
	s6 =	sadd.s32 @!p0 $0x88, s6;
	s7 =	simm.s32 @p2 $0x1082  }
0x22: {  	[simem:s7], [sflag:s8] =	dma.local @!p0 [hbm:s6], $0xF7A  }
0x23: {  	s9 =	sor.u32 $0xD0000000, s2;
	s6 =	simm.s32 $0x108;
	_ =	swait.ge @!p0 [sflag:s8], $0x0  }
0x24: {  	s3 =	sadd.s32 $0x88, s3;
	s6 =	simm.s32 @!p1 $0x1082;
	[sflag:s4] =	ssyncset.s32 $0xFFFFF086  }
0x25: {  	[simem:s6], [sflag:s4] =	dma.local [hbm:s3], $0xF7A  }
0x26: {  	[smem:$0x3F90] =	sst s1;
	(tag) =	ssettag s2;
	_ =	strace s9  }
0x27: {  	s1 =	sld [smem:$0x3FA0]  }
0x28: {  	s2 =	sld [smem:$0x3FA1]  }
0x29: {  	s4 =	sld [smem:$0x3FA3]  }
0x2a: {  	p0 =	seq.s32 s5, $0x0;
	s5 =	sld [smem:$0x3FA4]  }
0x2b: {  	s6 =	sld [smem:$0x3FA5]  }
0x2c: {  	s7 =	sld [smem:$0x3FA6]  }
0x2d: {  	s3 =	simm.s32 $0x108;
	s8 =	sld [smem:$0x3FA7]  }
0x2e: {  	s3 =	simm.s32 @!p0 $0x1082;
	s9 =	sld [smem:$0x3FA8]  }
0x2f: {  	lr =	sadd.s32 s0, s3;
	s0 =	sld [smem:$0x3F9F]  }
0x30: {  	s3 =	sld [smem:$0x3FA2]  }
0x31: {  	[smem:$0x3FAB] =	sst s10  }
0x32: {  	s10 =	sld [smem:$0x3FA9];
	_ =	sdelay $0x3  }
0x33: {  	p0 =	seq.s32 s10, $0x1;
	s10 =	sld [smem:$0x3FAB];
	_ =	sdelay $0x3  }
0x34: {  	[smem:$0x3FAB] =	sst s10  }
0x35: {  	s10 =	sld [smem:$0x3FAA];
	_ =	sdelay $0x3  }
0x36: {  	p1 =	seq.s32 s10, $0x1;
	s10 =	sld [smem:$0x3FAB];
	_ =	sdelay $0x3  }
0x37: {  	[smem:$0x3FAB] =	sst s10  }
0x38: {  	s10 =	sld [smem:$0x3FAC]  }
0x39: {  	_ = 	snop;
	(pc) =	sbr.ind lr, $3  }
0x3a: {  	_ = 	snop  }
0x3b: {  	_ = 	snop  }
0x3c: {  	p2 =	seq.s32 s10, $0x1;
	s10 =	sld [smem:$0x3FAB]  }
0x3d: {  	_ =	shalt  }
0x3e: {  	_ =	shalt  }
0x3f: {  	_ =	shalt  }
0x40: {  	_ =	shalt  }
0x41: {  	_ =	shalt  }
0x42: {  	_ =	shalt  }
0x43: {  	_ =	shalt  }
0x44: {  	_ =	shalt  }
0x45: {  	_ =	shalt  }
0x46: {  	_ =	shalt  }
0x47: {  	_ =	shalt  }
0x48: {  	_ =	shalt  }
0x49: {  	_ =	shalt  }
0x4a: {  	_ =	shalt  }
0x4b: {  	_ =	shalt  }
0x4c: {  	_ =	shalt  }
0x4d: {  	_ =	shalt  }
0x4e: {  	_ =	shalt  }
0x4f: {  	_ =	shalt  }
0x50: {  	_ =	shalt  }
0x51: {  	_ =	shalt  }
0x52: {  	_ =	shalt  }
0x53: {  	_ =	shalt  }
0x54: {  	_ =	shalt  }
0x55: {  	_ =	shalt  }
0x56: {  	_ =	shalt  }
0x57: {  	_ =	shalt  }
0x58: {  	_ =	shalt  }
0x59: {  	_ =	shalt  }
0x5a: {  	_ =	shalt  }
0x5b: {  	_ =	shalt  }
0x5c: {  	_ =	shalt  }
0x5d: {  	_ =	shalt  }
0x5e: {  	_ =	shalt  }
0x5f: {  	_ =	shalt  }
0x60: {  	_ =	shalt  }
0x61: {  	_ =	shalt  }
0x62: {  	_ =	shalt  }
0x63: {  	_ =	shalt  }
0x64: {  	_ =	shalt  }
0x65: {  	_ =	shalt  }
0x66: {  	_ =	shalt  }
0x67: {  	_ =	shalt  }
0x68: {  	_ =	shalt  }
0x69: {  	_ =	shalt  }
0x6a: {  	_ =	shalt  }
0x6b: {  	_ =	shalt  }
0x6c: {  	_ =	shalt  }
0x6d: {  	_ =	shalt  }
0x6e: {  	_ =	shalt  }
0x6f: {  	_ =	shalt  }
0x70: {  	_ =	shalt  }
0x71: {  	_ =	shalt  }
0x72: {  	_ =	shalt  }
0x73: {  	_ =	shalt  }
0x74: {  	_ =	shalt  }
0x75: {  	_ =	shalt  }
0x76: {  	_ =	shalt  }
0x77: {  	_ =	shalt  }
0x78: {  	_ =	shalt  }
0x79: {  	_ =	shalt  }
0x7a: {  	_ =	shalt  }
0x7b: {  	_ =	shalt  }
0x7c: {  	_ =	shalt  }
0x7d: {  	_ =	shalt  }
0x7e: {  	_ =	shalt  }
0x7f: {  	_ =	shalt  }
0x80: {  	_ =	shalt  }
0x81: {  	_ =	shalt  }
0x82: {  	_ =	shalt  }
0x83: {  	_ =	shalt  }
0x84: {  	_ =	shalt  }
0x85: {  	_ =	shalt  }
0x86: {  	_ =	shalt  }
0x87: {  	_ =	shalt  }
.Lfunc_end0:
.L_simem_size_0:
called_computation_lowered:
.L_overlay_start_0:
0x88: {  	s2 =	sld [smem:$0x3FD9]  }
0x89: {  	s3 =	sld [smem:$0x3FFE];
	_ =	sdelay $0x1  }
0x8a: {  	s1 =	srdreg.scid  }
0x8b: {  	s0 =	sand.u32 $0x1, s1  }
0x8c: {  	s16 =	sshll.u32 s0, $0xA;
	s2 =	sadd.s32 s3, s2  }
0x8d: {  	s2 =	sadd.s32 s2, s16  }
0x8e: {  	[smem:$0x3FB7] =	sst s2  }
0x8f: {  	_ = 	snop  }
0x90: {  	(tm) =	ssettm $0x1  }
0x91: {  	s17 =	sld [smem:$0x3FFB];
	_ =	sdelay $0x3  }
0x92: {  	_ =	strace s17  }
0x93: {  	s2 =	sld [smem:$0x3FFC];
	_ =	sdelay $0x3  }
0x94: {  	_ =	strace s2  }
0x95: {  	s2 =	sld [smem:$0x3FFD];
	_ =	sdelay $0x3  }
0x96: {  	_ =	strace s2  }
0x97: {  	_ =	strace $0x8FFFFFFF  }
0x98: {  	s18 =	sld [smem:$0x3FDB];
	_ =	sdelay $0x1  }
0x99: {  	s19 =	simm.s32 $_scs_section_size  }
0x9a: {  	s4 =	simm.s32 $_size__tile_overlayer_lowered;
	s5 =	simm.s32 $_tile_overlayer_lowered  }
0x9b: {  	s22 =	simm.s32 $0x1BFF;
	s21 =	sshll.u32 s5, $0x1;
	s2 =	sadd.s32 s19, s18  }
0x9c: {  	s6 =	simm.s32 $0x0;
	s20 =	sshll.u32 s4, $0x1;
	s4 =	sadd.s32 s21, s2  }
0x9d: {  	[timem:s6], [sflag:s22] =	dma.local [hbm:s4], s20  }
0x9e: {  	_ =	swait.ge [sflag:s22], s20  }
0x9f: {  	s3 =	ssub.s32 $0x0, s20;
	[sflag:s22] =	ssyncset.done $0x0  }
0xa0: {  	[sflag:s22] =	ssyncadd.s32 s3;
	_ =	sdelay $0x1  }
0xa1: {  	s23 =	simm.s32 $0x1B8B  }
0xa2: {  	_ =	swait.ge [sflag:s23], $0x1  }
0xa3: {  	[sflag:s23] =	ssyncset.done $0x0  }
0xa4: {  	s25 =	simm.s32 $0x1B8E;
	s24 =	sld [smem:$0x3FFE];
	[sflag:s23] =	ssyncadd.s32 $0xFFFFFFFF  }
0xa5: {  	s26 =	simm.s32 $execute0_lowered;
	[smem:$0x3FD2] =	sst s25  }
0xa6: {  	s4 =	sshll.u32 s26, $0x1;
	_ =	strace $0x80000046;
	[dreg:$0x1] =	wrdreg $0xFFFFFFFF  }
0xa7: {  	s28 =	simm.s32 $_size_execute0_lowered;
	s2 =	sadd.s32 s2, s4;
	[dreg:$0x0] =	wrdreg $0x0  }
0xa8: {  	s4 =	sshll.u32 s28, $0x1;
	[dreg:$0x2] =	wrdreg s2  }
0xa9: {  	[dreg:$0x3] =	wrdreg s4  }
0xaa: {  	[dreg:$0x4] =	wrdreg $0xC0  }
0xab: {  	_ =	task [dreg:s6], $0x5FFFF  }
0xac: {  	[dreg:$0x1] =	wrdreg $0xFFFFFFFF  }
0xad: {  	[dreg:$0x0] =	wrdreg $0x60  }
0xae: {  	[dreg:$0x2] =	wrdreg s24  }
0xaf: {  	[dreg:$0x3] =	wrdreg $0xB2800  }
0xb0: {  	[dreg:$0x4] =	wrdreg $0x9  }
0xb1: {  	_ =	task.clear_ibuf [dreg:s6], $0x5FFFF;
	_ =	strace $0x90000046  }
0xb2: {  	s29 =	simm.s32 $0x9;
	_ =	strace $0x80000048  }
0xb3: {  	_ =	swait.ge [sflag:s29], $0x1  }
0xb4: {  	[sflag:s29] =	ssyncadd.s32 $0xFFFFFFFF  }
0xb5: {  	_ =	strace $0x90000048  }
0xb6: {  	_ =	sfence  }
0xb7: {  	s30 =	sld [smem:$0x0];
	_ =	sdelay $0x2  }
0xb8: {  	s31 =	sshll.u32 s1, $0xD;
	s1 =	sshrl.u32 s1, $0x2  }
0xb9: {  	s3 =	sand.u32 $0x4000, s31;
	s1 =	sadd.s32 s1, s30  }
0xba: {  	s0 =	sor.u32 s3, s0;
	s1 =	sshll.u32 s1, $0x11  }
0xbb: {  	s0 =	sor.u32 s1, s0  }
0xbc: {  	s0 =	sadd.s32 $0x8F2B, s0  }
0xbd: {  	[sflag:s0] =	ssyncadd.remote.s32 $0x1  }
0xbe: {  	_ =	sfence.sel $0xFFFF  }
0xbf: {  	[dreg:$0x0] =	wrdreg $0xFFFFFFFF;
	(pc) =	sbr.abs _section_cstart, $3  }
0xc0: {  	[dreg:$0x1] =	wrdreg $0xFFFFFFFF  }
0xc1: {  	_ =	task.clear_ibuf [dreg:s6], $0x2FFFF;
	_ =	strace $0x9FFFFFFF  }
0xc2: {  	(tm) =	ssettm $0x7FFFFFFF  }
0xc3: {  	_ =	shalt  }
tec
execute0_lowered:
.L_overlay_start_1:
0x0: {  	(tag) =	ssettag $0x1  }
0x1: {  	s0 =	rddreg [dreg:$0x0];
	s8 =	stileid.u32  }
0x2: {  	s2 =	rddreg [dreg:$0x1];
	s4 =	smul.u32 $0x3A, s8  }
0x3: {  	s3 =	simm.s32 $0x0;
	s1 =	srdreg.scid;
	s5 =	smul.u32 $0x63, s8  }
0x4: {  	s20 =	simm.s32 $0x3280;
	[smem:$0x7FF] =	sst s3;
	s21 =	smul.u32 $0x14000, s8  }
0x5: {  	s1 =	sand.u32 $0x1, s1;
	s22 =	smul.u32 $0x50000, s8;
	s8 =	simm.s32 $0x63  }
0x6: {  	p0 =	seq.s32 s1, $0x0;
	s6 =	smul.u32 $0x140000, s1;
	s1 =	ssub.s32 $0x2, s1  }
0x7: {  	_ =	strace $0x80000047;
	s4 =	sadd.s32 $0x630, s4;
	s23 =	sshrl.u32 s1, $0x1  }
0x8: {  	s8 =	simm.s32 @!p0 $0x3A;
	s24 =	sshrl.u32 s22, $0x2;
	s22 =	simm.s32 $0x100  }
0x9: {  	s4 =	smov.u32 @p0 s5;
	s5 =	sadd.s32 s21, s6;
	s1 =	ssub.s32 s1, s23  }
0xa: {  	s26 =	sand.u32 $0x1, s8;
	s21 =	simm.s32 $0x7;
	s23 =	simm.s32 $0x80  }
0xb: {  	s7 =	sshll.u32 s4, $0x4;
	s4 =	sadd.s32 $0x3F600, s0;
	s5 =	sshrl.u32 s5, $0x3  }
0xc: {  	s11 =	sxor.u32 $0x1, s26;
	s10 =	sadd.s32 $0x5, s26;
	s29 =	smax.u32 s1, $0x1  }
0xd: {  	s26 =	simm.s32 $0x1;
	s7 =	sadd.s32 s7, s0;
	s0 =	sadd.s32 s5, s0  }
0xe: {  	s5 =	sadd.s32 s24, s2;
	[dreg:$0x7] =	wrdreg s29;
	s25 =	sadd.s32 $0x3600, s7  }
0xf: {  	s11 =	sadd.s32 $0x5, s11;
	s9 =	sadd.s32 $0xD600, s7;
	[dreg:$0x3] =	wrdreg s25  }
0x10: {  	s24 =	simm.s32 $0x4;
	s28 =	sadd.s32 $0xD610, s7;
	[dreg:$0x4] =	wrdreg s9  }
0x11: {  	s0 =	sadd.s32 $0x67600, s0;
	s30 =	sadd.s32 $0x4000, s5;
	[dreg:$0x5] =	wrdreg s28  }
0x12: {  	s31 =	sadd.s32 $0x8000, s5;
	s16 =	sadd.s32 $0xC000, s5;
	[dreg:$0x6] =	wrdreg s0  }
0x13: {  	s17 =	sadd.s32 $0x10000, s5;
	s18 =	sadd.s32 $0xD620, s7;
	[dreg:$0x8] =	wrdreg s30  }
0x14: {  	v0 =	vimm.f32 $0.0e+00;
	s7 =	sadd.s32 $0xD630, s7;
	s9 =	sadd.s32 $0xFFFFFFFE, s8;
	[dreg:$0x9] =	wrdreg s31  }
.LBB2_1:
0x15: {  	s0 =	simm.s32 $0x0;
	s1 =	simm.s32 $0x200  }
.LBB2_2:
0x16: {  	p0 =	sne.s32 s1, $0xFE00;
	[tilespmem:s0+$0x32F0] =	vst v0  }
0x17: {  	[tilespmem:s0+$0x3280] =	vst v0  }
0x18: {  	[tilespmem:s0+$0x3290] =	vst v0  }
.Ltmp0:
0x19: {  	[tilespmem:s0+$0x32A0] =	vst v0;
	(pc) =	sbr.rel @p0 .LBB2_2-.Ltmp0, $4  }
0x1a: {  	[tilespmem:s0+$0x32B0] =	vst v0  }
0x1b: {  	[tilespmem:s0+$0x32C0] =	vst v0  }
0x1c: {  	[tilespmem:s0+$0x32D0] =	vst v0  }
0x1d: {  	[tilespmem:s0+$0x32E0] =	vst v0;
	s0 =	sshra.s32 s1, $0x2;
	s1 =	sadd.s32 $0x200, s1  }
0x1e: {  	[tilespmem:s0+$0x32F0] =	vst v0  }
0x1f: {  	[tilespmem:s0+$0x3280] =	vst v0  }
0x20: {  	[tilespmem:s0+$0x3290] =	vst v0  }
0x21: {  	[tilespmem:s0+$0x32A0] =	vst v0  }
0x22: {  	[tilespmem:s0+$0x32B0] =	vst v0  }
0x23: {  	[tilespmem:s0+$0x32C0] =	vst v0  }
0x24: {  	[tilespmem:s0+$0x32D0] =	vst v0  }
0x25: {  	[tilespmem:s0+$0x32E0] =	vst v0  }
0x26: {  	[spmem:s5] =	stream.linear.scatter [tilespmem:s20], [sflag:$0x7], $0x4000, $0x38;
	[tilespmem:$0x1F280] =	vst v63  }
0x27: {  	_ =	swait.ge [sflag:s21], $0x4000  }
0x28: {  	[sflag:s21] =	ssyncset.done $0x0  }
0x29: {  	s15 =	rddreg [dreg:$0x8];
	[sflag:s21] =	ssyncadd.s32 $0xFFFFC000  }
0x2a: {  	[spmem:s15] =	stream.linear.scatter [tilespmem:s20], [sflag:$0x7], $0x4000, $0x38;
	[tilespmem:$0x1F280] =	vst v63  }
0x2b: {  	_ =	swait.ge [sflag:s21], $0x4000  }
0x2c: {  	[sflag:s21] =	ssyncset.done $0x0  }
0x2d: {  	s19 =	rddreg [dreg:$0x9];
	[sflag:s21] =	ssyncadd.s32 $0xFFFFC000  }
0x2e: {  	[spmem:s19] =	stream.linear.scatter [tilespmem:s20], [sflag:$0x7], $0x4000, $0x38;
	[tilespmem:$0x1F280] =	vst v63  }
0x2f: {  	_ =	swait.ge [sflag:s21], $0x4000  }
0x30: {  	[sflag:s21] =	ssyncset.done $0x0  }
0x31: {  	[sflag:s21] =	ssyncadd.s32 $0xFFFFC000  }
0x32: {  	[spmem:s16] =	stream.linear.scatter [tilespmem:s20], [sflag:$0x7], $0x4000, $0x38;
	[tilespmem:$0x1F280] =	vst v63  }
0x33: {  	_ =	swait.ge [sflag:s21], $0x4000  }
0x34: {  	[sflag:s21] =	ssyncset.done $0x0  }
0x35: {  	[sflag:s21] =	ssyncadd.s32 $0xFFFFC000  }
0x36: {  	[spmem:s17] =	stream.linear.scatter [tilespmem:s20], [sflag:$0x7], $0x4000, $0x38;
	[tilespmem:$0x1F280] =	vst v63  }
0x37: {  	_ =	swait.ge [sflag:s21], $0x4000  }
0x38: {  	[sflag:s21] =	ssyncset.done $0x0  }
0x39: {  	s25 =	simm.s32 $0x0;
	s1 =	rddreg [dreg:$0x3];
	[sflag:s21] =	ssyncadd.s32 $0xFFFFC000  }
0x3a: {  	[tilespmem:s22], [sflag:$0x7] =	stream.linear.gather [hbm4b:s1+s25], $0x3180, $0x38;
	[tilespmem:$0x1F280] =	vst v63  }
0x3b: {  	_ =	swait.ge [sflag:s21], $0x3180  }
0x3c: {  	[sflag:s21] =	ssyncset.done $0x0  }
0x3d: {  	[sflag:s21] =	ssyncadd.s32 $0xFFFFCE80  }
0x3e: {  	[bflag:$0x0] =	sbarrier.arrive $0xFFFF  }
0x3f: {  	s29 =	rddreg [dreg:$0x4]  }
0x40: {  	[tilespmem:s25], [sflag:$0x7] =	stream.linear.gather [hbm4b:s29+s25], $0x80, $0x38;
	[tilespmem:$0x1F280] =	vst v63  }
0x41: {  	_ =	swait.ge [sflag:s21], $0x80  }
0x42: {  	[sflag:s21] =	ssyncset.done $0x0  }
0x43: {  	[sflag:s21] =	ssyncadd.s32 $0xFFFFFF80  }
0x44: {  	[tilespmem:s20], [sflag:$0x1] =	stream.indirect.gather [hbm4b:s4+s23], $0x80, s25, s23, $0xb8;
	[tilespmem:$0x1F280] =	vst v63  }
0x45: {  	s30 =	rddreg [dreg:$0x5]  }
0x46: {  	[tilespmem:s23], [sflag:$0x4] =	stream.linear.gather [hbm4b:s30+s25], $0x80, $0x38;
	[tilespmem:$0x1F280] =	vst v63  }
0x47: {  	_ =	swait.ge [sflag:s24], $0x80  }
0x48: {  	[sflag:s24] =	ssyncset.done $0x0  }
0x49: {  	s31 =	simm.s32 $0x7280;
	[sflag:s24] =	ssyncadd.s32 $0xFFFFFF80  }
0x4a: {  	[tilespmem:s31], [sflag:$0x2] =	stream.indirect.gather [hbm4b:s4+s23], $0x80, s23, s23, $0xb8;
	[tilespmem:$0x1F280] =	vst v63  }
0x4b: {  	p1 =	sne.s32 s9, $0x1;
	_ =	swait.ge [sflag:s26], $0x4000  }
.Ltmp1:
0x4c: {  	[sflag:s26] =	ssyncset.done $0x0;
	(pc) =	sbr.rel @!p1 .LBB2_4-.Ltmp1, $4  }
0x4d: {  	s28 =	simm.s32 $0x180;
	[sflag:s26] =	ssyncadd.s32 $0xFFFFC000  }
0x4e: {  	[tilespmem:s25], [sflag:$0x3] =	stream.linear.gather [hbm4b:s18+s25], $0x80, $0x38;
	[tilespmem:$0x1F280] =	vst v63  }
0x4f: {  	s0 =	simm.s32 $0x1;
	s12 =	simm.s32 $0x2;
	p0 =	por $0x0, $0x0  }
0x50: {  	[spmem:s2] =	stream.indirect.scatter.add.f32 [tilespmem:s20], [sflag:$0x5], $0x80, s22, s23, $0xb8;
	[tilespmem:$0x1F280] =	vst v63  }
0x51: {  	s6 =	sand.u32 $0x1, s12;
	s30 =	simm.s32 $0x2  }
0x52: {  	p2 =	sne.s32 s9, $0x2;
	s31 =	simm.s32 $0x200;
	s1 =	sadd.s32 $0x5, s6  }
0x53: {  	s29 =	sadd.s32 $0x10, s7;
	p1 =	sle.u32 s9, $0x1;
	_ =	swait.ge [sflag:s1], $0x4000  }
0x54: {  	p0 =	por $0x1, $0x1;
	s8 =	sshll.u32 s6, $0xE;
	[sflag:s1] =	ssyncset.done $0x0  }
0x55: {  	s12 =	sadd.s32 $0x3, s6;
	s19 =	sadd.s32 $0x1, s6;
	[sflag:s1] =	ssyncadd.s32 $0xFFFFC000  }
0x56: {  	s6 =	sshll.u32 s6, $0x7;
	s8 =	sor.u32 $0x3280, s8;
	_ =	swait.ge [sflag:s12], $0x80  }
.Ltmp2:
0x57: {  	s1 =	sand.u32 $0x1, s0;
	[sflag:s12] =	ssyncset.done $0x0;
	(pc) =	sbr.rel @!p2 .LBB2_6-.Ltmp2, $4  }
0x58: {  	s25 =	sadd.s32 $0x1, s1;
	s13 =	sshll.u32 @!p1 s1, $0x7;
	[sflag:s12] =	ssyncadd.s32 $0xFFFFFF80  }
0x59: {  	[tilespmem:s8], [sflag:s19] =	stream.indirect.gather [hbm4b:s4+s23], $0x80, s6, s23, $0xb8;
	[tilespmem:$0x1F280] =	vst v63  }
0x5a: {  	s12 =	simm.s32 $0x3;
	s6 =	sshll.u32 s1, $0xE;
	_ =	swait.ge [sflag:s25], $0x4000  }
0x5b: {  	s8 =	sadd.s32 $0x5, s1;
	s19 =	smov.u32 s7;
	[sflag:s25] =	ssyncset.done $0x0  }
.LBB2_7:
0x5c: {  	s0 =	sadd.s32 @!p1 $0x3, s1;
	s1 =	simm.s32 @!p1 $0x0  }
0x5d: {  	s14 =	smov.u32 s30;
	s15 =	smov.u32 s30;
	s30 =	sadd.s32 $0x1, s30  }
0x5e: {  	s12 =	sand.u32 $0x1, s12;
	p2 =	sne.s32 s9, s30;
	[sflag:s25] =	ssyncadd.s32 $0xFFFFC000  }
0x5f: {  	[tilespmem:s13], [sflag:s0] =	stream.linear.gather @!p1 [hbm4b:s19+s1], $0x80, $0x38;
	[tilespmem:$0x1F280] =	vst v63  }
0x60: {  	s0 =	sadd.s32 $0x5, s12;
	s13 =	sshll.u32 s12, $0xE;
	s1 =	sor.u32 $0x3280, s6  }
0x61: {  	[spmem:s2] =	stream.indirect.scatter.add.f32 [tilespmem:s1], [sflag:s8], $0x80, s28, s23, $0xb8;
	[tilespmem:$0x1F280] =	vst v63  }
0x62: {  	s19 =	smov.u32 s29;
	s28 =	smov.u32 s31;
	_ =	swait.ge [sflag:s0], $0x4000  }
0x63: {  	s1 =	sand.u32 $0x1, s14;
	s31 =	sadd.s32 $0x80, s31;
	[sflag:s0] =	ssyncset.done $0x0  }
0x64: {  	s25 =	sadd.s32 $0x1, s1;
	[sflag:s0] =	ssyncadd.s32 $0xFFFFC000;
	s0 =	sadd.s32 $0x3, s12  }
0x65: {  	s29 =	sadd.s32 $0x10, s29;
	s6 =	sshll.u32 s1, $0xE;
	_ =	swait.ge [sflag:s0], $0x80  }
.Ltmp3:
0x66: {  	s8 =	sadd.s32 $0x1, s12;
	[sflag:s0] =	ssyncset.done $0x0;
	(pc) =	sbr.rel @p2 .LBB2_7-.Ltmp3, $4  }
0x67: {  	s12 =	sshll.u32 s12, $0x7;
	[sflag:s0] =	ssyncadd.s32 $0xFFFFFF80;
	s0 =	sor.u32 $0x3280, s13  }
0x68: {  	[tilespmem:s0], [sflag:s8] =	stream.indirect.gather [hbm4b:s4+s23], $0x80, s12, s23, $0xb8;
	[tilespmem:$0x1F280] =	vst v63  }
0x69: {  	p1 =	sge.u32 s14, s9;
	s8 =	sadd.s32 $0x5, s1;
	_ =	swait.ge [sflag:s25], $0x4000  }
0x6a: {  	s13 =	sshll.u32 @!p1 s1, $0x7;
	s12 =	sadd.s32 $0x2, s15;
	[sflag:s25] =	ssyncset.done $0x0  }
0x6b: {  	s14 =	smov.u32 s28;
	s0 =	smov.u32 s30;
	s28 =	smov.u32 s31  }
.LBB2_9:
0x6c: {  	p1 =	por p1, !p0;
	s12 =	sand.u32 $0x1, s12  }
0x6d: {  	[sflag:s25] =	ssyncadd.s32 @p0 $0xFFFFC000;
	s1 =	sadd.s32 @!p1 $0x3, s1;
	s15 =	simm.s32 @!p1 $0x0  }
0x6e: {  	[tilespmem:s13], [sflag:s1] =	stream.linear.gather @!p1 [hbm4b:s19+s15], $0x80, $0x38;
	[tilespmem:$0x1F280] =	vst v63  }
0x6f: {  	s6 =	sor.u32 @p0 $0x3280, s6;
	s1 =	sadd.s32 $0x5, s12  }
0x70: {  	[spmem:s2] =	stream.indirect.scatter.add.f32 @p0 [tilespmem:s6], [sflag:s8], $0x80, s14, s23, $0xb8;
	[tilespmem:$0x1F280] =	vst v63  }
0x71: {  	_ =	swait.ge [sflag:s1], $0x4000  }
0x72: {  	[sflag:s1] =	ssyncset.done $0x0  }
0x73: {  	s6 =	sadd.s32 $0x3, s12;
	[sflag:s1] =	ssyncadd.s32 $0xFFFFC000  }
0x74: {  	s30 =	sshll.u32 s12, $0xE;
	s13 =	sand.u32 $0x1, s0;
	_ =	swait.ge [sflag:s6], $0x80  }
0x75: {  	s15 =	sadd.s32 $0x1, s12;
	s14 =	sadd.s32 $0x1, s13;
	[sflag:s6] =	ssyncset.done $0x0  }
0x76: {  	s12 =	sshll.u32 s12, $0x7;
	s8 =	sor.u32 $0x3280, s30;
	[sflag:s6] =	ssyncadd.s32 $0xFFFFFF80  }
0x77: {  	[tilespmem:s8], [sflag:s15] =	stream.indirect.gather [hbm4b:s4+s23], $0x80, s12, s23, $0xb8;
	[tilespmem:$0x1F280] =	vst v63  }
0x78: {  	p0 =	sge.u32 s0, s9;
	_ =	swait.ge [sflag:s14], $0x4000  }
0x79: {  	s31 =	sshll.u32 s13, $0xE;
	s19 =	sshll.u32 @!p0 s13, $0x7;
	[sflag:s14] =	ssyncset.done $0x0  }
0x7a: {  	s25 =	sadd.s32 @!p0 $0x3, s13;
	s30 =	simm.s32 @!p0 $0x0;
	[sflag:s14] =	ssyncadd.s32 $0xFFFFC000  }
0x7b: {  	[tilespmem:s19], [sflag:s25] =	stream.linear.gather @!p0 [hbm4b:s29+s30], $0x80, $0x38;
	[tilespmem:$0x1F280] =	vst v63  }
0x7c: {  	s13 =	sadd.s32 $0x5, s13;
	s30 =	sor.u32 $0x3280, s31  }
0x7d: {  	[spmem:s2] =	stream.indirect.scatter.add.f32 [tilespmem:s30], [sflag:s13], $0x80, s28, s23, $0xb8;
	[tilespmem:$0x1F280] =	vst v63  }
0x7e: {  	_ =	swait.ge @!p0 [sflag:s13], $0x4000  }
0x7f: {  	[sflag:s13] =	ssyncset.done @!p0 $0x0  }
0x80: {  	[sflag:s13] =	ssyncadd.s32 @!p0 $0xFFFFC000  }
0x81: {  	_ =	swait.ge @!p0 [sflag:s25], $0x80  }
0x82: {  	[sflag:s25] =	ssyncset.done @!p0 $0x0  }
0x83: {  	s13 =	simm.s32 @!p0 $0x80;
	[sflag:s25] =	ssyncadd.s32 @!p0 $0xFFFFFF80  }
0x84: {  	[tilespmem:s30], [sflag:s14] =	stream.indirect.gather @!p0 [hbm4b:s4+s13], $0x80, s19, s13, $0xb8;
	[tilespmem:$0x1F280] =	vst v63  }
0x85: {  	s19 =	sadd.s32 $0x1, s0;
	_ =	swait.ge [sflag:s15], $0x4000  }
0x86: {  	p0 =	sge.u32 s19, s9;
	[sflag:s15] =	ssyncset.done $0x0  }
0x87: {  	s0 =	sadd.s32 $0x10, s29;
	s13 =	simm.s32 @!p0 $0x0;
	[sflag:s15] =	ssyncadd.s32 $0xFFFFC000  }
0x88: {  	[tilespmem:s12], [sflag:s6] =	stream.linear.gather @!p0 [hbm4b:s0+s13], $0x80, $0x38;
	[tilespmem:$0x1F280] =	vst v63  }
0x89: {  	s25 =	sadd.s32 $0x80, s28  }
0x8a: {  	[spmem:s2] =	stream.indirect.scatter.add.f32 [tilespmem:s8], [sflag:s1], $0x80, s25, s23, $0xb8;
	[tilespmem:$0x1F280] =	vst v63  }
0x8b: {  	_ =	swait.ge [sflag:s10], $0x4000  }
0x8c: {  	[sflag:s10] =	ssyncset.done $0x0  }
0x8d: {  	[sflag:s10] =	ssyncadd.s32 $0xFFFFC000  }
0x8e: {  	_ =	swait.ge [sflag:s11], $0x4000  }
0x8f: {  	[sflag:s11] =	ssyncset.done $0x0  }
0x90: {  	s28 =	stileid.u32;
	[sflag:s11] =	ssyncadd.s32 $0xFFFFC000  }
0x91: {  	s0 =	sshll.u32 s28, $0x6;
	[bflag:$0x0] =	sbarrier.arrive $0xFFFF  }
0x92: {  	s29 =	sshrl.u32 s5, $0x3;
	s0 =	sor.u32 $0x1C07, s0;
	s30 =	rddreg [dreg:$0x6]  }
0x93: {  	[hbm:s30], [sflag:s0] =	dma.local [spmem:s29], $0x2800  }
0x94: {  	_ =	swait.ge [sflag:s21], $0x2800  }
0x95: {  	s3 =	sadd.s32 $0x1, s3;
	s31 =	rddreg [dreg:$0x7]  }
0x96: {  	p0 =	sne.s32 s3, s31  }
.Ltmp4:
0x97: {  	_ = 	snop;
	(pc) =	sbr.rel @p0 .LBB2_1-.Ltmp4, $4  }
.Ltmp5:
0x98: {  	_ = 	snop;
	(pc) =	sbr.rel @!p0 .LBB2_10-.Ltmp5, $4  }
0x99: {  	_ = 	snop  }
0x9a: {  	[sflag:s21] =	ssyncset.done $0x0  }
0x9b: {  	[sflag:s21] =	ssyncadd.s32 $0xFFFFD800  }
0x9c: {  	_ = 	snop  }
.LBB2_4:
.Ltmp6:
0x9d: {  	(pc) =	sbr.rel .LBB2_9-.Ltmp6, $2  }
0x9e: {  	_ =	sdelay $0x2  }
0x9f: {  	s29 =	smov.u32 s7  }
.LBB2_6:
.Ltmp7:
0xa0: {  	(pc) =	sbr.rel .LBB2_9-.Ltmp7, $3  }
0xa1: {  	_ =	sdelay $0x1  }
0xa2: {  	s0 =	simm.s32 $0x2  }
0xa3: {  	s19 =	smov.u32 s7;
	s14 =	simm.s32 $0x180;
	s28 =	simm.s32 $0x200  }
.LBB2_10:
0xa4: {  	_ =	sfence.sel $0x180000  }
0xa5: {  	[bflag:$0x0] =	sbarrier.arrive $0xFFFF  }
0xa6: {  	_ =	strace $0x90000047  }
0xa7: {  	s0 =	stileid.u32;
	[bflag:$0x2] =	sbarrier.arrive $0xFFFF  }
0xa8: {  	p0 =	sne.s32 s0, $0x0;
	s0 =	rddreg [dreg:$0x2]  }
0xa9: {  	s0 =	sadd.s32 @!p0 $0x100000, s0  }
0xaa: {  	[sflag:s0] =	ssyncadd.tile.s32 @!p0 $0x1;
	_ =	shalt  }
.Lfunc_end2:
_tile_overlayer_lowered:
.L_overlay_start_2:
0xab: {  	(tag) =	ssettag $0x2  }
0xac: {  	s0 =	rddreg [dreg:$0x0];
	s2 =	stileid.u32  }
0xad: {  	s1 =	rddreg [dreg:$0x1];
	p0 =	sne.s32 s2, $0x0  }
0xae: {  	s3 =	rddreg [dreg:$0x2];
	[bflag:$0x3] =	sbarrier.arrive $0xFFFF;
	s2 =	simm.s32 @!p0 $0x1C07  }
0xaf: {  	[timem:s3], [sflag:s2] =	dma.local @!p0 [hbm:s0], s1  }
0xb0: {  	s0 =	simm.s32 @!p0 $0x7  }
0xb1: {  	_ =	swait.ge @!p0 [sflag:s0], s1  }
0xb2: {  	s1 =	ssub.s32 @!p0 $0x0, s1;
	[sflag:s0] =	ssyncset.done @!p0 $0x0  }
0xb3: {  	[sflag:s0] =	ssyncadd.s32 @!p0 s1  }
0xb4: {  	[bflag:$0x3] =	sbarrier.arrive $0xFFFF  }
0xb5: {  	_ =	shalt  }

</sc_bundles>
